<compile_context>
chip_gen: v7x
topology: tpu7x:2x2x1
jax: 0.10.2.dev20260603
libtpu: 0.0.44.dev20260713+nightly
codegen_flags: <defaults>
</compile_context>

<pallas_src>
import functools

import jax
import jax.numpy as jnp
from jax import lax
from jax.experimental import pallas as pl
from jax.experimental.pallas import tpu as pltpu
from jax.experimental.pallas import tpu_sc as plsc

B = 4
N = 4096
S = 1024
K = 16
CIN = 32
F = 64
TW = 128
NWORKERS = 32


FSL = 8
FLN = N // FSL


def _fps_body(xs_ref, ys_ref, zs_ref, oi_ref, ox_ref, oy_ref, oz_ref):
    xs = xs_ref[...]
    ys = ys_ref[...]
    zs = zs_ref[...]
    iota = (lax.broadcasted_iota(jnp.int32, (B, FSL, FLN), 1) * FLN
            + lax.broadcasted_iota(jnp.int32, (B, FSL, FLN), 2))
    lane = lax.broadcasted_iota(jnp.int32, (B, 128), 1)

    def inner(i, carry):
        dist, far, bi, bx, by, bz = carry
        lmask = lane == i
        bi = jnp.where(lmask, far[:, :, 0], bi)
        cmask = iota == far
        cx = jnp.sum(jnp.where(cmask, xs, 0.0), axis=(1, 2), keepdims=True)
        cy = jnp.sum(jnp.where(cmask, ys, 0.0), axis=(1, 2), keepdims=True)
        cz = jnp.sum(jnp.where(cmask, zs, 0.0), axis=(1, 2), keepdims=True)
        bx = jnp.where(lmask, cx[:, :, 0], bx)
        by = jnp.where(lmask, cy[:, :, 0], by)
        bz = jnp.where(lmask, cz[:, :, 0], bz)
        dx = xs - cx
        dy = ys - cy
        dz = zs - cz
        d = dx * dx + dy * dy + dz * dz
        dist = jnp.minimum(dist, d)
        mx = jnp.max(dist, axis=(1, 2), keepdims=True)
        far = jnp.min(jnp.where(dist == mx, iota, N), axis=(1, 2),
                      keepdims=True)
        return dist, far, bi, bx, by, bz

    def outer(c, carry):
        dist, far = carry
        zi = jnp.zeros((B, 128), jnp.int32)
        zf = jnp.zeros((B, 128), jnp.float32)
        dist, far, bi, bx, by, bz = lax.fori_loop(
            0, 128, inner, (dist, far, zi, zf, zf, zf), unroll=2)
        off = pl.multiple_of(c * 128, 128)
        oi_ref[:, pl.ds(off, 128)] = bi
        ox_ref[:, pl.ds(off, 128)] = bx
        oy_ref[:, pl.ds(off, 128)] = by
        oz_ref[:, pl.ds(off, 128)] = bz
        return dist, far

    dist0 = jnp.full((B, FSL, FLN), 1e10, jnp.float32)
    far0 = jnp.zeros((B, 1, 1), jnp.int32)
    lax.fori_loop(0, S // 128, outer, (dist0, far0))


def _run_fps(xs, ys, zs):
    return pl.pallas_call(
        _fps_body,
        out_shape=[
            jax.ShapeDtypeStruct((B, S), jnp.int32),
            jax.ShapeDtypeStruct((B, S), jnp.float32),
            jax.ShapeDtypeStruct((B, S), jnp.float32),
            jax.ShapeDtypeStruct((B, S), jnp.float32),
        ],
    )(xs, ys, zs)


QB = 256


NSPLIT = 4


def _knn_body(q_ref, xs_ref, ys_ref, zs_ref, oi_ref):
    qx = q_ref[0, :, 0:1]
    qy = q_ref[0, :, 1:2]
    qz = q_ref[0, :, 2:3]
    px = xs_ref[0]
    py = ys_ref[0]
    pz = zs_ref[0]
    dx = qx - px
    dy = qy - py
    dz = qz - pz
    d = dx * dx + dy * dy + dz * dz
    H = QB // NSPLIT
    iota = lax.broadcasted_iota(jnp.int32, (H, N), 1)
    ds = [d[h * H:(h + 1) * H] for h in range(NSPLIT)]
    for k in range(K):
        for h in range(NSPLIT):
            mv = jnp.min(ds[h], axis=1, keepdims=True)
            ix = jnp.min(jnp.where(ds[h] == mv, iota, N), axis=1,
                         keepdims=True)
            oi_ref[0, h * H:(h + 1) * H, pl.ds(k, 1)] = ix
            ds[h] = jnp.where(iota == ix, jnp.inf, ds[h])


def _run_knn(new_xyz, xs3, ys3, zs3):
    return pl.pallas_call(
        _knn_body,
        grid=(B, S // QB),
        in_specs=[
            pl.BlockSpec((1, QB, 3), lambda b, q: (b, q, 0)),
            pl.BlockSpec((1, 1, N), lambda b, q: (b, 0, 0)),
            pl.BlockSpec((1, 1, N), lambda b, q: (b, 0, 0)),
            pl.BlockSpec((1, 1, N), lambda b, q: (b, 0, 0)),
        ],
        out_specs=pl.BlockSpec((1, QB, K), lambda b, q: (b, q, 0)),
        out_shape=jax.ShapeDtypeStruct((B, S, K), jnp.int32),
    )(new_xyz, xs3, ys3, zs3)


CHR = 256


def _sc_gather(table, knn_idx_flat, fps_idx_flat):
    rows_w = B * S * K // NWORKERS
    srows_w = B * S // NWORKERS
    n_chunk = rows_w // CHR

    mesh = plsc.VectorSubcoreMesh(core_axis_name="c", subcore_axis_name="s")

    @functools.partial(
        pl.kernel,
        out_type=[
            jax.ShapeDtypeStruct((B * S * K, TW), jnp.float32),
            jax.ShapeDtypeStruct((B * S, TW), jnp.float32),
        ],
        mesh=mesh,
        scratch_types=[
            pltpu.VMEM((rows_w,), jnp.int32),
            pltpu.VMEM((2, CHR, TW), jnp.float32),
            pltpu.VMEM((srows_w,), jnp.int32),
            pltpu.VMEM((srows_w, TW), jnp.float32),
            pltpu.SemaphoreType.DMA,
            pltpu.SemaphoreType.DMA,
        ],
    )
    def gather_kernel(table_hbm, kidx_hbm, fidx_hbm, oknn_hbm, osmp_hbm,
                      idx_v, bufs_v, fidx_v, frows_v, sem, fsem):
        wid = lax.axis_index("s") * 2 + lax.axis_index("c")
        base = wid * rows_w
        fbase = wid * srows_w
        pltpu.sync_copy(kidx_hbm.at[pl.ds(base, rows_w)], idx_v)
        pltpu.sync_copy(fidx_hbm.at[pl.ds(fbase, srows_w)], fidx_v)
        fcopy = pltpu.async_copy(table_hbm.at[fidx_v], frows_v, fsem)
        copies = [None] * n_chunk

        def fire(c):
            copies[c] = [pltpu.async_copy(
                table_hbm.at[idx_v.at[pl.ds(c * CHR + j * 128, 128)]],
                bufs_v.at[c % 2, pl.ds(j * 128, 128)], sem)
                for j in range(CHR // 128)]

        def drain(c):
            for cp in copies[c]:
                cp.wait()
            pltpu.sync_copy(bufs_v.at[c % 2],
                            oknn_hbm.at[pl.ds(base + c * CHR, CHR)])

        fire(0)
        for c in range(1, n_chunk):
            fire(c)
            drain(c - 1)
        drain(n_chunk - 1)
        fcopy.wait()
        pltpu.sync_copy(frows_v, osmp_hbm.at[pl.ds(fbase, srows_w)])

    return gather_kernel(table, knn_idx_flat, fps_idx_flat)


QB2 = 256
RB = QB2 * K


NBLK = B * S // QB2


def _dense_body(feat_ref, scat_ref, wq_ref, wk_ref, wv_ref, wd1_ref, bd1_ref,
                wd2_ref, bd2_ref, wg1_ref, bg1_ref, wg2_ref, bg2_ref,
                wl_ref, bl_ref, g_ref, b_ref, oy_ref):
    i = pl.program_id(0)

    @pl.when(i < NBLK)
    def _dense():
        _dense_block(feat_ref, scat_ref, wq_ref, wk_ref, wv_ref, wd1_ref,
                     bd1_ref, wd2_ref, bd2_ref, wg1_ref, bg1_ref, wg2_ref,
                     bg2_ref, wl_ref, bl_ref, oy_ref, i)

    @pl.when(i == NBLK)
    def _bn():
        y = oy_ref[...]
        mean = jnp.mean(y, axis=0, keepdims=True)
        var = jnp.mean((y - mean) ** 2, axis=0, keepdims=True)
        yn = (y - mean) / jnp.sqrt(var + 1e-5) * g_ref[...] + b_ref[...]
        oy_ref[...] = jax.nn.relu(yn)


def _dense_block(feat_ref, scat_ref, wq_ref, wk_ref, wv_ref, wd1_ref, bd1_ref,
                 wd2_ref, bd2_ref, wg1_ref, bg1_ref, wg2_ref, bg2_ref,
                 wl_ref, bl_ref, oy_ref, i):
    feat = feat_ref[...]
    scat = scat_ref[...]
    kxyz = feat[:, 0:3]
    kpts = feat[:, 16:16 + CIN]
    sxyz = scat[:, 0:3]
    spts = scat[:, 16:16 + CIN]

    dot = functools.partial(jnp.dot, preferred_element_type=jnp.float32)
    q = dot(spts, wq_ref[...])
    kk = dot(kpts, wk_ref[...])
    v = dot(kpts, wv_ref[...])
    xyz_norm = (kxyz.reshape(QB2, K, 3) - sxyz.reshape(QB2, 1, 3)).reshape(RB, 3)
    pos = dot(jax.nn.relu(dot(xyz_norm, wd1_ref[...]) + bd1_ref[...]),
              wd2_ref[...]) + bd2_ref[...]
    t = (q.reshape(QB2, 1, F) - kk.reshape(QB2, K, F)
         + pos.reshape(QB2, K, F)).reshape(RB, F)
    att = dot(jax.nn.relu(dot(t, wg1_ref[...]) + bg1_ref[...]),
              wg2_ref[...]) + bg2_ref[...]
    att3 = jax.nn.softmax(att.reshape(QB2, K, F) / 8.0, axis=1)
    res = jnp.sum(att3 * (v + pos).reshape(QB2, K, F), axis=1)
    off = pl.multiple_of(i * QB2, QB2)
    oy_ref[pl.ds(off, QB2), :] = dot(res, wl_ref[...]) + bl_ref[...]


def _run_dense(knn_feat, smp_feat, Wq, Wk, Wv, Wd1, bd1, Wd2, bd2,
               Wg1, bg1, Wg2, bg2, Wl, bl, bn_g, bn_b):
    full = lambda shp: pl.BlockSpec(shp, lambda i: (0,) * len(shp))
    clamp = lambda i: (jnp.minimum(i, NBLK - 1), 0)
    return pl.pallas_call(
        _dense_body,
        grid=(NBLK + 1,),
        in_specs=[
            pl.BlockSpec((RB, TW), clamp),
            pl.BlockSpec((QB2, TW), clamp),
            full((CIN, F)), full((CIN, F)), full((CIN, F)),
            full((3, F)), full((1, F)),
            full((F, F)), full((1, F)),
            full((F, F)), full((1, F)),
            full((F, F)), full((1, F)),
            full((F, F)), full((1, F)),
            full((1, F)), full((1, F)),
        ],
        out_specs=pl.BlockSpec((B * S, F), lambda i: (0, 0)),
        out_shape=jax.ShapeDtypeStruct((B * S, F), jnp.float32),
    )(knn_feat, smp_feat, Wq, Wk, Wv, Wd1, bd1.reshape(1, F),
      Wd2, bd2.reshape(1, F), Wg1, bg1.reshape(1, F), Wg2, bg2.reshape(1, F),
      Wl, bl.reshape(1, F), bn_g.reshape(1, F), bn_b.reshape(1, F))


def kernel(xyz, points, Wq, Wk, Wv, Wd1, bd1, Wd2, bd2, Wg1, bg1, Wg2, bg2,
           Wl, bl, bn_g, bn_b):
    xs = xyz[:, :, 0]
    ys = xyz[:, :, 1]
    zs = xyz[:, :, 2]

    fps_idx, nx, ny, nz = _run_fps(xs.reshape(B, FSL, FLN),
                                   ys.reshape(B, FSL, FLN),
                                   zs.reshape(B, FSL, FLN))
    new_xyz = jnp.stack([nx, ny, nz], axis=-1)

    idx = _run_knn(new_xyz, xs.reshape(B, 1, N), ys.reshape(B, 1, N),
                   zs.reshape(B, 1, N))

    table = jnp.concatenate(
        [xyz.reshape(B * N, 3),
         jnp.zeros((B * N, 13), jnp.float32),
         points.reshape(B * N, CIN),
         jnp.zeros((B * N, TW - 16 - CIN), jnp.float32)], axis=1)
    boff = (jnp.arange(B, dtype=jnp.int32) * N)
    knn_flat = (idx + boff[:, None, None]).reshape(-1)
    fps_flat = (fps_idx + boff[:, None]).reshape(-1)

    knn_feat, smp_feat = _sc_gather(table, knn_flat, fps_flat)

    y = _run_dense(knn_feat, smp_feat, Wq, Wk, Wv, Wd1, bd1, Wd2, bd2,
                   Wg1, bg1, Wg2, bg2, Wl, bl, bn_g, bn_b)
    return (new_xyz, y.reshape(B, S, F))

# --- scband reference (transcript-rebuilt; emitter-appended) ---
"""Pipeline reference for scband-transition-down-27436251087201 (READ-ONLY COPY).

The authoritative reference and input builder live on the scoring server;
editing this copy changes nothing except your own understanding.
"""

import jax, jax.numpy as jnp
import numpy as np

NPOINT = 1024
NSAMPLE = 16
IN_DIM = 32
OUT_DIM = 64


def index_points(points, idx):
    # points: [B, N, C]; idx: [B, S] or [B, S, K]
    return jax.vmap(lambda p, i: p[i])(points, idx)


def farthest_point_sample(xyz, npoint):
    B, N, _ = xyz.shape

    def body(i, state):
        centroids, distance, farthest = state
        centroids = centroids.at[:, i].set(farthest)
        centroid = jnp.take_along_axis(xyz, farthest[:, None, None].astype(jnp.int32), axis=1)  # [B,1,3]
        dist = jnp.sum((xyz - centroid) ** 2, axis=-1)
        distance = jnp.minimum(distance, dist)
        farthest = jnp.argmax(distance, axis=-1).astype(jnp.int32)
        return (centroids, distance, farthest)

    centroids = jnp.zeros((B, npoint), dtype=jnp.int32)
    distance = jnp.full((B, N), 1e10, dtype=xyz.dtype)
    farthest = jnp.zeros((B,), dtype=jnp.int32)
    centroids, _, _ = jax.lax.fori_loop(0, npoint, body, (centroids, distance, farthest))
    return centroids


def setup_inputs(seed: int = 0):
    key = jax.random.key(seed)
    ks = jax.random.split(key, 20)
    B, N = 4, 4096
    xyz = jax.random.uniform(ks[0], (B, N, 3), dtype=jnp.float32)
    points = jax.random.normal(ks[1], (B, N, IN_DIM), dtype=jnp.float32)

    def lin(k, fan_in, fan_out):
        bound = 1.0 / np.sqrt(fan_in)
        return jax.random.uniform(k, (fan_in, fan_out), minval=-bound, maxval=bound, dtype=jnp.float32)

    def bias(k, fan_in, fan_out):
        bound = 1.0 / np.sqrt(fan_in)
        return jax.random.uniform(k, (fan_out,), minval=-bound, maxval=bound, dtype=jnp.float32)

    return {
        'xyz': xyz, 'points': points,
        'Wq': lin(ks[2], IN_DIM, OUT_DIM),
        'Wk': lin(ks[3], IN_DIM, OUT_DIM),
        'Wv': lin(ks[4], IN_DIM, OUT_DIM),
        'Wd1': lin(ks[5], 3, OUT_DIM), 'bd1': bias(ks[6], 3, OUT_DIM),
        'Wd2': lin(ks[7], OUT_DIM, OUT_DIM), 'bd2': bias(ks[8], OUT_DIM, OUT_DIM),
        'Wg1': lin(ks[9], OUT_DIM, OUT_DIM), 'bg1': bias(ks[10], OUT_DIM, OUT_DIM),
        'Wg2': lin(ks[11], OUT_DIM, OUT_DIM), 'bg2': bias(ks[12], OUT_DIM, OUT_DIM),
        'Wl': lin(ks[13], OUT_DIM, OUT_DIM), 'bl': bias(ks[14], OUT_DIM, OUT_DIM),
        'bn_g': jnp.ones((OUT_DIM,), jnp.float32),
        'bn_b': jnp.zeros((OUT_DIM,), jnp.float32),
    }


def reference(xyz, points, Wq, Wk, Wv, Wd1, bd1, Wd2, bd2, Wg1, bg1, Wg2, bg2, Wl, bl, bn_g, bn_b):
    # sample_and_group (knn=True)
    fps_idx = farthest_point_sample(jax.lax.stop_gradient(xyz), NPOINT)  # [B, S], indices non-diff as in torch
    new_xyz = index_points(xyz, fps_idx)  # sampled_xyz [B, S, 3]
    sq = jnp.sum((new_xyz[:, :, None, :] - xyz[:, None, :, :]) ** 2, axis=-1)  # [B, S, N]
    idx = jnp.argsort(sq, axis=-1)[:, :, :NSAMPLE]  # [B, S, K]
    grouped_xyz = index_points(xyz, idx)  # [B, S, K, 3]
    knn_xyz_norm = grouped_xyz - new_xyz[:, :, None, :]
    knn_points = index_points(points, idx)  # [B, S, K, C]
    sampled_points = index_points(points, fps_idx)  # [B, S, C]

    q = sampled_points @ Wq  # [B, S, F]
    k = knn_points @ Wk      # [B, S, K, F]
    v = knn_points @ Wv
    pos_enc = jax.nn.relu(knn_xyz_norm @ Wd1 + bd1) @ Wd2 + bd2  # fc_delta
    att = jax.nn.relu((q[:, :, None, :] - k + pos_enc) @ Wg1 + bg1) @ Wg2 + bg2  # fc_gamma
    att = jax.nn.softmax(att / np.sqrt(OUT_DIM), axis=-2)
    res = jnp.einsum('bmnf,bmnf->bmf', att, v + pos_enc)  # [B, S, F]
    y = res @ Wl + bl
    # BatchNorm1d (training mode, batch stats) applied per channel over (B, S)
    mean = jnp.mean(y, axis=(0, 1), keepdims=True)
    var = jnp.var(y, axis=(0, 1), keepdims=True)
    y = (y - mean) / jnp.sqrt(var + 1e-5) * bn_g + bn_b
    y = jax.nn.relu(y)
    return (new_xyz, y)

if __name__ == "__main__":
    import jax
    _d = setup_inputs()
    print(jax.jit(kernel)(*tuple(_d.values())))

</pallas_src>

<mosaic_0001>
#map = affine_map<(d0, d1) -> (0, 0)>
#map1 = affine_map<(d0, d1) -> (0)>
module attributes {stable_mosaic.version = 14 : i64} {
  func.func @gather_kernel(%arg0: i32, %arg1: i32, %arg2: memref<16384x128xf32, #tpu.memory_space<hbm>>, %arg3: memref<65536xi32, #tpu.memory_space<hbm>>, %arg4: memref<4096xi32, #tpu.memory_space<hbm>>, %arg5: memref<65536x128xf32, #tpu.memory_space<hbm>>, %arg6: memref<4096x128xf32, #tpu.memory_space<hbm>>, %arg7: memref<2048xi32, #tpu.memory_space<vmem>>, %arg8: memref<2x256x128xf32, #tpu.memory_space<vmem>>, %arg9: memref<128xi32, #tpu.memory_space<vmem>>, %arg10: memref<128x128xf32, #tpu.memory_space<vmem>>, %arg11: memref<!tpu.dma_semaphore, #tpu.memory_space<semaphore_mem>>, %arg12: memref<!tpu.dma_semaphore, #tpu.memory_space<semaphore_mem>>) attributes {dimension_semantics = [#tpu.dimension_semantics<core_parallel>, #tpu.dimension_semantics<subcore_parallel>], iteration_bounds = array<i64: 2, 16>, scalar_prefetch = 0 : i64, scratch_operands = 6 : i64, tpu.core_type = #tpu.core_type<sc_vector_subcore>, window_params = [{transform_indices = #map}, {transform_indices = #map1}, {transform_indices = #map1}, {transform_indices = #map}, {transform_indices = #map}]} {
    %mul3A = arith.constant 2 : i32
    %mul3A_0 = arith.muli %arg1, %mul3A : i32
    %add3A = arith.addi %mul3A_0, %arg0 : i32
    %mul3A_1 = arith.constant 2048 : i32
    %mul3A_2 = arith.muli %add3A, %mul3A_1 : i32
    %mul3A_3 = arith.constant 128 : i32
    %mul3A_4 = arith.muli %add3A, %mul3A_3 : i32
    "tpu.region"() ({
      %run_scoped3A_352 = tpu.sem_alloc : memref<!tpu.dma_semaphore, #tpu.memory_space<semaphore_mem>>
      %dma_start3A_353 = tpu.memref_slice %arg3[%mul3A_2] : memref<65536xi32, #tpu.memory_space<hbm>> -> memref<2048xi32, #tpu.memory_space<hbm>>
      %dma_start3A_354 = tpu.memref_slice %arg3[%mul3A_2] : memref<65536xi32, #tpu.memory_space<hbm>> -> memref<2048xi32, #tpu.memory_space<hbm>>
      tpu.enqueue_dma source(%dma_start3A_354 : memref<2048xi32, #tpu.memory_space<hbm>>) target(%arg7 : memref<2048xi32, #tpu.memory_space<vmem>>) target_semaphore(%run_scoped3A_352 : memref<!tpu.dma_semaphore, #tpu.memory_space<semaphore_mem>>)
      %dma_wait3A_355 = tpu.memref_slice %arg3[%mul3A_2] : memref<65536xi32, #tpu.memory_space<hbm>> -> memref<2048xi32, #tpu.memory_space<hbm>>
      %dma_wait3A_356 = tpu.memref_slice %arg3[%mul3A_2] : memref<65536xi32, #tpu.memory_space<hbm>> -> memref<2048xi32, #tpu.memory_space<hbm>>
      tpu.wait_dma2 semaphore(%run_scoped3A_352 : memref<!tpu.dma_semaphore, #tpu.memory_space<semaphore_mem>>) src(%dma_wait3A_356 : memref<2048xi32, #tpu.memory_space<hbm>>) dst(%arg7 : memref<2048xi32, #tpu.memory_space<vmem>>)
      tpu.yield
    }) : () -> ()
    "tpu.region"() ({
      %run_scoped3A_352 = tpu.sem_alloc : memref<!tpu.dma_semaphore, #tpu.memory_space<semaphore_mem>>
      %dma_start3A_353 = tpu.memref_slice %arg4[%mul3A_4] : memref<4096xi32, #tpu.memory_space<hbm>> -> memref<128xi32, #tpu.memory_space<hbm>>
      %dma_start3A_354 = tpu.memref_slice %arg4[%mul3A_4] : memref<4096xi32, #tpu.memory_space<hbm>> -> memref<128xi32, #tpu.memory_space<hbm>>
      tpu.enqueue_dma source(%dma_start3A_354 : memref<128xi32, #tpu.memory_space<hbm>>) target(%arg9 : memref<128xi32, #tpu.memory_space<vmem>>) target_semaphore(%run_scoped3A_352 : memref<!tpu.dma_semaphore, #tpu.memory_space<semaphore_mem>>)
      %dma_wait3A_355 = tpu.memref_slice %arg4[%mul3A_4] : memref<4096xi32, #tpu.memory_space<hbm>> -> memref<128xi32, #tpu.memory_space<hbm>>
      %dma_wait3A_356 = tpu.memref_slice %arg4[%mul3A_4] : memref<4096xi32, #tpu.memory_space<hbm>> -> memref<128xi32, #tpu.memory_space<hbm>>
      tpu.wait_dma2 semaphore(%run_scoped3A_352 : memref<!tpu.dma_semaphore, #tpu.memory_space<semaphore_mem>>) src(%dma_wait3A_356 : memref<128xi32, #tpu.memory_space<hbm>>) dst(%arg9 : memref<128xi32, #tpu.memory_space<vmem>>)
      tpu.yield
    }) : () -> ()
    %dma_start3A = arith.constant 0 : i32
    %dma_start3A_5 = arith.constant 0 : i32
    %dma_start3A_6 = tpu.memref_slice %arg2[%dma_start3A, %dma_start3A_5] : memref<16384x128xf32, #tpu.memory_space<hbm>> -> memref<16384x128xf32, #tpu.memory_space<hbm>>
    tpu.enqueue_indirect_dma source(%dma_start3A_6 : memref<16384x128xf32, #tpu.memory_space<hbm>>) target(%arg10 : memref<128x128xf32, #tpu.memory_space<vmem>>) offsets(%arg9 : memref<128xi32, #tpu.memory_space<vmem>>) semaphore(%arg12 : memref<!tpu.dma_semaphore, #tpu.memory_space<semaphore_mem>>)
    %dma_start3A_7 = arith.constant 0 : i32
    %dma_start3A_8 = arith.constant 0 : i32
    %dma_start3A_9 = arith.constant 0 : i32
    %dma_start3A_10 = tpu.memref_slice %arg8[%dma_start3A_7, %dma_start3A_8, %dma_start3A_9] : memref<2x256x128xf32, #tpu.memory_space<vmem>> -> memref<1x128x128xf32, #tpu.memory_space<vmem>>
    %dma_start3A_11 = tpu.memref_squeeze %dma_start3A_10 : memref<1x128x128xf32, #tpu.memory_space<vmem>> -> memref<128x128xf32, #tpu.memory_space<vmem>>
    %dma_start3A_12 = arith.constant 0 : i32
    %dma_start3A_13 = tpu.memref_slice %arg7[%dma_start3A_12] : memref<2048xi32, #tpu.memory_space<vmem>> -> memref<128xi32, #tpu.memory_space<vmem>>
    %dma_start3A_14 = arith.constant 0 : i32
    %dma_start3A_15 = arith.constant 0 : i32
    %dma_start3A_16 = tpu.memref_slice %arg2[%dma_start3A_14, %dma_start3A_15] : memref<16384x128xf32, #tpu.memory_space<hbm>> -> memref<16384x128xf32, #tpu.memory_space<hbm>>
    tpu.enqueue_indirect_dma source(%dma_start3A_16 : memref<16384x128xf32, #tpu.memory_space<hbm>>) target(%dma_start3A_11 : memref<128x128xf32, #tpu.memory_space<vmem>>) offsets(%dma_start3A_13 : memref<128xi32, #tpu.memory_space<vmem>>) semaphore(%arg11 : memref<!tpu.dma_semaphore, #tpu.memory_space<semaphore_mem>>)
    %dma_start3A_17 = arith.constant 0 : i32
    %dma_start3A_18 = arith.constant 128 : i32
    %dma_start3A_19 = arith.constant 0 : i32
    %dma_start3A_20 = tpu.memref_slice %arg8[%dma_start3A_17, %dma_start3A_18, %dma_start3A_19] : memref<2x256x128xf32, #tpu.memory_space<vmem>> -> memref<1x128x128xf32, #tpu.memory_space<vmem>>
    %dma_start3A_21 = tpu.memref_squeeze %dma_start3A_20 : memref<1x128x128xf32, #tpu.memory_space<vmem>> -> memref<128x128xf32, #tpu.memory_space<vmem>>
    %dma_start3A_22 = arith.constant 128 : i32
    %dma_start3A_23 = tpu.memref_slice %arg7[%dma_start3A_22] : memref<2048xi32, #tpu.memory_space<vmem>> -> memref<128xi32, #tpu.memory_space<vmem>>
    %dma_start3A_24 = arith.constant 0 : i32
    %dma_start3A_25 = arith.constant 0 : i32
    %dma_start3A_26 = tpu.memref_slice %arg2[%dma_start3A_24, %dma_start3A_25] : memref<16384x128xf32, #tpu.memory_space<hbm>> -> memref<16384x128xf32, #tpu.memory_space<hbm>>
    tpu.enqueue_indirect_dma source(%dma_start3A_26 : memref<16384x128xf32, #tpu.memory_space<hbm>>) target(%dma_start3A_21 : memref<128x128xf32, #tpu.memory_space<vmem>>) offsets(%dma_start3A_23 : memref<128xi32, #tpu.memory_space<vmem>>) semaphore(%arg11 : memref<!tpu.dma_semaphore, #tpu.memory_space<semaphore_mem>>)
    %dma_start3A_27 = arith.constant 1 : i32
    %dma_start3A_28 = arith.constant 0 : i32
    %dma_start3A_29 = arith.constant 0 : i32
    %dma_start3A_30 = tpu.memref_slice %arg8[%dma_start3A_27, %dma_start3A_28, %dma_start3A_29] : memref<2x256x128xf32, #tpu.memory_space<vmem>> -> memref<1x128x128xf32, #tpu.memory_space<vmem>>
    %dma_start3A_31 = tpu.memref_squeeze %dma_start3A_30 : memref<1x128x128xf32, #tpu.memory_space<vmem>> -> memref<128x128xf32, #tpu.memory_space<vmem>>
    %dma_start3A_32 = arith.constant 256 : i32
    %dma_start3A_33 = tpu.memref_slice %arg7[%dma_start3A_32] : memref<2048xi32, #tpu.memory_space<vmem>> -> memref<128xi32, #tpu.memory_space<vmem>>
    %dma_start3A_34 = arith.constant 0 : i32
    %dma_start3A_35 = arith.constant 0 : i32
    %dma_start3A_36 = tpu.memref_slice %arg2[%dma_start3A_34, %dma_start3A_35] : memref<16384x128xf32, #tpu.memory_space<hbm>> -> memref<16384x128xf32, #tpu.memory_space<hbm>>
    tpu.enqueue_indirect_dma source(%dma_start3A_36 : memref<16384x128xf32, #tpu.memory_space<hbm>>) target(%dma_start3A_31 : memref<128x128xf32, #tpu.memory_space<vmem>>) offsets(%dma_start3A_33 : memref<128xi32, #tpu.memory_space<vmem>>) semaphore(%arg11 : memref<!tpu.dma_semaphore, #tpu.memory_space<semaphore_mem>>)
    %dma_start3A_37 = arith.constant 1 : i32
    %dma_start3A_38 = arith.constant 128 : i32
    %dma_start3A_39 = arith.constant 0 : i32
    %dma_start3A_40 = tpu.memref_slice %arg8[%dma_start3A_37, %dma_start3A_38, %dma_start3A_39] : memref<2x256x128xf32, #tpu.memory_space<vmem>> -> memref<1x128x128xf32, #tpu.memory_space<vmem>>
    %dma_start3A_41 = tpu.memref_squeeze %dma_start3A_40 : memref<1x128x128xf32, #tpu.memory_space<vmem>> -> memref<128x128xf32, #tpu.memory_space<vmem>>
    %dma_start3A_42 = arith.constant 384 : i32
    %dma_start3A_43 = tpu.memref_slice %arg7[%dma_start3A_42] : memref<2048xi32, #tpu.memory_space<vmem>> -> memref<128xi32, #tpu.memory_space<vmem>>
    %dma_start3A_44 = arith.constant 0 : i32
    %dma_start3A_45 = arith.constant 0 : i32
    %dma_start3A_46 = tpu.memref_slice %arg2[%dma_start3A_44, %dma_start3A_45] : memref<16384x128xf32, #tpu.memory_space<hbm>> -> memref<16384x128xf32, #tpu.memory_space<hbm>>
    tpu.enqueue_indirect_dma source(%dma_start3A_46 : memref<16384x128xf32, #tpu.memory_space<hbm>>) target(%dma_start3A_41 : memref<128x128xf32, #tpu.memory_space<vmem>>) offsets(%dma_start3A_43 : memref<128xi32, #tpu.memory_space<vmem>>) semaphore(%arg11 : memref<!tpu.dma_semaphore, #tpu.memory_space<semaphore_mem>>)
    %dma_wait3A = arith.constant 0 : i32
    %dma_wait3A_47 = arith.constant 0 : i32
    %dma_wait3A_48 = arith.constant 0 : i32
    %dma_wait3A_49 = tpu.memref_slice %arg8[%dma_wait3A, %dma_wait3A_47, %dma_wait3A_48] : memref<2x256x128xf32, #tpu.memory_space<vmem>> -> memref<1x128x128xf32, #tpu.memory_space<vmem>>
    %dma_wait3A_50 = tpu.memref_squeeze %dma_wait3A_49 : memref<1x128x128xf32, #tpu.memory_space<vmem>> -> memref<128x128xf32, #tpu.memory_space<vmem>>
    %dma_wait3A_51 = arith.constant 0 : i32
    %dma_wait3A_52 = tpu.memref_slice %arg7[%dma_wait3A_51] : memref<2048xi32, #tpu.memory_space<vmem>> -> memref<128xi32, #tpu.memory_space<vmem>>
    %dma_wait3A_53 = arith.constant 0 : i32
    %dma_wait3A_54 = arith.constant 0 : i32
    %dma_wait3A_55 = tpu.memref_slice %arg2[%dma_wait3A_53, %dma_wait3A_54] : memref<16384x128xf32, #tpu.memory_space<hbm>> -> memref<16384x128xf32, #tpu.memory_space<hbm>>
    tpu.wait_indirect_dma semaphore(%arg11 : memref<!tpu.dma_semaphore, #tpu.memory_space<semaphore_mem>>) src(%dma_wait3A_55 : memref<16384x128xf32, #tpu.memory_space<hbm>>) dst(%dma_wait3A_50 : memref<128x128xf32, #tpu.memory_space<vmem>>)
    %dma_wait3A_56 = arith.constant 0 : i32
    %dma_wait3A_57 = arith.constant 128 : i32
    %dma_wait3A_58 = arith.constant 0 : i32
    %dma_wait3A_59 = tpu.memref_slice %arg8[%dma_wait3A_56, %dma_wait3A_57, %dma_wait3A_58] : memref<2x256x128xf32, #tpu.memory_space<vmem>> -> memref<1x128x128xf32, #tpu.memory_space<vmem>>
    %dma_wait3A_60 = tpu.memref_squeeze %dma_wait3A_59 : memref<1x128x128xf32, #tpu.memory_space<vmem>> -> memref<128x128xf32, #tpu.memory_space<vmem>>
    %dma_wait3A_61 = arith.constant 128 : i32
    %dma_wait3A_62 = tpu.memref_slice %arg7[%dma_wait3A_61] : memref<2048xi32, #tpu.memory_space<vmem>> -> memref<128xi32, #tpu.memory_space<vmem>>
    %dma_wait3A_63 = arith.constant 0 : i32
    %dma_wait3A_64 = arith.constant 0 : i32
    %dma_wait3A_65 = tpu.memref_slice %arg2[%dma_wait3A_63, %dma_wait3A_64] : memref<16384x128xf32, #tpu.memory_space<hbm>> -> memref<16384x128xf32, #tpu.memory_space<hbm>>
    tpu.wait_indirect_dma semaphore(%arg11 : memref<!tpu.dma_semaphore, #tpu.memory_space<semaphore_mem>>) src(%dma_wait3A_65 : memref<16384x128xf32, #tpu.memory_space<hbm>>) dst(%dma_wait3A_60 : memref<128x128xf32, #tpu.memory_space<vmem>>)
    %add3A_66 = arith.constant 0 : i32
    %add3A_67 = arith.addi %mul3A_2, %add3A_66 : i32
    %run_scoped3A = arith.constant 0 : i32
    "tpu.region"() ({
      %run_scoped3A_352 = tpu.sem_alloc : memref<!tpu.dma_semaphore, #tpu.memory_space<semaphore_mem>>
      %dma_start3A_353 = arith.constant 0 : i32
      %dma_start3A_354 = arith.constant 0 : i32
      %dma_start3A_355 = tpu.memref_slice %arg8[%run_scoped3A, %dma_start3A_353, %dma_start3A_354] : memref<2x256x128xf32, #tpu.memory_space<vmem>> -> memref<1x256x128xf32, #tpu.memory_space<vmem>>
      %dma_start3A_356 = tpu.memref_squeeze %dma_start3A_355 : memref<1x256x128xf32, #tpu.memory_space<vmem>> -> memref<256x128xf32, #tpu.memory_space<vmem>>
      %dma_start3A_357 = arith.constant 0 : i32
      %dma_start3A_358 = tpu.memref_slice %arg5[%add3A_67, %dma_start3A_357] : memref<65536x128xf32, #tpu.memory_space<hbm>> -> memref<256x128xf32, #tpu.memory_space<hbm>>
      %dma_start3A_359 = arith.constant 0 : i32
      %dma_start3A_360 = tpu.memref_slice %arg5[%add3A_67, %dma_start3A_359] : memref<65536x128xf32, #tpu.memory_space<hbm>> -> memref<256x128xf32, #tpu.memory_space<hbm>>
      %dma_start3A_361 = arith.constant 0 : i32
      %dma_start3A_362 = arith.constant 0 : i32
      %dma_start3A_363 = tpu.memref_slice %arg8[%run_scoped3A, %dma_start3A_361, %dma_start3A_362] : memref<2x256x128xf32, #tpu.memory_space<vmem>> -> memref<1x256x128xf32, #tpu.memory_space<vmem>>
      %dma_start3A_364 = tpu.memref_squeeze %dma_start3A_363 : memref<1x256x128xf32, #tpu.memory_space<vmem>> -> memref<256x128xf32, #tpu.memory_space<vmem>>
      tpu.enqueue_dma source(%dma_start3A_364 : memref<256x128xf32, #tpu.memory_space<vmem>>) target(%dma_start3A_360 : memref<256x128xf32, #tpu.memory_space<hbm>>) target_semaphore(%run_scoped3A_352 : memref<!tpu.dma_semaphore, #tpu.memory_space<semaphore_mem>>)
      %dma_wait3A_365 = arith.constant 0 : i32
      %dma_wait3A_366 = arith.constant 0 : i32
      %dma_wait3A_367 = tpu.memref_slice %arg8[%run_scoped3A, %dma_wait3A_365, %dma_wait3A_366] : memref<2x256x128xf32, #tpu.memory_space<vmem>> -> memref<1x256x128xf32, #tpu.memory_space<vmem>>
      %dma_wait3A_368 = tpu.memref_squeeze %dma_wait3A_367 : memref<1x256x128xf32, #tpu.memory_space<vmem>> -> memref<256x128xf32, #tpu.memory_space<vmem>>
      %dma_wait3A_369 = arith.constant 0 : i32
      %dma_wait3A_370 = tpu.memref_slice %arg5[%add3A_67, %dma_wait3A_369] : memref<65536x128xf32, #tpu.memory_space<hbm>> -> memref<256x128xf32, #tpu.memory_space<hbm>>
      %dma_wait3A_371 = arith.constant 0 : i32
      %dma_wait3A_372 = tpu.memref_slice %arg5[%add3A_67, %dma_wait3A_371] : memref<65536x128xf32, #tpu.memory_space<hbm>> -> memref<256x128xf32, #tpu.memory_space<hbm>>
      %dma_wait3A_373 = arith.constant 0 : i32
      %dma_wait3A_374 = arith.constant 0 : i32
      %dma_wait3A_375 = tpu.memref_slice %arg8[%run_scoped3A, %dma_wait3A_373, %dma_wait3A_374] : memref<2x256x128xf32, #tpu.memory_space<vmem>> -> memref<1x256x128xf32, #tpu.memory_space<vmem>>
      %dma_wait3A_376 = tpu.memref_squeeze %dma_wait3A_375 : memref<1x256x128xf32, #tpu.memory_space<vmem>> -> memref<256x128xf32, #tpu.memory_space<vmem>>
      tpu.wait_dma2 semaphore(%run_scoped3A_352 : memref<!tpu.dma_semaphore, #tpu.memory_space<semaphore_mem>>) src(%dma_wait3A_376 : memref<256x128xf32, #tpu.memory_space<vmem>>) dst(%dma_wait3A_372 : memref<256x128xf32, #tpu.memory_space<hbm>>)
      tpu.yield
    }) : () -> ()
    %dma_start3A_68 = arith.constant 0 : i32
    %dma_start3A_69 = arith.constant 0 : i32
    %dma_start3A_70 = arith.constant 0 : i32
    %dma_start3A_71 = tpu.memref_slice %arg8[%dma_start3A_68, %dma_start3A_69, %dma_start3A_70] : memref<2x256x128xf32, #tpu.memory_space<vmem>> -> memref<1x128x128xf32, #tpu.memory_space<vmem>>
    %dma_start3A_72 = tpu.memref_squeeze %dma_start3A_71 : memref<1x128x128xf32, #tpu.memory_space<vmem>> -> memref<128x128xf32, #tpu.memory_space<vmem>>
    %dma_start3A_73 = arith.constant 512 : i32
    %dma_start3A_74 = tpu.memref_slice %arg7[%dma_start3A_73] : memref<2048xi32, #tpu.memory_space<vmem>> -> memref<128xi32, #tpu.memory_space<vmem>>
    %dma_start3A_75 = arith.constant 0 : i32
    %dma_start3A_76 = arith.constant 0 : i32
    %dma_start3A_77 = tpu.memref_slice %arg2[%dma_start3A_75, %dma_start3A_76] : memref<16384x128xf32, #tpu.memory_space<hbm>> -> memref<16384x128xf32, #tpu.memory_space<hbm>>
    tpu.enqueue_indirect_dma source(%dma_start3A_77 : memref<16384x128xf32, #tpu.memory_space<hbm>>) target(%dma_start3A_72 : memref<128x128xf32, #tpu.memory_space<vmem>>) offsets(%dma_start3A_74 : memref<128xi32, #tpu.memory_space<vmem>>) semaphore(%arg11 : memref<!tpu.dma_semaphore, #tpu.memory_space<semaphore_mem>>)
    %dma_start3A_78 = arith.constant 0 : i32
    %dma_start3A_79 = arith.constant 128 : i32
    %dma_start3A_80 = arith.constant 0 : i32
    %dma_start3A_81 = tpu.memref_slice %arg8[%dma_start3A_78, %dma_start3A_79, %dma_start3A_80] : memref<2x256x128xf32, #tpu.memory_space<vmem>> -> memref<1x128x128xf32, #tpu.memory_space<vmem>>
    %dma_start3A_82 = tpu.memref_squeeze %dma_start3A_81 : memref<1x128x128xf32, #tpu.memory_space<vmem>> -> memref<128x128xf32, #tpu.memory_space<vmem>>
    %dma_start3A_83 = arith.constant 640 : i32
    %dma_start3A_84 = tpu.memref_slice %arg7[%dma_start3A_83] : memref<2048xi32, #tpu.memory_space<vmem>> -> memref<128xi32, #tpu.memory_space<vmem>>
    %dma_start3A_85 = arith.constant 0 : i32
    %dma_start3A_86 = arith.constant 0 : i32
    %dma_start3A_87 = tpu.memref_slice %arg2[%dma_start3A_85, %dma_start3A_86] : memref<16384x128xf32, #tpu.memory_space<hbm>> -> memref<16384x128xf32, #tpu.memory_space<hbm>>
    tpu.enqueue_indirect_dma source(%dma_start3A_87 : memref<16384x128xf32, #tpu.memory_space<hbm>>) target(%dma_start3A_82 : memref<128x128xf32, #tpu.memory_space<vmem>>) offsets(%dma_start3A_84 : memref<128xi32, #tpu.memory_space<vmem>>) semaphore(%arg11 : memref<!tpu.dma_semaphore, #tpu.memory_space<semaphore_mem>>)
    %dma_wait3A_88 = arith.constant 1 : i32
    %dma_wait3A_89 = arith.constant 0 : i32
    %dma_wait3A_90 = arith.constant 0 : i32
    %dma_wait3A_91 = tpu.memref_slice %arg8[%dma_wait3A_88, %dma_wait3A_89, %dma_wait3A_90] : memref<2x256x128xf32, #tpu.memory_space<vmem>> -> memref<1x128x128xf32, #tpu.memory_space<vmem>>
    %dma_wait3A_92 = tpu.memref_squeeze %dma_wait3A_91 : memref<1x128x128xf32, #tpu.memory_space<vmem>> -> memref<128x128xf32, #tpu.memory_space<vmem>>
    %dma_wait3A_93 = arith.constant 256 : i32
    %dma_wait3A_94 = tpu.memref_slice %arg7[%dma_wait3A_93] : memref<2048xi32, #tpu.memory_space<vmem>> -> memref<128xi32, #tpu.memory_space<vmem>>
    %dma_wait3A_95 = arith.constant 0 : i32
    %dma_wait3A_96 = arith.constant 0 : i32
    %dma_wait3A_97 = tpu.memref_slice %arg2[%dma_wait3A_95, %dma_wait3A_96] : memref<16384x128xf32, #tpu.memory_space<hbm>> -> memref<16384x128xf32, #tpu.memory_space<hbm>>
    tpu.wait_indirect_dma semaphore(%arg11 : memref<!tpu.dma_semaphore, #tpu.memory_space<semaphore_mem>>) src(%dma_wait3A_97 : memref<16384x128xf32, #tpu.memory_space<hbm>>) dst(%dma_wait3A_92 : memref<128x128xf32, #tpu.memory_space<vmem>>)
    %dma_wait3A_98 = arith.constant 1 : i32
    %dma_wait3A_99 = arith.constant 128 : i32
    %dma_wait3A_100 = arith.constant 0 : i32
    %dma_wait3A_101 = tpu.memref_slice %arg8[%dma_wait3A_98, %dma_wait3A_99, %dma_wait3A_100] : memref<2x256x128xf32, #tpu.memory_space<vmem>> -> memref<1x128x128xf32, #tpu.memory_space<vmem>>
    %dma_wait3A_102 = tpu.memref_squeeze %dma_wait3A_101 : memref<1x128x128xf32, #tpu.memory_space<vmem>> -> memref<128x128xf32, #tpu.memory_space<vmem>>
    %dma_wait3A_103 = arith.constant 384 : i32
    %dma_wait3A_104 = tpu.memref_slice %arg7[%dma_wait3A_103] : memref<2048xi32, #tpu.memory_space<vmem>> -> memref<128xi32, #tpu.memory_space<vmem>>
    %dma_wait3A_105 = arith.constant 0 : i32
    %dma_wait3A_106 = arith.constant 0 : i32
    %dma_wait3A_107 = tpu.memref_slice %arg2[%dma_wait3A_105, %dma_wait3A_106] : memref<16384x128xf32, #tpu.memory_space<hbm>> -> memref<16384x128xf32, #tpu.memory_space<hbm>>
    tpu.wait_indirect_dma semaphore(%arg11 : memref<!tpu.dma_semaphore, #tpu.memory_space<semaphore_mem>>) src(%dma_wait3A_107 : memref<16384x128xf32, #tpu.memory_space<hbm>>) dst(%dma_wait3A_102 : memref<128x128xf32, #tpu.memory_space<vmem>>)
    %add3A_108 = arith.constant 256 : i32
    %add3A_109 = arith.addi %mul3A_2, %add3A_108 : i32
    %run_scoped3A_110 = arith.constant 1 : i32
    "tpu.region"() ({
      %run_scoped3A_352 = tpu.sem_alloc : memref<!tpu.dma_semaphore, #tpu.memory_space<semaphore_mem>>
      %dma_start3A_353 = arith.constant 0 : i32
      %dma_start3A_354 = arith.constant 0 : i32
      %dma_start3A_355 = tpu.memref_slice %arg8[%run_scoped3A_110, %dma_start3A_353, %dma_start3A_354] : memref<2x256x128xf32, #tpu.memory_space<vmem>> -> memref<1x256x128xf32, #tpu.memory_space<vmem>>
      %dma_start3A_356 = tpu.memref_squeeze %dma_start3A_355 : memref<1x256x128xf32, #tpu.memory_space<vmem>> -> memref<256x128xf32, #tpu.memory_space<vmem>>
      %dma_start3A_357 = arith.constant 0 : i32
      %dma_start3A_358 = tpu.memref_slice %arg5[%add3A_109, %dma_start3A_357] : memref<65536x128xf32, #tpu.memory_space<hbm>> -> memref<256x128xf32, #tpu.memory_space<hbm>>
      %dma_start3A_359 = arith.constant 0 : i32
      %dma_start3A_360 = tpu.memref_slice %arg5[%add3A_109, %dma_start3A_359] : memref<65536x128xf32, #tpu.memory_space<hbm>> -> memref<256x128xf32, #tpu.memory_space<hbm>>
      %dma_start3A_361 = arith.constant 0 : i32
      %dma_start3A_362 = arith.constant 0 : i32
      %dma_start3A_363 = tpu.memref_slice %arg8[%run_scoped3A_110, %dma_start3A_361, %dma_start3A_362] : memref<2x256x128xf32, #tpu.memory_space<vmem>> -> memref<1x256x128xf32, #tpu.memory_space<vmem>>
      %dma_start3A_364 = tpu.memref_squeeze %dma_start3A_363 : memref<1x256x128xf32, #tpu.memory_space<vmem>> -> memref<256x128xf32, #tpu.memory_space<vmem>>
      tpu.enqueue_dma source(%dma_start3A_364 : memref<256x128xf32, #tpu.memory_space<vmem>>) target(%dma_start3A_360 : memref<256x128xf32, #tpu.memory_space<hbm>>) target_semaphore(%run_scoped3A_352 : memref<!tpu.dma_semaphore, #tpu.memory_space<semaphore_mem>>)
      %dma_wait3A_365 = arith.constant 0 : i32
      %dma_wait3A_366 = arith.constant 0 : i32
      %dma_wait3A_367 = tpu.memref_slice %arg8[%run_scoped3A_110, %dma_wait3A_365, %dma_wait3A_366] : memref<2x256x128xf32, #tpu.memory_space<vmem>> -> memref<1x256x128xf32, #tpu.memory_space<vmem>>
      %dma_wait3A_368 = tpu.memref_squeeze %dma_wait3A_367 : memref<1x256x128xf32, #tpu.memory_space<vmem>> -> memref<256x128xf32, #tpu.memory_space<vmem>>
      %dma_wait3A_369 = arith.constant 0 : i32
      %dma_wait3A_370 = tpu.memref_slice %arg5[%add3A_109, %dma_wait3A_369] : memref<65536x128xf32, #tpu.memory_space<hbm>> -> memref<256x128xf32, #tpu.memory_space<hbm>>
      %dma_wait3A_371 = arith.constant 0 : i32
      %dma_wait3A_372 = tpu.memref_slice %arg5[%add3A_109, %dma_wait3A_371] : memref<65536x128xf32, #tpu.memory_space<hbm>> -> memref<256x128xf32, #tpu.memory_space<hbm>>
      %dma_wait3A_373 = arith.constant 0 : i32
      %dma_wait3A_374 = arith.constant 0 : i32
      %dma_wait3A_375 = tpu.memref_slice %arg8[%run_scoped3A_110, %dma_wait3A_373, %dma_wait3A_374] : memref<2x256x128xf32, #tpu.memory_space<vmem>> -> memref<1x256x128xf32, #tpu.memory_space<vmem>>
      %dma_wait3A_376 = tpu.memref_squeeze %dma_wait3A_375 : memref<1x256x128xf32, #tpu.memory_space<vmem>> -> memref<256x128xf32, #tpu.memory_space<vmem>>
      tpu.wait_dma2 semaphore(%run_scoped3A_352 : memref<!tpu.dma_semaphore, #tpu.memory_space<semaphore_mem>>) src(%dma_wait3A_376 : memref<256x128xf32, #tpu.memory_space<vmem>>) dst(%dma_wait3A_372 : memref<256x128xf32, #tpu.memory_space<hbm>>)
      tpu.yield
    }) : () -> ()
    %dma_start3A_111 = arith.constant 1 : i32
    %dma_start3A_112 = arith.constant 0 : i32
    %dma_start3A_113 = arith.constant 0 : i32
    %dma_start3A_114 = tpu.memref_slice %arg8[%dma_start3A_111, %dma_start3A_112, %dma_start3A_113] : memref<2x256x128xf32, #tpu.memory_space<vmem>> -> memref<1x128x128xf32, #tpu.memory_space<vmem>>
    %dma_start3A_115 = tpu.memref_squeeze %dma_start3A_114 : memref<1x128x128xf32, #tpu.memory_space<vmem>> -> memref<128x128xf32, #tpu.memory_space<vmem>>
    %dma_start3A_116 = arith.constant 768 : i32
    %dma_start3A_117 = tpu.memref_slice %arg7[%dma_start3A_116] : memref<2048xi32, #tpu.memory_space<vmem>> -> memref<128xi32, #tpu.memory_space<vmem>>
    %dma_start3A_118 = arith.constant 0 : i32
    %dma_start3A_119 = arith.constant 0 : i32
    %dma_start3A_120 = tpu.memref_slice %arg2[%dma_start3A_118, %dma_start3A_119] : memref<16384x128xf32, #tpu.memory_space<hbm>> -> memref<16384x128xf32, #tpu.memory_space<hbm>>
    tpu.enqueue_indirect_dma source(%dma_start3A_120 : memref<16384x128xf32, #tpu.memory_space<hbm>>) target(%dma_start3A_115 : memref<128x128xf32, #tpu.memory_space<vmem>>) offsets(%dma_start3A_117 : memref<128xi32, #tpu.memory_space<vmem>>) semaphore(%arg11 : memref<!tpu.dma_semaphore, #tpu.memory_space<semaphore_mem>>)
    %dma_start3A_121 = arith.constant 1 : i32
    %dma_start3A_122 = arith.constant 128 : i32
    %dma_start3A_123 = arith.constant 0 : i32
    %dma_start3A_124 = tpu.memref_slice %arg8[%dma_start3A_121, %dma_start3A_122, %dma_start3A_123] : memref<2x256x128xf32, #tpu.memory_space<vmem>> -> memref<1x128x128xf32, #tpu.memory_space<vmem>>
    %dma_start3A_125 = tpu.memref_squeeze %dma_start3A_124 : memref<1x128x128xf32, #tpu.memory_space<vmem>> -> memref<128x128xf32, #tpu.memory_space<vmem>>
    %dma_start3A_126 = arith.constant 896 : i32
    %dma_start3A_127 = tpu.memref_slice %arg7[%dma_start3A_126] : memref<2048xi32, #tpu.memory_space<vmem>> -> memref<128xi32, #tpu.memory_space<vmem>>
    %dma_start3A_128 = arith.constant 0 : i32
    %dma_start3A_129 = arith.constant 0 : i32
    %dma_start3A_130 = tpu.memref_slice %arg2[%dma_start3A_128, %dma_start3A_129] : memref<16384x128xf32, #tpu.memory_space<hbm>> -> memref<16384x128xf32, #tpu.memory_space<hbm>>
    tpu.enqueue_indirect_dma source(%dma_start3A_130 : memref<16384x128xf32, #tpu.memory_space<hbm>>) target(%dma_start3A_125 : memref<128x128xf32, #tpu.memory_space<vmem>>) offsets(%dma_start3A_127 : memref<128xi32, #tpu.memory_space<vmem>>) semaphore(%arg11 : memref<!tpu.dma_semaphore, #tpu.memory_space<semaphore_mem>>)
    %dma_wait3A_131 = arith.constant 0 : i32
    %dma_wait3A_132 = arith.constant 0 : i32
    %dma_wait3A_133 = arith.constant 0 : i32
    %dma_wait3A_134 = tpu.memref_slice %arg8[%dma_wait3A_131, %dma_wait3A_132, %dma_wait3A_133] : memref<2x256x128xf32, #tpu.memory_space<vmem>> -> memref<1x128x128xf32, #tpu.memory_space<vmem>>
    %dma_wait3A_135 = tpu.memref_squeeze %dma_wait3A_134 : memref<1x128x128xf32, #tpu.memory_space<vmem>> -> memref<128x128xf32, #tpu.memory_space<vmem>>
    %dma_wait3A_136 = arith.constant 512 : i32
    %dma_wait3A_137 = tpu.memref_slice %arg7[%dma_wait3A_136] : memref<2048xi32, #tpu.memory_space<vmem>> -> memref<128xi32, #tpu.memory_space<vmem>>
    %dma_wait3A_138 = arith.constant 0 : i32
    %dma_wait3A_139 = arith.constant 0 : i32
    %dma_wait3A_140 = tpu.memref_slice %arg2[%dma_wait3A_138, %dma_wait3A_139] : memref<16384x128xf32, #tpu.memory_space<hbm>> -> memref<16384x128xf32, #tpu.memory_space<hbm>>
    tpu.wait_indirect_dma semaphore(%arg11 : memref<!tpu.dma_semaphore, #tpu.memory_space<semaphore_mem>>) src(%dma_wait3A_140 : memref<16384x128xf32, #tpu.memory_space<hbm>>) dst(%dma_wait3A_135 : memref<128x128xf32, #tpu.memory_space<vmem>>)
    %dma_wait3A_141 = arith.constant 0 : i32
    %dma_wait3A_142 = arith.constant 128 : i32
    %dma_wait3A_143 = arith.constant 0 : i32
    %dma_wait3A_144 = tpu.memref_slice %arg8[%dma_wait3A_141, %dma_wait3A_142, %dma_wait3A_143] : memref<2x256x128xf32, #tpu.memory_space<vmem>> -> memref<1x128x128xf32, #tpu.memory_space<vmem>>
    %dma_wait3A_145 = tpu.memref_squeeze %dma_wait3A_144 : memref<1x128x128xf32, #tpu.memory_space<vmem>> -> memref<128x128xf32, #tpu.memory_space<vmem>>
    %dma_wait3A_146 = arith.constant 640 : i32
    %dma_wait3A_147 = tpu.memref_slice %arg7[%dma_wait3A_146] : memref<2048xi32, #tpu.memory_space<vmem>> -> memref<128xi32, #tpu.memory_space<vmem>>
    %dma_wait3A_148 = arith.constant 0 : i32
    %dma_wait3A_149 = arith.constant 0 : i32
    %dma_wait3A_150 = tpu.memref_slice %arg2[%dma_wait3A_148, %dma_wait3A_149] : memref<16384x128xf32, #tpu.memory_space<hbm>> -> memref<16384x128xf32, #tpu.memory_space<hbm>>
    tpu.wait_indirect_dma semaphore(%arg11 : memref<!tpu.dma_semaphore, #tpu.memory_space<semaphore_mem>>) src(%dma_wait3A_150 : memref<16384x128xf32, #tpu.memory_space<hbm>>) dst(%dma_wait3A_145 : memref<128x128xf32, #tpu.memory_space<vmem>>)
    %add3A_151 = arith.constant 512 : i32
    %add3A_152 = arith.addi %mul3A_2, %add3A_151 : i32
    %run_scoped3A_153 = arith.constant 0 : i32
    "tpu.region"() ({
      %run_scoped3A_352 = tpu.sem_alloc : memref<!tpu.dma_semaphore, #tpu.memory_space<semaphore_mem>>
      %dma_start3A_353 = arith.constant 0 : i32
      %dma_start3A_354 = arith.constant 0 : i32
      %dma_start3A_355 = tpu.memref_slice %arg8[%run_scoped3A_153, %dma_start3A_353, %dma_start3A_354] : memref<2x256x128xf32, #tpu.memory_space<vmem>> -> memref<1x256x128xf32, #tpu.memory_space<vmem>>
      %dma_start3A_356 = tpu.memref_squeeze %dma_start3A_355 : memref<1x256x128xf32, #tpu.memory_space<vmem>> -> memref<256x128xf32, #tpu.memory_space<vmem>>
      %dma_start3A_357 = arith.constant 0 : i32
      %dma_start3A_358 = tpu.memref_slice %arg5[%add3A_152, %dma_start3A_357] : memref<65536x128xf32, #tpu.memory_space<hbm>> -> memref<256x128xf32, #tpu.memory_space<hbm>>
      %dma_start3A_359 = arith.constant 0 : i32
      %dma_start3A_360 = tpu.memref_slice %arg5[%add3A_152, %dma_start3A_359] : memref<65536x128xf32, #tpu.memory_space<hbm>> -> memref<256x128xf32, #tpu.memory_space<hbm>>
      %dma_start3A_361 = arith.constant 0 : i32
      %dma_start3A_362 = arith.constant 0 : i32
      %dma_start3A_363 = tpu.memref_slice %arg8[%run_scoped3A_153, %dma_start3A_361, %dma_start3A_362] : memref<2x256x128xf32, #tpu.memory_space<vmem>> -> memref<1x256x128xf32, #tpu.memory_space<vmem>>
      %dma_start3A_364 = tpu.memref_squeeze %dma_start3A_363 : memref<1x256x128xf32, #tpu.memory_space<vmem>> -> memref<256x128xf32, #tpu.memory_space<vmem>>
      tpu.enqueue_dma source(%dma_start3A_364 : memref<256x128xf32, #tpu.memory_space<vmem>>) target(%dma_start3A_360 : memref<256x128xf32, #tpu.memory_space<hbm>>) target_semaphore(%run_scoped3A_352 : memref<!tpu.dma_semaphore, #tpu.memory_space<semaphore_mem>>)
      %dma_wait3A_365 = arith.constant 0 : i32
      %dma_wait3A_366 = arith.constant 0 : i32
      %dma_wait3A_367 = tpu.memref_slice %arg8[%run_scoped3A_153, %dma_wait3A_365, %dma_wait3A_366] : memref<2x256x128xf32, #tpu.memory_space<vmem>> -> memref<1x256x128xf32, #tpu.memory_space<vmem>>
      %dma_wait3A_368 = tpu.memref_squeeze %dma_wait3A_367 : memref<1x256x128xf32, #tpu.memory_space<vmem>> -> memref<256x128xf32, #tpu.memory_space<vmem>>
      %dma_wait3A_369 = arith.constant 0 : i32
      %dma_wait3A_370 = tpu.memref_slice %arg5[%add3A_152, %dma_wait3A_369] : memref<65536x128xf32, #tpu.memory_space<hbm>> -> memref<256x128xf32, #tpu.memory_space<hbm>>
      %dma_wait3A_371 = arith.constant 0 : i32
      %dma_wait3A_372 = tpu.memref_slice %arg5[%add3A_152, %dma_wait3A_371] : memref<65536x128xf32, #tpu.memory_space<hbm>> -> memref<256x128xf32, #tpu.memory_space<hbm>>
      %dma_wait3A_373 = arith.constant 0 : i32
      %dma_wait3A_374 = arith.constant 0 : i32
      %dma_wait3A_375 = tpu.memref_slice %arg8[%run_scoped3A_153, %dma_wait3A_373, %dma_wait3A_374] : memref<2x256x128xf32, #tpu.memory_space<vmem>> -> memref<1x256x128xf32, #tpu.memory_space<vmem>>
      %dma_wait3A_376 = tpu.memref_squeeze %dma_wait3A_375 : memref<1x256x128xf32, #tpu.memory_space<vmem>> -> memref<256x128xf32, #tpu.memory_space<vmem>>
      tpu.wait_dma2 semaphore(%run_scoped3A_352 : memref<!tpu.dma_semaphore, #tpu.memory_space<semaphore_mem>>) src(%dma_wait3A_376 : memref<256x128xf32, #tpu.memory_space<vmem>>) dst(%dma_wait3A_372 : memref<256x128xf32, #tpu.memory_space<hbm>>)
      tpu.yield
    }) : () -> ()
    %dma_start3A_154 = arith.constant 0 : i32
    %dma_start3A_155 = arith.constant 0 : i32
    %dma_start3A_156 = arith.constant 0 : i32
    %dma_start3A_157 = tpu.memref_slice %arg8[%dma_start3A_154, %dma_start3A_155, %dma_start3A_156] : memref<2x256x128xf32, #tpu.memory_space<vmem>> -> memref<1x128x128xf32, #tpu.memory_space<vmem>>
    %dma_start3A_158 = tpu.memref_squeeze %dma_start3A_157 : memref<1x128x128xf32, #tpu.memory_space<vmem>> -> memref<128x128xf32, #tpu.memory_space<vmem>>
    %dma_start3A_159 = arith.constant 1024 : i32
    %dma_start3A_160 = tpu.memref_slice %arg7[%dma_start3A_159] : memref<2048xi32, #tpu.memory_space<vmem>> -> memref<128xi32, #tpu.memory_space<vmem>>
    %dma_start3A_161 = arith.constant 0 : i32
    %dma_start3A_162 = arith.constant 0 : i32
    %dma_start3A_163 = tpu.memref_slice %arg2[%dma_start3A_161, %dma_start3A_162] : memref<16384x128xf32, #tpu.memory_space<hbm>> -> memref<16384x128xf32, #tpu.memory_space<hbm>>
    tpu.enqueue_indirect_dma source(%dma_start3A_163 : memref<16384x128xf32, #tpu.memory_space<hbm>>) target(%dma_start3A_158 : memref<128x128xf32, #tpu.memory_space<vmem>>) offsets(%dma_start3A_160 : memref<128xi32, #tpu.memory_space<vmem>>) semaphore(%arg11 : memref<!tpu.dma_semaphore, #tpu.memory_space<semaphore_mem>>)
    %dma_start3A_164 = arith.constant 0 : i32
    %dma_start3A_165 = arith.constant 128 : i32
    %dma_start3A_166 = arith.constant 0 : i32
    %dma_start3A_167 = tpu.memref_slice %arg8[%dma_start3A_164, %dma_start3A_165, %dma_start3A_166] : memref<2x256x128xf32, #tpu.memory_space<vmem>> -> memref<1x128x128xf32, #tpu.memory_space<vmem>>
    %dma_start3A_168 = tpu.memref_squeeze %dma_start3A_167 : memref<1x128x128xf32, #tpu.memory_space<vmem>> -> memref<128x128xf32, #tpu.memory_space<vmem>>
    %dma_start3A_169 = arith.constant 1152 : i32
    %dma_start3A_170 = tpu.memref_slice %arg7[%dma_start3A_169] : memref<2048xi32, #tpu.memory_space<vmem>> -> memref<128xi32, #tpu.memory_space<vmem>>
    %dma_start3A_171 = arith.constant 0 : i32
    %dma_start3A_172 = arith.constant 0 : i32
    %dma_start3A_173 = tpu.memref_slice %arg2[%dma_start3A_171, %dma_start3A_172] : memref<16384x128xf32, #tpu.memory_space<hbm>> -> memref<16384x128xf32, #tpu.memory_space<hbm>>
    tpu.enqueue_indirect_dma source(%dma_start3A_173 : memref<16384x128xf32, #tpu.memory_space<hbm>>) target(%dma_start3A_168 : memref<128x128xf32, #tpu.memory_space<vmem>>) offsets(%dma_start3A_170 : memref<128xi32, #tpu.memory_space<vmem>>) semaphore(%arg11 : memref<!tpu.dma_semaphore, #tpu.memory_space<semaphore_mem>>)
    %dma_wait3A_174 = arith.constant 1 : i32
    %dma_wait3A_175 = arith.constant 0 : i32
    %dma_wait3A_176 = arith.constant 0 : i32
    %dma_wait3A_177 = tpu.memref_slice %arg8[%dma_wait3A_174, %dma_wait3A_175, %dma_wait3A_176] : memref<2x256x128xf32, #tpu.memory_space<vmem>> -> memref<1x128x128xf32, #tpu.memory_space<vmem>>
    %dma_wait3A_178 = tpu.memref_squeeze %dma_wait3A_177 : memref<1x128x128xf32, #tpu.memory_space<vmem>> -> memref<128x128xf32, #tpu.memory_space<vmem>>
    %dma_wait3A_179 = arith.constant 768 : i32
    %dma_wait3A_180 = tpu.memref_slice %arg7[%dma_wait3A_179] : memref<2048xi32, #tpu.memory_space<vmem>> -> memref<128xi32, #tpu.memory_space<vmem>>
    %dma_wait3A_181 = arith.constant 0 : i32
    %dma_wait3A_182 = arith.constant 0 : i32
    %dma_wait3A_183 = tpu.memref_slice %arg2[%dma_wait3A_181, %dma_wait3A_182] : memref<16384x128xf32, #tpu.memory_space<hbm>> -> memref<16384x128xf32, #tpu.memory_space<hbm>>
    tpu.wait_indirect_dma semaphore(%arg11 : memref<!tpu.dma_semaphore, #tpu.memory_space<semaphore_mem>>) src(%dma_wait3A_183 : memref<16384x128xf32, #tpu.memory_space<hbm>>) dst(%dma_wait3A_178 : memref<128x128xf32, #tpu.memory_space<vmem>>)
    %dma_wait3A_184 = arith.constant 1 : i32
    %dma_wait3A_185 = arith.constant 128 : i32
    %dma_wait3A_186 = arith.constant 0 : i32
    %dma_wait3A_187 = tpu.memref_slice %arg8[%dma_wait3A_184, %dma_wait3A_185, %dma_wait3A_186] : memref<2x256x128xf32, #tpu.memory_space<vmem>> -> memref<1x128x128xf32, #tpu.memory_space<vmem>>
    %dma_wait3A_188 = tpu.memref_squeeze %dma_wait3A_187 : memref<1x128x128xf32, #tpu.memory_space<vmem>> -> memref<128x128xf32, #tpu.memory_space<vmem>>
    %dma_wait3A_189 = arith.constant 896 : i32
    %dma_wait3A_190 = tpu.memref_slice %arg7[%dma_wait3A_189] : memref<2048xi32, #tpu.memory_space<vmem>> -> memref<128xi32, #tpu.memory_space<vmem>>
    %dma_wait3A_191 = arith.constant 0 : i32
    %dma_wait3A_192 = arith.constant 0 : i32
    %dma_wait3A_193 = tpu.memref_slice %arg2[%dma_wait3A_191, %dma_wait3A_192] : memref<16384x128xf32, #tpu.memory_space<hbm>> -> memref<16384x128xf32, #tpu.memory_space<hbm>>
    tpu.wait_indirect_dma semaphore(%arg11 : memref<!tpu.dma_semaphore, #tpu.memory_space<semaphore_mem>>) src(%dma_wait3A_193 : memref<16384x128xf32, #tpu.memory_space<hbm>>) dst(%dma_wait3A_188 : memref<128x128xf32, #tpu.memory_space<vmem>>)
    %add3A_194 = arith.constant 768 : i32
    %add3A_195 = arith.addi %mul3A_2, %add3A_194 : i32
    %run_scoped3A_196 = arith.constant 1 : i32
    "tpu.region"() ({
      %run_scoped3A_352 = tpu.sem_alloc : memref<!tpu.dma_semaphore, #tpu.memory_space<semaphore_mem>>
      %dma_start3A_353 = arith.constant 0 : i32
      %dma_start3A_354 = arith.constant 0 : i32
      %dma_start3A_355 = tpu.memref_slice %arg8[%run_scoped3A_196, %dma_start3A_353, %dma_start3A_354] : memref<2x256x128xf32, #tpu.memory_space<vmem>> -> memref<1x256x128xf32, #tpu.memory_space<vmem>>
      %dma_start3A_356 = tpu.memref_squeeze %dma_start3A_355 : memref<1x256x128xf32, #tpu.memory_space<vmem>> -> memref<256x128xf32, #tpu.memory_space<vmem>>
      %dma_start3A_357 = arith.constant 0 : i32
      %dma_start3A_358 = tpu.memref_slice %arg5[%add3A_195, %dma_start3A_357] : memref<65536x128xf32, #tpu.memory_space<hbm>> -> memref<256x128xf32, #tpu.memory_space<hbm>>
      %dma_start3A_359 = arith.constant 0 : i32
      %dma_start3A_360 = tpu.memref_slice %arg5[%add3A_195, %dma_start3A_359] : memref<65536x128xf32, #tpu.memory_space<hbm>> -> memref<256x128xf32, #tpu.memory_space<hbm>>
      %dma_start3A_361 = arith.constant 0 : i32
      %dma_start3A_362 = arith.constant 0 : i32
      %dma_start3A_363 = tpu.memref_slice %arg8[%run_scoped3A_196, %dma_start3A_361, %dma_start3A_362] : memref<2x256x128xf32, #tpu.memory_space<vmem>> -> memref<1x256x128xf32, #tpu.memory_space<vmem>>
      %dma_start3A_364 = tpu.memref_squeeze %dma_start3A_363 : memref<1x256x128xf32, #tpu.memory_space<vmem>> -> memref<256x128xf32, #tpu.memory_space<vmem>>
      tpu.enqueue_dma source(%dma_start3A_364 : memref<256x128xf32, #tpu.memory_space<vmem>>) target(%dma_start3A_360 : memref<256x128xf32, #tpu.memory_space<hbm>>) target_semaphore(%run_scoped3A_352 : memref<!tpu.dma_semaphore, #tpu.memory_space<semaphore_mem>>)
      %dma_wait3A_365 = arith.constant 0 : i32
      %dma_wait3A_366 = arith.constant 0 : i32
      %dma_wait3A_367 = tpu.memref_slice %arg8[%run_scoped3A_196, %dma_wait3A_365, %dma_wait3A_366] : memref<2x256x128xf32, #tpu.memory_space<vmem>> -> memref<1x256x128xf32, #tpu.memory_space<vmem>>
      %dma_wait3A_368 = tpu.memref_squeeze %dma_wait3A_367 : memref<1x256x128xf32, #tpu.memory_space<vmem>> -> memref<256x128xf32, #tpu.memory_space<vmem>>
      %dma_wait3A_369 = arith.constant 0 : i32
      %dma_wait3A_370 = tpu.memref_slice %arg5[%add3A_195, %dma_wait3A_369] : memref<65536x128xf32, #tpu.memory_space<hbm>> -> memref<256x128xf32, #tpu.memory_space<hbm>>
      %dma_wait3A_371 = arith.constant 0 : i32
      %dma_wait3A_372 = tpu.memref_slice %arg5[%add3A_195, %dma_wait3A_371] : memref<65536x128xf32, #tpu.memory_space<hbm>> -> memref<256x128xf32, #tpu.memory_space<hbm>>
      %dma_wait3A_373 = arith.constant 0 : i32
      %dma_wait3A_374 = arith.constant 0 : i32
      %dma_wait3A_375 = tpu.memref_slice %arg8[%run_scoped3A_196, %dma_wait3A_373, %dma_wait3A_374] : memref<2x256x128xf32, #tpu.memory_space<vmem>> -> memref<1x256x128xf32, #tpu.memory_space<vmem>>
      %dma_wait3A_376 = tpu.memref_squeeze %dma_wait3A_375 : memref<1x256x128xf32, #tpu.memory_space<vmem>> -> memref<256x128xf32, #tpu.memory_space<vmem>>
      tpu.wait_dma2 semaphore(%run_scoped3A_352 : memref<!tpu.dma_semaphore, #tpu.memory_space<semaphore_mem>>) src(%dma_wait3A_376 : memref<256x128xf32, #tpu.memory_space<vmem>>) dst(%dma_wait3A_372 : memref<256x128xf32, #tpu.memory_space<hbm>>)
      tpu.yield
    }) : () -> ()
    %dma_start3A_197 = arith.constant 1 : i32
    %dma_start3A_198 = arith.constant 0 : i32
    %dma_start3A_199 = arith.constant 0 : i32
    %dma_start3A_200 = tpu.memref_slice %arg8[%dma_start3A_197, %dma_start3A_198, %dma_start3A_199] : memref<2x256x128xf32, #tpu.memory_space<vmem>> -> memref<1x128x128xf32, #tpu.memory_space<vmem>>
    %dma_start3A_201 = tpu.memref_squeeze %dma_start3A_200 : memref<1x128x128xf32, #tpu.memory_space<vmem>> -> memref<128x128xf32, #tpu.memory_space<vmem>>
    %dma_start3A_202 = arith.constant 1280 : i32
    %dma_start3A_203 = tpu.memref_slice %arg7[%dma_start3A_202] : memref<2048xi32, #tpu.memory_space<vmem>> -> memref<128xi32, #tpu.memory_space<vmem>>
    %dma_start3A_204 = arith.constant 0 : i32
    %dma_start3A_205 = arith.constant 0 : i32
    %dma_start3A_206 = tpu.memref_slice %arg2[%dma_start3A_204, %dma_start3A_205] : memref<16384x128xf32, #tpu.memory_space<hbm>> -> memref<16384x128xf32, #tpu.memory_space<hbm>>
    tpu.enqueue_indirect_dma source(%dma_start3A_206 : memref<16384x128xf32, #tpu.memory_space<hbm>>) target(%dma_start3A_201 : memref<128x128xf32, #tpu.memory_space<vmem>>) offsets(%dma_start3A_203 : memref<128xi32, #tpu.memory_space<vmem>>) semaphore(%arg11 : memref<!tpu.dma_semaphore, #tpu.memory_space<semaphore_mem>>)
    %dma_start3A_207 = arith.constant 1 : i32
    %dma_start3A_208 = arith.constant 128 : i32
    %dma_start3A_209 = arith.constant 0 : i32
    %dma_start3A_210 = tpu.memref_slice %arg8[%dma_start3A_207, %dma_start3A_208, %dma_start3A_209] : memref<2x256x128xf32, #tpu.memory_space<vmem>> -> memref<1x128x128xf32, #tpu.memory_space<vmem>>
    %dma_start3A_211 = tpu.memref_squeeze %dma_start3A_210 : memref<1x128x128xf32, #tpu.memory_space<vmem>> -> memref<128x128xf32, #tpu.memory_space<vmem>>
    %dma_start3A_212 = arith.constant 1408 : i32
    %dma_start3A_213 = tpu.memref_slice %arg7[%dma_start3A_212] : memref<2048xi32, #tpu.memory_space<vmem>> -> memref<128xi32, #tpu.memory_space<vmem>>
    %dma_start3A_214 = arith.constant 0 : i32
    %dma_start3A_215 = arith.constant 0 : i32
    %dma_start3A_216 = tpu.memref_slice %arg2[%dma_start3A_214, %dma_start3A_215] : memref<16384x128xf32, #tpu.memory_space<hbm>> -> memref<16384x128xf32, #tpu.memory_space<hbm>>
    tpu.enqueue_indirect_dma source(%dma_start3A_216 : memref<16384x128xf32, #tpu.memory_space<hbm>>) target(%dma_start3A_211 : memref<128x128xf32, #tpu.memory_space<vmem>>) offsets(%dma_start3A_213 : memref<128xi32, #tpu.memory_space<vmem>>) semaphore(%arg11 : memref<!tpu.dma_semaphore, #tpu.memory_space<semaphore_mem>>)
    %dma_wait3A_217 = arith.constant 0 : i32
    %dma_wait3A_218 = arith.constant 0 : i32
    %dma_wait3A_219 = arith.constant 0 : i32
    %dma_wait3A_220 = tpu.memref_slice %arg8[%dma_wait3A_217, %dma_wait3A_218, %dma_wait3A_219] : memref<2x256x128xf32, #tpu.memory_space<vmem>> -> memref<1x128x128xf32, #tpu.memory_space<vmem>>
    %dma_wait3A_221 = tpu.memref_squeeze %dma_wait3A_220 : memref<1x128x128xf32, #tpu.memory_space<vmem>> -> memref<128x128xf32, #tpu.memory_space<vmem>>
    %dma_wait3A_222 = arith.constant 1024 : i32
    %dma_wait3A_223 = tpu.memref_slice %arg7[%dma_wait3A_222] : memref<2048xi32, #tpu.memory_space<vmem>> -> memref<128xi32, #tpu.memory_space<vmem>>
    %dma_wait3A_224 = arith.constant 0 : i32
    %dma_wait3A_225 = arith.constant 0 : i32
    %dma_wait3A_226 = tpu.memref_slice %arg2[%dma_wait3A_224, %dma_wait3A_225] : memref<16384x128xf32, #tpu.memory_space<hbm>> -> memref<16384x128xf32, #tpu.memory_space<hbm>>
    tpu.wait_indirect_dma semaphore(%arg11 : memref<!tpu.dma_semaphore, #tpu.memory_space<semaphore_mem>>) src(%dma_wait3A_226 : memref<16384x128xf32, #tpu.memory_space<hbm>>) dst(%dma_wait3A_221 : memref<128x128xf32, #tpu.memory_space<vmem>>)
    %dma_wait3A_227 = arith.constant 0 : i32
    %dma_wait3A_228 = arith.constant 128 : i32
    %dma_wait3A_229 = arith.constant 0 : i32
    %dma_wait3A_230 = tpu.memref_slice %arg8[%dma_wait3A_227, %dma_wait3A_228, %dma_wait3A_229] : memref<2x256x128xf32, #tpu.memory_space<vmem>> -> memref<1x128x128xf32, #tpu.memory_space<vmem>>
    %dma_wait3A_231 = tpu.memref_squeeze %dma_wait3A_230 : memref<1x128x128xf32, #tpu.memory_space<vmem>> -> memref<128x128xf32, #tpu.memory_space<vmem>>
    %dma_wait3A_232 = arith.constant 1152 : i32
    %dma_wait3A_233 = tpu.memref_slice %arg7[%dma_wait3A_232] : memref<2048xi32, #tpu.memory_space<vmem>> -> memref<128xi32, #tpu.memory_space<vmem>>
    %dma_wait3A_234 = arith.constant 0 : i32
    %dma_wait3A_235 = arith.constant 0 : i32
    %dma_wait3A_236 = tpu.memref_slice %arg2[%dma_wait3A_234, %dma_wait3A_235] : memref<16384x128xf32, #tpu.memory_space<hbm>> -> memref<16384x128xf32, #tpu.memory_space<hbm>>
    tpu.wait_indirect_dma semaphore(%arg11 : memref<!tpu.dma_semaphore, #tpu.memory_space<semaphore_mem>>) src(%dma_wait3A_236 : memref<16384x128xf32, #tpu.memory_space<hbm>>) dst(%dma_wait3A_231 : memref<128x128xf32, #tpu.memory_space<vmem>>)
    %add3A_237 = arith.constant 1024 : i32
    %add3A_238 = arith.addi %mul3A_2, %add3A_237 : i32
    %run_scoped3A_239 = arith.constant 0 : i32
    "tpu.region"() ({
      %run_scoped3A_352 = tpu.sem_alloc : memref<!tpu.dma_semaphore, #tpu.memory_space<semaphore_mem>>
      %dma_start3A_353 = arith.constant 0 : i32
      %dma_start3A_354 = arith.constant 0 : i32
      %dma_start3A_355 = tpu.memref_slice %arg8[%run_scoped3A_239, %dma_start3A_353, %dma_start3A_354] : memref<2x256x128xf32, #tpu.memory_space<vmem>> -> memref<1x256x128xf32, #tpu.memory_space<vmem>>
      %dma_start3A_356 = tpu.memref_squeeze %dma_start3A_355 : memref<1x256x128xf32, #tpu.memory_space<vmem>> -> memref<256x128xf32, #tpu.memory_space<vmem>>
      %dma_start3A_357 = arith.constant 0 : i32
      %dma_start3A_358 = tpu.memref_slice %arg5[%add3A_238, %dma_start3A_357] : memref<65536x128xf32, #tpu.memory_space<hbm>> -> memref<256x128xf32, #tpu.memory_space<hbm>>
      %dma_start3A_359 = arith.constant 0 : i32
      %dma_start3A_360 = tpu.memref_slice %arg5[%add3A_238, %dma_start3A_359] : memref<65536x128xf32, #tpu.memory_space<hbm>> -> memref<256x128xf32, #tpu.memory_space<hbm>>
      %dma_start3A_361 = arith.constant 0 : i32
      %dma_start3A_362 = arith.constant 0 : i32
      %dma_start3A_363 = tpu.memref_slice %arg8[%run_scoped3A_239, %dma_start3A_361, %dma_start3A_362] : memref<2x256x128xf32, #tpu.memory_space<vmem>> -> memref<1x256x128xf32, #tpu.memory_space<vmem>>
      %dma_start3A_364 = tpu.memref_squeeze %dma_start3A_363 : memref<1x256x128xf32, #tpu.memory_space<vmem>> -> memref<256x128xf32, #tpu.memory_space<vmem>>
      tpu.enqueue_dma source(%dma_start3A_364 : memref<256x128xf32, #tpu.memory_space<vmem>>) target(%dma_start3A_360 : memref<256x128xf32, #tpu.memory_space<hbm>>) target_semaphore(%run_scoped3A_352 : memref<!tpu.dma_semaphore, #tpu.memory_space<semaphore_mem>>)
      %dma_wait3A_365 = arith.constant 0 : i32
      %dma_wait3A_366 = arith.constant 0 : i32
      %dma_wait3A_367 = tpu.memref_slice %arg8[%run_scoped3A_239, %dma_wait3A_365, %dma_wait3A_366] : memref<2x256x128xf32, #tpu.memory_space<vmem>> -> memref<1x256x128xf32, #tpu.memory_space<vmem>>
      %dma_wait3A_368 = tpu.memref_squeeze %dma_wait3A_367 : memref<1x256x128xf32, #tpu.memory_space<vmem>> -> memref<256x128xf32, #tpu.memory_space<vmem>>
      %dma_wait3A_369 = arith.constant 0 : i32
      %dma_wait3A_370 = tpu.memref_slice %arg5[%add3A_238, %dma_wait3A_369] : memref<65536x128xf32, #tpu.memory_space<hbm>> -> memref<256x128xf32, #tpu.memory_space<hbm>>
      %dma_wait3A_371 = arith.constant 0 : i32
      %dma_wait3A_372 = tpu.memref_slice %arg5[%add3A_238, %dma_wait3A_371] : memref<65536x128xf32, #tpu.memory_space<hbm>> -> memref<256x128xf32, #tpu.memory_space<hbm>>
      %dma_wait3A_373 = arith.constant 0 : i32
      %dma_wait3A_374 = arith.constant 0 : i32
      %dma_wait3A_375 = tpu.memref_slice %arg8[%run_scoped3A_239, %dma_wait3A_373, %dma_wait3A_374] : memref<2x256x128xf32, #tpu.memory_space<vmem>> -> memref<1x256x128xf32, #tpu.memory_space<vmem>>
      %dma_wait3A_376 = tpu.memref_squeeze %dma_wait3A_375 : memref<1x256x128xf32, #tpu.memory_space<vmem>> -> memref<256x128xf32, #tpu.memory_space<vmem>>
      tpu.wait_dma2 semaphore(%run_scoped3A_352 : memref<!tpu.dma_semaphore, #tpu.memory_space<semaphore_mem>>) src(%dma_wait3A_376 : memref<256x128xf32, #tpu.memory_space<vmem>>) dst(%dma_wait3A_372 : memref<256x128xf32, #tpu.memory_space<hbm>>)
      tpu.yield
    }) : () -> ()
    %dma_start3A_240 = arith.constant 0 : i32
    %dma_start3A_241 = arith.constant 0 : i32
    %dma_start3A_242 = arith.constant 0 : i32
    %dma_start3A_243 = tpu.memref_slice %arg8[%dma_start3A_240, %dma_start3A_241, %dma_start3A_242] : memref<2x256x128xf32, #tpu.memory_space<vmem>> -> memref<1x128x128xf32, #tpu.memory_space<vmem>>
    %dma_start3A_244 = tpu.memref_squeeze %dma_start3A_243 : memref<1x128x128xf32, #tpu.memory_space<vmem>> -> memref<128x128xf32, #tpu.memory_space<vmem>>
    %dma_start3A_245 = arith.constant 1536 : i32
    %dma_start3A_246 = tpu.memref_slice %arg7[%dma_start3A_245] : memref<2048xi32, #tpu.memory_space<vmem>> -> memref<128xi32, #tpu.memory_space<vmem>>
    %dma_start3A_247 = arith.constant 0 : i32
    %dma_start3A_248 = arith.constant 0 : i32
    %dma_start3A_249 = tpu.memref_slice %arg2[%dma_start3A_247, %dma_start3A_248] : memref<16384x128xf32, #tpu.memory_space<hbm>> -> memref<16384x128xf32, #tpu.memory_space<hbm>>
    tpu.enqueue_indirect_dma source(%dma_start3A_249 : memref<16384x128xf32, #tpu.memory_space<hbm>>) target(%dma_start3A_244 : memref<128x128xf32, #tpu.memory_space<vmem>>) offsets(%dma_start3A_246 : memref<128xi32, #tpu.memory_space<vmem>>) semaphore(%arg11 : memref<!tpu.dma_semaphore, #tpu.memory_space<semaphore_mem>>)
    %dma_start3A_250 = arith.constant 0 : i32
    %dma_start3A_251 = arith.constant 128 : i32
    %dma_start3A_252 = arith.constant 0 : i32
    %dma_start3A_253 = tpu.memref_slice %arg8[%dma_start3A_250, %dma_start3A_251, %dma_start3A_252] : memref<2x256x128xf32, #tpu.memory_space<vmem>> -> memref<1x128x128xf32, #tpu.memory_space<vmem>>
    %dma_start3A_254 = tpu.memref_squeeze %dma_start3A_253 : memref<1x128x128xf32, #tpu.memory_space<vmem>> -> memref<128x128xf32, #tpu.memory_space<vmem>>
    %dma_start3A_255 = arith.constant 1664 : i32
    %dma_start3A_256 = tpu.memref_slice %arg7[%dma_start3A_255] : memref<2048xi32, #tpu.memory_space<vmem>> -> memref<128xi32, #tpu.memory_space<vmem>>
    %dma_start3A_257 = arith.constant 0 : i32
    %dma_start3A_258 = arith.constant 0 : i32
    %dma_start3A_259 = tpu.memref_slice %arg2[%dma_start3A_257, %dma_start3A_258] : memref<16384x128xf32, #tpu.memory_space<hbm>> -> memref<16384x128xf32, #tpu.memory_space<hbm>>
    tpu.enqueue_indirect_dma source(%dma_start3A_259 : memref<16384x128xf32, #tpu.memory_space<hbm>>) target(%dma_start3A_254 : memref<128x128xf32, #tpu.memory_space<vmem>>) offsets(%dma_start3A_256 : memref<128xi32, #tpu.memory_space<vmem>>) semaphore(%arg11 : memref<!tpu.dma_semaphore, #tpu.memory_space<semaphore_mem>>)
    %dma_wait3A_260 = arith.constant 1 : i32
    %dma_wait3A_261 = arith.constant 0 : i32
    %dma_wait3A_262 = arith.constant 0 : i32
    %dma_wait3A_263 = tpu.memref_slice %arg8[%dma_wait3A_260, %dma_wait3A_261, %dma_wait3A_262] : memref<2x256x128xf32, #tpu.memory_space<vmem>> -> memref<1x128x128xf32, #tpu.memory_space<vmem>>
    %dma_wait3A_264 = tpu.memref_squeeze %dma_wait3A_263 : memref<1x128x128xf32, #tpu.memory_space<vmem>> -> memref<128x128xf32, #tpu.memory_space<vmem>>
    %dma_wait3A_265 = arith.constant 1280 : i32
    %dma_wait3A_266 = tpu.memref_slice %arg7[%dma_wait3A_265] : memref<2048xi32, #tpu.memory_space<vmem>> -> memref<128xi32, #tpu.memory_space<vmem>>
    %dma_wait3A_267 = arith.constant 0 : i32
    %dma_wait3A_268 = arith.constant 0 : i32
    %dma_wait3A_269 = tpu.memref_slice %arg2[%dma_wait3A_267, %dma_wait3A_268] : memref<16384x128xf32, #tpu.memory_space<hbm>> -> memref<16384x128xf32, #tpu.memory_space<hbm>>
    tpu.wait_indirect_dma semaphore(%arg11 : memref<!tpu.dma_semaphore, #tpu.memory_space<semaphore_mem>>) src(%dma_wait3A_269 : memref<16384x128xf32, #tpu.memory_space<hbm>>) dst(%dma_wait3A_264 : memref<128x128xf32, #tpu.memory_space<vmem>>)
    %dma_wait3A_270 = arith.constant 1 : i32
    %dma_wait3A_271 = arith.constant 128 : i32
    %dma_wait3A_272 = arith.constant 0 : i32
    %dma_wait3A_273 = tpu.memref_slice %arg8[%dma_wait3A_270, %dma_wait3A_271, %dma_wait3A_272] : memref<2x256x128xf32, #tpu.memory_space<vmem>> -> memref<1x128x128xf32, #tpu.memory_space<vmem>>
    %dma_wait3A_274 = tpu.memref_squeeze %dma_wait3A_273 : memref<1x128x128xf32, #tpu.memory_space<vmem>> -> memref<128x128xf32, #tpu.memory_space<vmem>>
    %dma_wait3A_275 = arith.constant 1408 : i32
    %dma_wait3A_276 = tpu.memref_slice %arg7[%dma_wait3A_275] : memref<2048xi32, #tpu.memory_space<vmem>> -> memref<128xi32, #tpu.memory_space<vmem>>
    %dma_wait3A_277 = arith.constant 0 : i32
    %dma_wait3A_278 = arith.constant 0 : i32
    %dma_wait3A_279 = tpu.memref_slice %arg2[%dma_wait3A_277, %dma_wait3A_278] : memref<16384x128xf32, #tpu.memory_space<hbm>> -> memref<16384x128xf32, #tpu.memory_space<hbm>>
    tpu.wait_indirect_dma semaphore(%arg11 : memref<!tpu.dma_semaphore, #tpu.memory_space<semaphore_mem>>) src(%dma_wait3A_279 : memref<16384x128xf32, #tpu.memory_space<hbm>>) dst(%dma_wait3A_274 : memref<128x128xf32, #tpu.memory_space<vmem>>)
    %add3A_280 = arith.constant 1280 : i32
    %add3A_281 = arith.addi %mul3A_2, %add3A_280 : i32
    %run_scoped3A_282 = arith.constant 1 : i32
    "tpu.region"() ({
      %run_scoped3A_352 = tpu.sem_alloc : memref<!tpu.dma_semaphore, #tpu.memory_space<semaphore_mem>>
      %dma_start3A_353 = arith.constant 0 : i32
      %dma_start3A_354 = arith.constant 0 : i32
      %dma_start3A_355 = tpu.memref_slice %arg8[%run_scoped3A_282, %dma_start3A_353, %dma_start3A_354] : memref<2x256x128xf32, #tpu.memory_space<vmem>> -> memref<1x256x128xf32, #tpu.memory_space<vmem>>
      %dma_start3A_356 = tpu.memref_squeeze %dma_start3A_355 : memref<1x256x128xf32, #tpu.memory_space<vmem>> -> memref<256x128xf32, #tpu.memory_space<vmem>>
      %dma_start3A_357 = arith.constant 0 : i32
      %dma_start3A_358 = tpu.memref_slice %arg5[%add3A_281, %dma_start3A_357] : memref<65536x128xf32, #tpu.memory_space<hbm>> -> memref<256x128xf32, #tpu.memory_space<hbm>>
      %dma_start3A_359 = arith.constant 0 : i32
      %dma_start3A_360 = tpu.memref_slice %arg5[%add3A_281, %dma_start3A_359] : memref<65536x128xf32, #tpu.memory_space<hbm>> -> memref<256x128xf32, #tpu.memory_space<hbm>>
      %dma_start3A_361 = arith.constant 0 : i32
      %dma_start3A_362 = arith.constant 0 : i32
      %dma_start3A_363 = tpu.memref_slice %arg8[%run_scoped3A_282, %dma_start3A_361, %dma_start3A_362] : memref<2x256x128xf32, #tpu.memory_space<vmem>> -> memref<1x256x128xf32, #tpu.memory_space<vmem>>
      %dma_start3A_364 = tpu.memref_squeeze %dma_start3A_363 : memref<1x256x128xf32, #tpu.memory_space<vmem>> -> memref<256x128xf32, #tpu.memory_space<vmem>>
      tpu.enqueue_dma source(%dma_start3A_364 : memref<256x128xf32, #tpu.memory_space<vmem>>) target(%dma_start3A_360 : memref<256x128xf32, #tpu.memory_space<hbm>>) target_semaphore(%run_scoped3A_352 : memref<!tpu.dma_semaphore, #tpu.memory_space<semaphore_mem>>)
      %dma_wait3A_365 = arith.constant 0 : i32
      %dma_wait3A_366 = arith.constant 0 : i32
      %dma_wait3A_367 = tpu.memref_slice %arg8[%run_scoped3A_282, %dma_wait3A_365, %dma_wait3A_366] : memref<2x256x128xf32, #tpu.memory_space<vmem>> -> memref<1x256x128xf32, #tpu.memory_space<vmem>>
      %dma_wait3A_368 = tpu.memref_squeeze %dma_wait3A_367 : memref<1x256x128xf32, #tpu.memory_space<vmem>> -> memref<256x128xf32, #tpu.memory_space<vmem>>
      %dma_wait3A_369 = arith.constant 0 : i32
      %dma_wait3A_370 = tpu.memref_slice %arg5[%add3A_281, %dma_wait3A_369] : memref<65536x128xf32, #tpu.memory_space<hbm>> -> memref<256x128xf32, #tpu.memory_space<hbm>>
      %dma_wait3A_371 = arith.constant 0 : i32
      %dma_wait3A_372 = tpu.memref_slice %arg5[%add3A_281, %dma_wait3A_371] : memref<65536x128xf32, #tpu.memory_space<hbm>> -> memref<256x128xf32, #tpu.memory_space<hbm>>
      %dma_wait3A_373 = arith.constant 0 : i32
      %dma_wait3A_374 = arith.constant 0 : i32
      %dma_wait3A_375 = tpu.memref_slice %arg8[%run_scoped3A_282, %dma_wait3A_373, %dma_wait3A_374] : memref<2x256x128xf32, #tpu.memory_space<vmem>> -> memref<1x256x128xf32, #tpu.memory_space<vmem>>
      %dma_wait3A_376 = tpu.memref_squeeze %dma_wait3A_375 : memref<1x256x128xf32, #tpu.memory_space<vmem>> -> memref<256x128xf32, #tpu.memory_space<vmem>>
      tpu.wait_dma2 semaphore(%run_scoped3A_352 : memref<!tpu.dma_semaphore, #tpu.memory_space<semaphore_mem>>) src(%dma_wait3A_376 : memref<256x128xf32, #tpu.memory_space<vmem>>) dst(%dma_wait3A_372 : memref<256x128xf32, #tpu.memory_space<hbm>>)
      tpu.yield
    }) : () -> ()
    %dma_start3A_283 = arith.constant 1 : i32
    %dma_start3A_284 = arith.constant 0 : i32
    %dma_start3A_285 = arith.constant 0 : i32
    %dma_start3A_286 = tpu.memref_slice %arg8[%dma_start3A_283, %dma_start3A_284, %dma_start3A_285] : memref<2x256x128xf32, #tpu.memory_space<vmem>> -> memref<1x128x128xf32, #tpu.memory_space<vmem>>
    %dma_start3A_287 = tpu.memref_squeeze %dma_start3A_286 : memref<1x128x128xf32, #tpu.memory_space<vmem>> -> memref<128x128xf32, #tpu.memory_space<vmem>>
    %dma_start3A_288 = arith.constant 1792 : i32
    %dma_start3A_289 = tpu.memref_slice %arg7[%dma_start3A_288] : memref<2048xi32, #tpu.memory_space<vmem>> -> memref<128xi32, #tpu.memory_space<vmem>>
    %dma_start3A_290 = arith.constant 0 : i32
    %dma_start3A_291 = arith.constant 0 : i32
    %dma_start3A_292 = tpu.memref_slice %arg2[%dma_start3A_290, %dma_start3A_291] : memref<16384x128xf32, #tpu.memory_space<hbm>> -> memref<16384x128xf32, #tpu.memory_space<hbm>>
    tpu.enqueue_indirect_dma source(%dma_start3A_292 : memref<16384x128xf32, #tpu.memory_space<hbm>>) target(%dma_start3A_287 : memref<128x128xf32, #tpu.memory_space<vmem>>) offsets(%dma_start3A_289 : memref<128xi32, #tpu.memory_space<vmem>>) semaphore(%arg11 : memref<!tpu.dma_semaphore, #tpu.memory_space<semaphore_mem>>)
    %dma_start3A_293 = arith.constant 1 : i32
    %dma_start3A_294 = arith.constant 128 : i32
    %dma_start3A_295 = arith.constant 0 : i32
    %dma_start3A_296 = tpu.memref_slice %arg8[%dma_start3A_293, %dma_start3A_294, %dma_start3A_295] : memref<2x256x128xf32, #tpu.memory_space<vmem>> -> memref<1x128x128xf32, #tpu.memory_space<vmem>>
    %dma_start3A_297 = tpu.memref_squeeze %dma_start3A_296 : memref<1x128x128xf32, #tpu.memory_space<vmem>> -> memref<128x128xf32, #tpu.memory_space<vmem>>
    %dma_start3A_298 = arith.constant 1920 : i32
    %dma_start3A_299 = tpu.memref_slice %arg7[%dma_start3A_298] : memref<2048xi32, #tpu.memory_space<vmem>> -> memref<128xi32, #tpu.memory_space<vmem>>
    %dma_start3A_300 = arith.constant 0 : i32
    %dma_start3A_301 = arith.constant 0 : i32
    %dma_start3A_302 = tpu.memref_slice %arg2[%dma_start3A_300, %dma_start3A_301] : memref<16384x128xf32, #tpu.memory_space<hbm>> -> memref<16384x128xf32, #tpu.memory_space<hbm>>
    tpu.enqueue_indirect_dma source(%dma_start3A_302 : memref<16384x128xf32, #tpu.memory_space<hbm>>) target(%dma_start3A_297 : memref<128x128xf32, #tpu.memory_space<vmem>>) offsets(%dma_start3A_299 : memref<128xi32, #tpu.memory_space<vmem>>) semaphore(%arg11 : memref<!tpu.dma_semaphore, #tpu.memory_space<semaphore_mem>>)
    %dma_wait3A_303 = arith.constant 0 : i32
    %dma_wait3A_304 = arith.constant 0 : i32
    %dma_wait3A_305 = arith.constant 0 : i32
    %dma_wait3A_306 = tpu.memref_slice %arg8[%dma_wait3A_303, %dma_wait3A_304, %dma_wait3A_305] : memref<2x256x128xf32, #tpu.memory_space<vmem>> -> memref<1x128x128xf32, #tpu.memory_space<vmem>>
    %dma_wait3A_307 = tpu.memref_squeeze %dma_wait3A_306 : memref<1x128x128xf32, #tpu.memory_space<vmem>> -> memref<128x128xf32, #tpu.memory_space<vmem>>
    %dma_wait3A_308 = arith.constant 1536 : i32
    %dma_wait3A_309 = tpu.memref_slice %arg7[%dma_wait3A_308] : memref<2048xi32, #tpu.memory_space<vmem>> -> memref<128xi32, #tpu.memory_space<vmem>>
    %dma_wait3A_310 = arith.constant 0 : i32
    %dma_wait3A_311 = arith.constant 0 : i32
    %dma_wait3A_312 = tpu.memref_slice %arg2[%dma_wait3A_310, %dma_wait3A_311] : memref<16384x128xf32, #tpu.memory_space<hbm>> -> memref<16384x128xf32, #tpu.memory_space<hbm>>
    tpu.wait_indirect_dma semaphore(%arg11 : memref<!tpu.dma_semaphore, #tpu.memory_space<semaphore_mem>>) src(%dma_wait3A_312 : memref<16384x128xf32, #tpu.memory_space<hbm>>) dst(%dma_wait3A_307 : memref<128x128xf32, #tpu.memory_space<vmem>>)
    %dma_wait3A_313 = arith.constant 0 : i32
    %dma_wait3A_314 = arith.constant 128 : i32
    %dma_wait3A_315 = arith.constant 0 : i32
    %dma_wait3A_316 = tpu.memref_slice %arg8[%dma_wait3A_313, %dma_wait3A_314, %dma_wait3A_315] : memref<2x256x128xf32, #tpu.memory_space<vmem>> -> memref<1x128x128xf32, #tpu.memory_space<vmem>>
    %dma_wait3A_317 = tpu.memref_squeeze %dma_wait3A_316 : memref<1x128x128xf32, #tpu.memory_space<vmem>> -> memref<128x128xf32, #tpu.memory_space<vmem>>
    %dma_wait3A_318 = arith.constant 1664 : i32
    %dma_wait3A_319 = tpu.memref_slice %arg7[%dma_wait3A_318] : memref<2048xi32, #tpu.memory_space<vmem>> -> memref<128xi32, #tpu.memory_space<vmem>>
    %dma_wait3A_320 = arith.constant 0 : i32
    %dma_wait3A_321 = arith.constant 0 : i32
    %dma_wait3A_322 = tpu.memref_slice %arg2[%dma_wait3A_320, %dma_wait3A_321] : memref<16384x128xf32, #tpu.memory_space<hbm>> -> memref<16384x128xf32, #tpu.memory_space<hbm>>
    tpu.wait_indirect_dma semaphore(%arg11 : memref<!tpu.dma_semaphore, #tpu.memory_space<semaphore_mem>>) src(%dma_wait3A_322 : memref<16384x128xf32, #tpu.memory_space<hbm>>) dst(%dma_wait3A_317 : memref<128x128xf32, #tpu.memory_space<vmem>>)
    %add3A_323 = arith.constant 1536 : i32
    %add3A_324 = arith.addi %mul3A_2, %add3A_323 : i32
    %run_scoped3A_325 = arith.constant 0 : i32
    "tpu.region"() ({
      %run_scoped3A_352 = tpu.sem_alloc : memref<!tpu.dma_semaphore, #tpu.memory_space<semaphore_mem>>
      %dma_start3A_353 = arith.constant 0 : i32
      %dma_start3A_354 = arith.constant 0 : i32
      %dma_start3A_355 = tpu.memref_slice %arg8[%run_scoped3A_325, %dma_start3A_353, %dma_start3A_354] : memref<2x256x128xf32, #tpu.memory_space<vmem>> -> memref<1x256x128xf32, #tpu.memory_space<vmem>>
      %dma_start3A_356 = tpu.memref_squeeze %dma_start3A_355 : memref<1x256x128xf32, #tpu.memory_space<vmem>> -> memref<256x128xf32, #tpu.memory_space<vmem>>
      %dma_start3A_357 = arith.constant 0 : i32
      %dma_start3A_358 = tpu.memref_slice %arg5[%add3A_324, %dma_start3A_357] : memref<65536x128xf32, #tpu.memory_space<hbm>> -> memref<256x128xf32, #tpu.memory_space<hbm>>
      %dma_start3A_359 = arith.constant 0 : i32
      %dma_start3A_360 = tpu.memref_slice %arg5[%add3A_324, %dma_start3A_359] : memref<65536x128xf32, #tpu.memory_space<hbm>> -> memref<256x128xf32, #tpu.memory_space<hbm>>
      %dma_start3A_361 = arith.constant 0 : i32
      %dma_start3A_362 = arith.constant 0 : i32
      %dma_start3A_363 = tpu.memref_slice %arg8[%run_scoped3A_325, %dma_start3A_361, %dma_start3A_362] : memref<2x256x128xf32, #tpu.memory_space<vmem>> -> memref<1x256x128xf32, #tpu.memory_space<vmem>>
      %dma_start3A_364 = tpu.memref_squeeze %dma_start3A_363 : memref<1x256x128xf32, #tpu.memory_space<vmem>> -> memref<256x128xf32, #tpu.memory_space<vmem>>
      tpu.enqueue_dma source(%dma_start3A_364 : memref<256x128xf32, #tpu.memory_space<vmem>>) target(%dma_start3A_360 : memref<256x128xf32, #tpu.memory_space<hbm>>) target_semaphore(%run_scoped3A_352 : memref<!tpu.dma_semaphore, #tpu.memory_space<semaphore_mem>>)
      %dma_wait3A_365 = arith.constant 0 : i32
      %dma_wait3A_366 = arith.constant 0 : i32
      %dma_wait3A_367 = tpu.memref_slice %arg8[%run_scoped3A_325, %dma_wait3A_365, %dma_wait3A_366] : memref<2x256x128xf32, #tpu.memory_space<vmem>> -> memref<1x256x128xf32, #tpu.memory_space<vmem>>
      %dma_wait3A_368 = tpu.memref_squeeze %dma_wait3A_367 : memref<1x256x128xf32, #tpu.memory_space<vmem>> -> memref<256x128xf32, #tpu.memory_space<vmem>>
      %dma_wait3A_369 = arith.constant 0 : i32
      %dma_wait3A_370 = tpu.memref_slice %arg5[%add3A_324, %dma_wait3A_369] : memref<65536x128xf32, #tpu.memory_space<hbm>> -> memref<256x128xf32, #tpu.memory_space<hbm>>
      %dma_wait3A_371 = arith.constant 0 : i32
      %dma_wait3A_372 = tpu.memref_slice %arg5[%add3A_324, %dma_wait3A_371] : memref<65536x128xf32, #tpu.memory_space<hbm>> -> memref<256x128xf32, #tpu.memory_space<hbm>>
      %dma_wait3A_373 = arith.constant 0 : i32
      %dma_wait3A_374 = arith.constant 0 : i32
      %dma_wait3A_375 = tpu.memref_slice %arg8[%run_scoped3A_325, %dma_wait3A_373, %dma_wait3A_374] : memref<2x256x128xf32, #tpu.memory_space<vmem>> -> memref<1x256x128xf32, #tpu.memory_space<vmem>>
      %dma_wait3A_376 = tpu.memref_squeeze %dma_wait3A_375 : memref<1x256x128xf32, #tpu.memory_space<vmem>> -> memref<256x128xf32, #tpu.memory_space<vmem>>
      tpu.wait_dma2 semaphore(%run_scoped3A_352 : memref<!tpu.dma_semaphore, #tpu.memory_space<semaphore_mem>>) src(%dma_wait3A_376 : memref<256x128xf32, #tpu.memory_space<vmem>>) dst(%dma_wait3A_372 : memref<256x128xf32, #tpu.memory_space<hbm>>)
      tpu.yield
    }) : () -> ()
    %dma_wait3A_326 = arith.constant 1 : i32
    %dma_wait3A_327 = arith.constant 0 : i32
    %dma_wait3A_328 = arith.constant 0 : i32
    %dma_wait3A_329 = tpu.memref_slice %arg8[%dma_wait3A_326, %dma_wait3A_327, %dma_wait3A_328] : memref<2x256x128xf32, #tpu.memory_space<vmem>> -> memref<1x128x128xf32, #tpu.memory_space<vmem>>
    %dma_wait3A_330 = tpu.memref_squeeze %dma_wait3A_329 : memref<1x128x128xf32, #tpu.memory_space<vmem>> -> memref<128x128xf32, #tpu.memory_space<vmem>>
    %dma_wait3A_331 = arith.constant 1792 : i32
    %dma_wait3A_332 = tpu.memref_slice %arg7[%dma_wait3A_331] : memref<2048xi32, #tpu.memory_space<vmem>> -> memref<128xi32, #tpu.memory_space<vmem>>
    %dma_wait3A_333 = arith.constant 0 : i32
    %dma_wait3A_334 = arith.constant 0 : i32
    %dma_wait3A_335 = tpu.memref_slice %arg2[%dma_wait3A_333, %dma_wait3A_334] : memref<16384x128xf32, #tpu.memory_space<hbm>> -> memref<16384x128xf32, #tpu.memory_space<hbm>>
    tpu.wait_indirect_dma semaphore(%arg11 : memref<!tpu.dma_semaphore, #tpu.memory_space<semaphore_mem>>) src(%dma_wait3A_335 : memref<16384x128xf32, #tpu.memory_space<hbm>>) dst(%dma_wait3A_330 : memref<128x128xf32, #tpu.memory_space<vmem>>)
    %dma_wait3A_336 = arith.constant 1 : i32
    %dma_wait3A_337 = arith.constant 128 : i32
    %dma_wait3A_338 = arith.constant 0 : i32
    %dma_wait3A_339 = tpu.memref_slice %arg8[%dma_wait3A_336, %dma_wait3A_337, %dma_wait3A_338] : memref<2x256x128xf32, #tpu.memory_space<vmem>> -> memref<1x128x128xf32, #tpu.memory_space<vmem>>
    %dma_wait3A_340 = tpu.memref_squeeze %dma_wait3A_339 : memref<1x128x128xf32, #tpu.memory_space<vmem>> -> memref<128x128xf32, #tpu.memory_space<vmem>>
    %dma_wait3A_341 = arith.constant 1920 : i32
    %dma_wait3A_342 = tpu.memref_slice %arg7[%dma_wait3A_341] : memref<2048xi32, #tpu.memory_space<vmem>> -> memref<128xi32, #tpu.memory_space<vmem>>
    %dma_wait3A_343 = arith.constant 0 : i32
    %dma_wait3A_344 = arith.constant 0 : i32
    %dma_wait3A_345 = tpu.memref_slice %arg2[%dma_wait3A_343, %dma_wait3A_344] : memref<16384x128xf32, #tpu.memory_space<hbm>> -> memref<16384x128xf32, #tpu.memory_space<hbm>>
    tpu.wait_indirect_dma semaphore(%arg11 : memref<!tpu.dma_semaphore, #tpu.memory_space<semaphore_mem>>) src(%dma_wait3A_345 : memref<16384x128xf32, #tpu.memory_space<hbm>>) dst(%dma_wait3A_340 : memref<128x128xf32, #tpu.memory_space<vmem>>)
    %add3A_346 = arith.constant 1792 : i32
    %add3A_347 = arith.addi %mul3A_2, %add3A_346 : i32
    %run_scoped3A_348 = arith.constant 1 : i32
    "tpu.region"() ({
      %run_scoped3A_352 = tpu.sem_alloc : memref<!tpu.dma_semaphore, #tpu.memory_space<semaphore_mem>>
      %dma_start3A_353 = arith.constant 0 : i32
      %dma_start3A_354 = arith.constant 0 : i32
      %dma_start3A_355 = tpu.memref_slice %arg8[%run_scoped3A_348, %dma_start3A_353, %dma_start3A_354] : memref<2x256x128xf32, #tpu.memory_space<vmem>> -> memref<1x256x128xf32, #tpu.memory_space<vmem>>
      %dma_start3A_356 = tpu.memref_squeeze %dma_start3A_355 : memref<1x256x128xf32, #tpu.memory_space<vmem>> -> memref<256x128xf32, #tpu.memory_space<vmem>>
      %dma_start3A_357 = arith.constant 0 : i32
      %dma_start3A_358 = tpu.memref_slice %arg5[%add3A_347, %dma_start3A_357] : memref<65536x128xf32, #tpu.memory_space<hbm>> -> memref<256x128xf32, #tpu.memory_space<hbm>>
      %dma_start3A_359 = arith.constant 0 : i32
      %dma_start3A_360 = tpu.memref_slice %arg5[%add3A_347, %dma_start3A_359] : memref<65536x128xf32, #tpu.memory_space<hbm>> -> memref<256x128xf32, #tpu.memory_space<hbm>>
      %dma_start3A_361 = arith.constant 0 : i32
      %dma_start3A_362 = arith.constant 0 : i32
      %dma_start3A_363 = tpu.memref_slice %arg8[%run_scoped3A_348, %dma_start3A_361, %dma_start3A_362] : memref<2x256x128xf32, #tpu.memory_space<vmem>> -> memref<1x256x128xf32, #tpu.memory_space<vmem>>
      %dma_start3A_364 = tpu.memref_squeeze %dma_start3A_363 : memref<1x256x128xf32, #tpu.memory_space<vmem>> -> memref<256x128xf32, #tpu.memory_space<vmem>>
      tpu.enqueue_dma source(%dma_start3A_364 : memref<256x128xf32, #tpu.memory_space<vmem>>) target(%dma_start3A_360 : memref<256x128xf32, #tpu.memory_space<hbm>>) target_semaphore(%run_scoped3A_352 : memref<!tpu.dma_semaphore, #tpu.memory_space<semaphore_mem>>)
      %dma_wait3A_365 = arith.constant 0 : i32
      %dma_wait3A_366 = arith.constant 0 : i32
      %dma_wait3A_367 = tpu.memref_slice %arg8[%run_scoped3A_348, %dma_wait3A_365, %dma_wait3A_366] : memref<2x256x128xf32, #tpu.memory_space<vmem>> -> memref<1x256x128xf32, #tpu.memory_space<vmem>>
      %dma_wait3A_368 = tpu.memref_squeeze %dma_wait3A_367 : memref<1x256x128xf32, #tpu.memory_space<vmem>> -> memref<256x128xf32, #tpu.memory_space<vmem>>
      %dma_wait3A_369 = arith.constant 0 : i32
      %dma_wait3A_370 = tpu.memref_slice %arg5[%add3A_347, %dma_wait3A_369] : memref<65536x128xf32, #tpu.memory_space<hbm>> -> memref<256x128xf32, #tpu.memory_space<hbm>>
      %dma_wait3A_371 = arith.constant 0 : i32
      %dma_wait3A_372 = tpu.memref_slice %arg5[%add3A_347, %dma_wait3A_371] : memref<65536x128xf32, #tpu.memory_space<hbm>> -> memref<256x128xf32, #tpu.memory_space<hbm>>
      %dma_wait3A_373 = arith.constant 0 : i32
      %dma_wait3A_374 = arith.constant 0 : i32
      %dma_wait3A_375 = tpu.memref_slice %arg8[%run_scoped3A_348, %dma_wait3A_373, %dma_wait3A_374] : memref<2x256x128xf32, #tpu.memory_space<vmem>> -> memref<1x256x128xf32, #tpu.memory_space<vmem>>
      %dma_wait3A_376 = tpu.memref_squeeze %dma_wait3A_375 : memref<1x256x128xf32, #tpu.memory_space<vmem>> -> memref<256x128xf32, #tpu.memory_space<vmem>>
      tpu.wait_dma2 semaphore(%run_scoped3A_352 : memref<!tpu.dma_semaphore, #tpu.memory_space<semaphore_mem>>) src(%dma_wait3A_376 : memref<256x128xf32, #tpu.memory_space<vmem>>) dst(%dma_wait3A_372 : memref<256x128xf32, #tpu.memory_space<hbm>>)
      tpu.yield
    }) : () -> ()
    %dma_wait3A_349 = arith.constant 0 : i32
    %dma_wait3A_350 = arith.constant 0 : i32
    %dma_wait3A_351 = tpu.memref_slice %arg2[%dma_wait3A_349, %dma_wait3A_350] : memref<16384x128xf32, #tpu.memory_space<hbm>> -> memref<16384x128xf32, #tpu.memory_space<hbm>>
    tpu.wait_indirect_dma semaphore(%arg12 : memref<!tpu.dma_semaphore, #tpu.memory_space<semaphore_mem>>) src(%dma_wait3A_351 : memref<16384x128xf32, #tpu.memory_space<hbm>>) dst(%arg10 : memref<128x128xf32, #tpu.memory_space<vmem>>)
    "tpu.region"() ({
      %run_scoped3A_352 = tpu.sem_alloc : memref<!tpu.dma_semaphore, #tpu.memory_space<semaphore_mem>>
      %dma_start3A_353 = arith.constant 0 : i32
      %dma_start3A_354 = tpu.memref_slice %arg6[%mul3A_4, %dma_start3A_353] : memref<4096x128xf32, #tpu.memory_space<hbm>> -> memref<128x128xf32, #tpu.memory_space<hbm>>
      %dma_start3A_355 = arith.constant 0 : i32
      %dma_start3A_356 = tpu.memref_slice %arg6[%mul3A_4, %dma_start3A_355] : memref<4096x128xf32, #tpu.memory_space<hbm>> -> memref<128x128xf32, #tpu.memory_space<hbm>>
      tpu.enqueue_dma source(%arg10 : memref<128x128xf32, #tpu.memory_space<vmem>>) target(%dma_start3A_356 : memref<128x128xf32, #tpu.memory_space<hbm>>) target_semaphore(%run_scoped3A_352 : memref<!tpu.dma_semaphore, #tpu.memory_space<semaphore_mem>>)
      %dma_wait3A_357 = arith.constant 0 : i32
      %dma_wait3A_358 = tpu.memref_slice %arg6[%mul3A_4, %dma_wait3A_357] : memref<4096x128xf32, #tpu.memory_space<hbm>> -> memref<128x128xf32, #tpu.memory_space<hbm>>
      %dma_wait3A_359 = arith.constant 0 : i32
      %dma_wait3A_360 = tpu.memref_slice %arg6[%mul3A_4, %dma_wait3A_359] : memref<4096x128xf32, #tpu.memory_space<hbm>> -> memref<128x128xf32, #tpu.memory_space<hbm>>
      tpu.wait_dma2 semaphore(%run_scoped3A_352 : memref<!tpu.dma_semaphore, #tpu.memory_space<semaphore_mem>>) src(%arg10 : memref<128x128xf32, #tpu.memory_space<vmem>>) dst(%dma_wait3A_360 : memref<128x128xf32, #tpu.memory_space<hbm>>)
      tpu.yield
    }) : () -> ()
    return
  }
}

module attributes {stable_mosaic.version = 14 : i64} {
  func.func @_fps_body(%arg0: memref<4x8x512xf32, #tpu.memory_space<vmem>>, %arg1: memref<4x8x512xf32, #tpu.memory_space<vmem>>, %arg2: memref<4x8x512xf32, #tpu.memory_space<vmem>>, %arg3: memref<4x1024xi32, #tpu.memory_space<vmem>>, %arg4: memref<4x1024xf32, #tpu.memory_space<vmem>>, %arg5: memref<4x1024xf32, #tpu.memory_space<vmem>>, %arg6: memref<4x1024xf32, #tpu.memory_space<vmem>>) attributes {dimension_semantics = [], scalar_prefetch = 0 : i64, scratch_operands = 0 : i64, tpu.core_type = #tpu.core_type<tc>} {
    %get3A = arith.constant 0 : index
    %get3A_0 = arith.constant 0 : index
    %get3A_1 = arith.constant 0 : index
    %get3A_2 = vector.load %arg0[%get3A, %get3A_0, %get3A_1] : memref<4x8x512xf32, #tpu.memory_space<vmem>>, vector<4x8x512xf32>
    %get3A_3 = arith.constant 0 : index
    %get3A_4 = arith.constant 0 : index
    %get3A_5 = arith.constant 0 : index
    %get3A_6 = vector.load %arg1[%get3A_3, %get3A_4, %get3A_5] : memref<4x8x512xf32, #tpu.memory_space<vmem>>, vector<4x8x512xf32>
    %get3A_7 = arith.constant 0 : index
    %get3A_8 = arith.constant 0 : index
    %get3A_9 = arith.constant 0 : index
    %get3A_10 = vector.load %arg2[%get3A_7, %get3A_8, %get3A_9] : memref<4x8x512xf32, #tpu.memory_space<vmem>>, vector<4x8x512xf32>
    %iota3A = tpu.iota {dimensions = array<i32: 1>} : vector<4x8x512xi32>
    %mul3A = arith.constant 512 : i32
    %mul3A_11 = vector.broadcast %mul3A : i32 to vector<4x8x512xi32>
    %mul3A_12 = arith.muli %iota3A, %mul3A_11 : vector<4x8x512xi32>
    %iota3A_13 = tpu.iota {dimensions = array<i32: 2>} : vector<4x8x512xi32>
    %add3A = arith.addi %mul3A_12, %iota3A_13 : vector<4x8x512xi32>
    %iota3A_14 = tpu.iota {dimensions = array<i32: 1>} : vector<4x128xi32>
    %broadcast_in_dim3A = arith.constant 1.000000e+10 : f32
    %broadcast_in_dim3A_15 = vector.broadcast %broadcast_in_dim3A : f32 to vector<4x8x512xf32>
    %broadcast_in_dim3A_16 = arith.constant 0 : i32
    %broadcast_in_dim3A_17 = vector.broadcast %broadcast_in_dim3A_16 : i32 to vector<4x1x1xi32>
    %scan3A = arith.constant 0 : i32
    %scan3A_18 = arith.constant 8 : i32
    %scan3A_19 = arith.addi %scan3A, %scan3A_18 : i32
    %scan3A_20 = arith.constant 1 : i32
    %scan3A_21:2 = scf.for %scan3A_23 = %scan3A to %scan3A_19 step %scan3A_20 iter_args(%scan3A_24 = %broadcast_in_dim3A_15, %scan3A_25 = %broadcast_in_dim3A_17) -> (vector<4x8x512xf32>, vector<4x1x1xi32>)  : i32 {
      %broadcast_in_dim3A_26 = arith.constant 0 : i32
      %broadcast_in_dim3A_27 = vector.broadcast %broadcast_in_dim3A_26 : i32 to vector<4x128xi32>
      %broadcast_in_dim3A_28 = arith.constant 0.000000e+00 : f32
      %broadcast_in_dim3A_29 = vector.broadcast %broadcast_in_dim3A_28 : f32 to vector<4x128xf32>
      %scan3A_30 = arith.constant 0 : i32
      %scan3A_31 = arith.constant 128 : i32
      %scan3A_32 = arith.addi %scan3A_30, %scan3A_31 : i32
      %scan3A_33 = arith.constant 2 : i32
      %scan3A_34:6 = scf.for %scan3A_49 = %scan3A_30 to %scan3A_32 step %scan3A_33 iter_args(%scan3A_50 = %scan3A_24, %scan3A_51 = %scan3A_25, %scan3A_52 = %broadcast_in_dim3A_27, %scan3A_53 = %broadcast_in_dim3A_29, %scan3A_54 = %broadcast_in_dim3A_29, %scan3A_55 = %broadcast_in_dim3A_29) -> (vector<4x8x512xf32>, vector<4x1x1xi32>, vector<4x128xi32>, vector<4x128xf32>, vector<4x128xf32>, vector<4x128xf32>)  : i32 {
        %eq3A = vector.broadcast %scan3A_49 : i32 to vector<4x128xi32>
        %eq3A_56 = arith.cmpi eq, %iota3A_14, %eq3A : vector<4x128xi32>
        %squeeze3A = vector.shape_cast %scan3A_51 : vector<4x1x1xi32> to vector<4x1xi32>
        %broadcast_in_dim3A_57 = vector.shape_cast %squeeze3A : vector<4x1xi32> to vector<4x1xi32>
        %broadcast_in_dim3A_58 = vector.broadcast %broadcast_in_dim3A_57 : vector<4x1xi32> to vector<4x128xi32>
        %select_n3A = arith.select %eq3A_56, %broadcast_in_dim3A_58, %scan3A_52 : vector<4x128xi1>, vector<4x128xi32>
        %eq3A_59 = vector.broadcast %scan3A_51 : vector<4x1x1xi32> to vector<4x8x512xi32>
        %eq3A_60 = arith.cmpi eq, %add3A, %eq3A_59 : vector<4x8x512xi32>
        %jit3A = arith.constant 0.000000e+00 : f32
        %broadcast_in_dim3A_61 = vector.broadcast %jit3A : f32 to vector<4x8x512xf32>
        %select_n3A_62 = arith.select %eq3A_60, %get3A_2, %broadcast_in_dim3A_61 : vector<4x8x512xi1>, vector<4x8x512xf32>
        %reduce_sum3A = arith.constant dense<0.000000e+00> : vector<4xf32>
        %reduce_sum3A_63 = vector.multi_reduction <add>, %select_n3A_62, %reduce_sum3A [1, 2] : vector<4x8x512xf32> to vector<4xf32>
        %broadcast_in_dim3A_64 = vector.shape_cast %reduce_sum3A_63 : vector<4xf32> to vector<4x1x1xf32>
        %jit3A_65 = arith.constant 0.000000e+00 : f32
        %broadcast_in_dim3A_66 = vector.broadcast %jit3A_65 : f32 to vector<4x8x512xf32>
        %select_n3A_67 = arith.select %eq3A_60, %get3A_6, %broadcast_in_dim3A_66 : vector<4x8x512xi1>, vector<4x8x512xf32>
        %reduce_sum3A_68 = arith.constant dense<0.000000e+00> : vector<4xf32>
        %reduce_sum3A_69 = vector.multi_reduction <add>, %select_n3A_67, %reduce_sum3A_68 [1, 2] : vector<4x8x512xf32> to vector<4xf32>
        %broadcast_in_dim3A_70 = vector.shape_cast %reduce_sum3A_69 : vector<4xf32> to vector<4x1x1xf32>
        %jit3A_71 = arith.constant 0.000000e+00 : f32
        %broadcast_in_dim3A_72 = vector.broadcast %jit3A_71 : f32 to vector<4x8x512xf32>
        %select_n3A_73 = arith.select %eq3A_60, %get3A_10, %broadcast_in_dim3A_72 : vector<4x8x512xi1>, vector<4x8x512xf32>
        %reduce_sum3A_74 = arith.constant dense<0.000000e+00> : vector<4xf32>
        %reduce_sum3A_75 = vector.multi_reduction <add>, %select_n3A_73, %reduce_sum3A_74 [1, 2] : vector<4x8x512xf32> to vector<4xf32>
        %broadcast_in_dim3A_76 = vector.shape_cast %reduce_sum3A_75 : vector<4xf32> to vector<4x1x1xf32>
        %squeeze3A_77 = vector.shape_cast %broadcast_in_dim3A_64 : vector<4x1x1xf32> to vector<4x1xf32>
        %broadcast_in_dim3A_78 = vector.shape_cast %squeeze3A_77 : vector<4x1xf32> to vector<4x1xf32>
        %broadcast_in_dim3A_79 = vector.broadcast %broadcast_in_dim3A_78 : vector<4x1xf32> to vector<4x128xf32>
        %select_n3A_80 = arith.select %eq3A_56, %broadcast_in_dim3A_79, %scan3A_53 : vector<4x128xi1>, vector<4x128xf32>
        %squeeze3A_81 = vector.shape_cast %broadcast_in_dim3A_70 : vector<4x1x1xf32> to vector<4x1xf32>
        %broadcast_in_dim3A_82 = vector.shape_cast %squeeze3A_81 : vector<4x1xf32> to vector<4x1xf32>
        %broadcast_in_dim3A_83 = vector.broadcast %broadcast_in_dim3A_82 : vector<4x1xf32> to vector<4x128xf32>
        %select_n3A_84 = arith.select %eq3A_56, %broadcast_in_dim3A_83, %scan3A_54 : vector<4x128xi1>, vector<4x128xf32>
        %squeeze3A_85 = vector.shape_cast %broadcast_in_dim3A_76 : vector<4x1x1xf32> to vector<4x1xf32>
        %broadcast_in_dim3A_86 = vector.shape_cast %squeeze3A_85 : vector<4x1xf32> to vector<4x1xf32>
        %broadcast_in_dim3A_87 = vector.broadcast %broadcast_in_dim3A_86 : vector<4x1xf32> to vector<4x128xf32>
        %select_n3A_88 = arith.select %eq3A_56, %broadcast_in_dim3A_87, %scan3A_55 : vector<4x128xi1>, vector<4x128xf32>
        %sub3A = vector.broadcast %broadcast_in_dim3A_64 : vector<4x1x1xf32> to vector<4x8x512xf32>
        %sub3A_89 = arith.subf %get3A_2, %sub3A : vector<4x8x512xf32>
        %sub3A_90 = vector.broadcast %broadcast_in_dim3A_70 : vector<4x1x1xf32> to vector<4x8x512xf32>
        %sub3A_91 = arith.subf %get3A_6, %sub3A_90 : vector<4x8x512xf32>
        %sub3A_92 = vector.broadcast %broadcast_in_dim3A_76 : vector<4x1x1xf32> to vector<4x8x512xf32>
        %sub3A_93 = arith.subf %get3A_10, %sub3A_92 : vector<4x8x512xf32>
        %mul3A_94 = arith.mulf %sub3A_89, %sub3A_89 : vector<4x8x512xf32>
        %mul3A_95 = arith.mulf %sub3A_91, %sub3A_91 : vector<4x8x512xf32>
        %add3A_96 = arith.addf %mul3A_94, %mul3A_95 : vector<4x8x512xf32>
        %mul3A_97 = arith.mulf %sub3A_93, %sub3A_93 : vector<4x8x512xf32>
        %add3A_98 = arith.addf %add3A_96, %mul3A_97 : vector<4x8x512xf32>
        %min3A = arith.minimumf %scan3A_50, %add3A_98 : vector<4x8x512xf32>
        %reduce_max3A = arith.constant dense<0xFF800000> : vector<4xf32>
        %reduce_max3A_99 = vector.multi_reduction <maximumf>, %min3A, %reduce_max3A [1, 2] : vector<4x8x512xf32> to vector<4xf32>
        %broadcast_in_dim3A_100 = vector.shape_cast %reduce_max3A_99 : vector<4xf32> to vector<4x1x1xf32>
        %eq3A_101 = vector.broadcast %broadcast_in_dim3A_100 : vector<4x1x1xf32> to vector<4x8x512xf32>
        %eq3A_102 = arith.cmpf oeq, %min3A, %eq3A_101 : vector<4x8x512xf32>
        %jit3A_103 = arith.constant 4096 : i32
        %broadcast_in_dim3A_104 = vector.broadcast %jit3A_103 : i32 to vector<4x8x512xi32>
        %select_n3A_105 = arith.select %eq3A_102, %add3A, %broadcast_in_dim3A_104 : vector<4x8x512xi1>, vector<4x8x512xi32>
        %reduce_min3A = arith.constant dense<2147483647> : vector<4xi32>
        %reduce_min3A_106 = vector.multi_reduction <minsi>, %select_n3A_105, %reduce_min3A [1, 2] : vector<4x8x512xi32> to vector<4xi32>
        %broadcast_in_dim3A_107 = vector.shape_cast %reduce_min3A_106 : vector<4xi32> to vector<4x1x1xi32>
        %scan3A_108 = arith.constant 1 : i32
        %scan3A_109 = arith.addi %scan3A_49, %scan3A_108 : i32
        %eq3A_110 = vector.broadcast %scan3A_109 : i32 to vector<4x128xi32>
        %eq3A_111 = arith.cmpi eq, %iota3A_14, %eq3A_110 : vector<4x128xi32>
        %squeeze3A_112 = vector.shape_cast %broadcast_in_dim3A_107 : vector<4x1x1xi32> to vector<4x1xi32>
        %broadcast_in_dim3A_113 = vector.shape_cast %squeeze3A_112 : vector<4x1xi32> to vector<4x1xi32>
        %broadcast_in_dim3A_114 = vector.broadcast %broadcast_in_dim3A_113 : vector<4x1xi32> to vector<4x128xi32>
        %select_n3A_115 = arith.select %eq3A_111, %broadcast_in_dim3A_114, %select_n3A : vector<4x128xi1>, vector<4x128xi32>
        %eq3A_116 = vector.broadcast %broadcast_in_dim3A_107 : vector<4x1x1xi32> to vector<4x8x512xi32>
        %eq3A_117 = arith.cmpi eq, %add3A, %eq3A_116 : vector<4x8x512xi32>
        %jit3A_118 = arith.constant 0.000000e+00 : f32
        %broadcast_in_dim3A_119 = vector.broadcast %jit3A_118 : f32 to vector<4x8x512xf32>
        %select_n3A_120 = arith.select %eq3A_117, %get3A_2, %broadcast_in_dim3A_119 : vector<4x8x512xi1>, vector<4x8x512xf32>
        %reduce_sum3A_121 = arith.constant dense<0.000000e+00> : vector<4xf32>
        %reduce_sum3A_122 = vector.multi_reduction <add>, %select_n3A_120, %reduce_sum3A_121 [1, 2] : vector<4x8x512xf32> to vector<4xf32>
        %broadcast_in_dim3A_123 = vector.shape_cast %reduce_sum3A_122 : vector<4xf32> to vector<4x1x1xf32>
        %jit3A_124 = arith.constant 0.000000e+00 : f32
        %broadcast_in_dim3A_125 = vector.broadcast %jit3A_124 : f32 to vector<4x8x512xf32>
        %select_n3A_126 = arith.select %eq3A_117, %get3A_6, %broadcast_in_dim3A_125 : vector<4x8x512xi1>, vector<4x8x512xf32>
        %reduce_sum3A_127 = arith.constant dense<0.000000e+00> : vector<4xf32>
        %reduce_sum3A_128 = vector.multi_reduction <add>, %select_n3A_126, %reduce_sum3A_127 [1, 2] : vector<4x8x512xf32> to vector<4xf32>
        %broadcast_in_dim3A_129 = vector.shape_cast %reduce_sum3A_128 : vector<4xf32> to vector<4x1x1xf32>
        %jit3A_130 = arith.constant 0.000000e+00 : f32
        %broadcast_in_dim3A_131 = vector.broadcast %jit3A_130 : f32 to vector<4x8x512xf32>
        %select_n3A_132 = arith.select %eq3A_117, %get3A_10, %broadcast_in_dim3A_131 : vector<4x8x512xi1>, vector<4x8x512xf32>
        %reduce_sum3A_133 = arith.constant dense<0.000000e+00> : vector<4xf32>
        %reduce_sum3A_134 = vector.multi_reduction <add>, %select_n3A_132, %reduce_sum3A_133 [1, 2] : vector<4x8x512xf32> to vector<4xf32>
        %broadcast_in_dim3A_135 = vector.shape_cast %reduce_sum3A_134 : vector<4xf32> to vector<4x1x1xf32>
        %squeeze3A_136 = vector.shape_cast %broadcast_in_dim3A_123 : vector<4x1x1xf32> to vector<4x1xf32>
        %broadcast_in_dim3A_137 = vector.shape_cast %squeeze3A_136 : vector<4x1xf32> to vector<4x1xf32>
        %broadcast_in_dim3A_138 = vector.broadcast %broadcast_in_dim3A_137 : vector<4x1xf32> to vector<4x128xf32>
        %select_n3A_139 = arith.select %eq3A_111, %broadcast_in_dim3A_138, %select_n3A_80 : vector<4x128xi1>, vector<4x128xf32>
        %squeeze3A_140 = vector.shape_cast %broadcast_in_dim3A_129 : vector<4x1x1xf32> to vector<4x1xf32>
        %broadcast_in_dim3A_141 = vector.shape_cast %squeeze3A_140 : vector<4x1xf32> to vector<4x1xf32>
        %broadcast_in_dim3A_142 = vector.broadcast %broadcast_in_dim3A_141 : vector<4x1xf32> to vector<4x128xf32>
        %select_n3A_143 = arith.select %eq3A_111, %broadcast_in_dim3A_142, %select_n3A_84 : vector<4x128xi1>, vector<4x128xf32>
        %squeeze3A_144 = vector.shape_cast %broadcast_in_dim3A_135 : vector<4x1x1xf32> to vector<4x1xf32>
        %broadcast_in_dim3A_145 = vector.shape_cast %squeeze3A_144 : vector<4x1xf32> to vector<4x1xf32>
        %broadcast_in_dim3A_146 = vector.broadcast %broadcast_in_dim3A_145 : vector<4x1xf32> to vector<4x128xf32>
        %select_n3A_147 = arith.select %eq3A_111, %broadcast_in_dim3A_146, %select_n3A_88 : vector<4x128xi1>, vector<4x128xf32>
        %sub3A_148 = vector.broadcast %broadcast_in_dim3A_123 : vector<4x1x1xf32> to vector<4x8x512xf32>
        %sub3A_149 = arith.subf %get3A_2, %sub3A_148 : vector<4x8x512xf32>
        %sub3A_150 = vector.broadcast %broadcast_in_dim3A_129 : vector<4x1x1xf32> to vector<4x8x512xf32>
        %sub3A_151 = arith.subf %get3A_6, %sub3A_150 : vector<4x8x512xf32>
        %sub3A_152 = vector.broadcast %broadcast_in_dim3A_135 : vector<4x1x1xf32> to vector<4x8x512xf32>
        %sub3A_153 = arith.subf %get3A_10, %sub3A_152 : vector<4x8x512xf32>
        %mul3A_154 = arith.mulf %sub3A_149, %sub3A_149 : vector<4x8x512xf32>
        %mul3A_155 = arith.mulf %sub3A_151, %sub3A_151 : vector<4x8x512xf32>
        %add3A_156 = arith.addf %mul3A_154, %mul3A_155 : vector<4x8x512xf32>
        %mul3A_157 = arith.mulf %sub3A_153, %sub3A_153 : vector<4x8x512xf32>
        %add3A_158 = arith.addf %add3A_156, %mul3A_157 : vector<4x8x512xf32>
        %min3A_159 = arith.minimumf %min3A, %add3A_158 : vector<4x8x512xf32>
        %reduce_max3A_160 = arith.constant dense<0xFF800000> : vector<4xf32>
        %reduce_max3A_161 = vector.multi_reduction <maximumf>, %min3A_159, %reduce_max3A_160 [1, 2] : vector<4x8x512xf32> to vector<4xf32>
        %broadcast_in_dim3A_162 = vector.shape_cast %reduce_max3A_161 : vector<4xf32> to vector<4x1x1xf32>
        %eq3A_163 = vector.broadcast %broadcast_in_dim3A_162 : vector<4x1x1xf32> to vector<4x8x512xf32>
        %eq3A_164 = arith.cmpf oeq, %min3A_159, %eq3A_163 : vector<4x8x512xf32>
        %jit3A_165 = arith.constant 4096 : i32
        %broadcast_in_dim3A_166 = vector.broadcast %jit3A_165 : i32 to vector<4x8x512xi32>
        %select_n3A_167 = arith.select %eq3A_164, %add3A, %broadcast_in_dim3A_166 : vector<4x8x512xi1>, vector<4x8x512xi32>
        %reduce_min3A_168 = arith.constant dense<2147483647> : vector<4xi32>
        %reduce_min3A_169 = vector.multi_reduction <minsi>, %select_n3A_167, %reduce_min3A_168 [1, 2] : vector<4x8x512xi32> to vector<4xi32>
        %broadcast_in_dim3A_170 = vector.shape_cast %reduce_min3A_169 : vector<4xi32> to vector<4x1x1xi32>
        scf.yield %min3A_159, %broadcast_in_dim3A_170, %select_n3A_115, %select_n3A_139, %select_n3A_143, %select_n3A_147 : vector<4x8x512xf32>, vector<4x1x1xi32>, vector<4x128xi32>, vector<4x128xf32>, vector<4x128xf32>, vector<4x128xf32>
      }
      %scan3A_35 = arith.constant 128 : i32
      %mul3A_36 = arith.constant 128 : i32
      %mul3A_37 = arith.muli %scan3A_23, %mul3A_36 : i32
      %multiple_of3A = tpu.assume_multiple %mul3A_37, 128 : i32
      %swap3A = arith.constant 0 : index
      %swap3A_38 = arith.index_cast %multiple_of3A : i32 to index
      %swap3A_39 = vector.load %arg3[%swap3A, %swap3A_38] : memref<4x1024xi32, #tpu.memory_space<vmem>>, vector<4x128xi32>
      tpu.vector_store %arg3[%swap3A, %swap3A_38], %scan3A_34#2 {strides = array<i32>} : memref<4x1024xi32, #tpu.memory_space<vmem>>, vector<4x128xi32>,
      %swap3A_40 = arith.constant 0 : index
      %swap3A_41 = arith.index_cast %multiple_of3A : i32 to index
      %swap3A_42 = vector.load %arg4[%swap3A_40, %swap3A_41] : memref<4x1024xf32, #tpu.memory_space<vmem>>, vector<4x128xf32>
      tpu.vector_store %arg4[%swap3A_40, %swap3A_41], %scan3A_34#3 {strides = array<i32>} : memref<4x1024xf32, #tpu.memory_space<vmem>>, vector<4x128xf32>,
      %swap3A_43 = arith.constant 0 : index
      %swap3A_44 = arith.index_cast %multiple_of3A : i32 to index
      %swap3A_45 = vector.load %arg5[%swap3A_43, %swap3A_44] : memref<4x1024xf32, #tpu.memory_space<vmem>>, vector<4x128xf32>
      tpu.vector_store %arg5[%swap3A_43, %swap3A_44], %scan3A_34#4 {strides = array<i32>} : memref<4x1024xf32, #tpu.memory_space<vmem>>, vector<4x128xf32>,
      %swap3A_46 = arith.constant 0 : index
      %swap3A_47 = arith.index_cast %multiple_of3A : i32 to index
      %swap3A_48 = vector.load %arg6[%swap3A_46, %swap3A_47] : memref<4x1024xf32, #tpu.memory_space<vmem>>, vector<4x128xf32>
      tpu.vector_store %arg6[%swap3A_46, %swap3A_47], %scan3A_34#5 {strides = array<i32>} : memref<4x1024xf32, #tpu.memory_space<vmem>>, vector<4x128xf32>,
      scf.yield %scan3A_34#0, %scan3A_34#1 : vector<4x8x512xf32>, vector<4x1x1xi32>
    }
    %scan3A_22 = arith.constant 8 : i32
    return
  }
}

module attributes {stable_mosaic.version = 14 : i64} {
  func.func @_knn_body(%arg0: i32, %arg1: i32, %arg2: memref<1x256x3xf32, #tpu.memory_space<vmem>>, %arg3: memref<1x1x4096xf32, #tpu.memory_space<vmem>>, %arg4: memref<1x1x4096xf32, #tpu.memory_space<vmem>>, %arg5: memref<1x1x4096xf32, #tpu.memory_space<vmem>>, %arg6: memref<1x256x16xi32, #tpu.memory_space<vmem>>) attributes {dimension_semantics = [#tpu.dimension_semantics<arbitrary>, #tpu.dimension_semantics<arbitrary>], iteration_bounds = array<i64: 4, 4>, scalar_prefetch = 0 : i64, scratch_operands = 0 : i64, tpu.core_type = #tpu.core_type<tc>, window_params = [{transform_indices = @transform_0, window_bounds = array<i64: 1, 256, 3>}, {transform_indices = @transform_1, window_bounds = array<i64: 1, 1, 4096>}, {transform_indices = @transform_2, window_bounds = array<i64: 1, 1, 4096>}, {transform_indices = @transform_3, window_bounds = array<i64: 1, 1, 4096>}, {transform_indices = @transform_4, window_bounds = array<i64: 1, 256, 16>}]} {
    %get3A = arith.constant 0 : index
    %get3A_0 = arith.constant 0 : index
    %get3A_1 = arith.constant 0 : index
    %get3A_2 = vector.load %arg2[%get3A, %get3A_0, %get3A_1] : memref<1x256x3xf32, #tpu.memory_space<vmem>>, vector<1x256x1xf32>
    %get3A_3 = vector.shape_cast %get3A_2 : vector<1x256x1xf32> to vector<256x1xf32>
    %get3A_4 = arith.constant 0 : index
    %get3A_5 = arith.constant 0 : index
    %get3A_6 = arith.constant 1 : index
    %get3A_7 = vector.load %arg2[%get3A_4, %get3A_5, %get3A_6] : memref<1x256x3xf32, #tpu.memory_space<vmem>>, vector<1x256x1xf32>
    %get3A_8 = vector.shape_cast %get3A_7 : vector<1x256x1xf32> to vector<256x1xf32>
    %get3A_9 = arith.constant 0 : index
    %get3A_10 = arith.constant 0 : index
    %get3A_11 = arith.constant 2 : index
    %get3A_12 = vector.load %arg2[%get3A_9, %get3A_10, %get3A_11] : memref<1x256x3xf32, #tpu.memory_space<vmem>>, vector<1x256x1xf32>
    %get3A_13 = vector.shape_cast %get3A_12 : vector<1x256x1xf32> to vector<256x1xf32>
    %get3A_14 = arith.constant 0 : index
    %get3A_15 = arith.constant 0 : index
    %get3A_16 = arith.constant 0 : index
    %get3A_17 = vector.load %arg3[%get3A_14, %get3A_15, %get3A_16] : memref<1x1x4096xf32, #tpu.memory_space<vmem>>, vector<1x1x4096xf32>
    %get3A_18 = vector.shape_cast %get3A_17 : vector<1x1x4096xf32> to vector<1x4096xf32>
    %get3A_19 = arith.constant 0 : index
    %get3A_20 = arith.constant 0 : index
    %get3A_21 = arith.constant 0 : index
    %get3A_22 = vector.load %arg4[%get3A_19, %get3A_20, %get3A_21] : memref<1x1x4096xf32, #tpu.memory_space<vmem>>, vector<1x1x4096xf32>
    %get3A_23 = vector.shape_cast %get3A_22 : vector<1x1x4096xf32> to vector<1x4096xf32>
    %get3A_24 = arith.constant 0 : index
    %get3A_25 = arith.constant 0 : index
    %get3A_26 = arith.constant 0 : index
    %get3A_27 = vector.load %arg5[%get3A_24, %get3A_25, %get3A_26] : memref<1x1x4096xf32, #tpu.memory_space<vmem>>, vector<1x1x4096xf32>
    %get3A_28 = vector.shape_cast %get3A_27 : vector<1x1x4096xf32> to vector<1x4096xf32>
    %sub3A = vector.broadcast %get3A_3 : vector<256x1xf32> to vector<256x4096xf32>
    %sub3A_29 = vector.broadcast %get3A_18 : vector<1x4096xf32> to vector<256x4096xf32>
    %sub3A_30 = arith.subf %sub3A, %sub3A_29 : vector<256x4096xf32>
    %sub3A_31 = vector.broadcast %get3A_8 : vector<256x1xf32> to vector<256x4096xf32>
    %sub3A_32 = vector.broadcast %get3A_23 : vector<1x4096xf32> to vector<256x4096xf32>
    %sub3A_33 = arith.subf %sub3A_31, %sub3A_32 : vector<256x4096xf32>
    %sub3A_34 = vector.broadcast %get3A_13 : vector<256x1xf32> to vector<256x4096xf32>
    %sub3A_35 = vector.broadcast %get3A_28 : vector<1x4096xf32> to vector<256x4096xf32>
    %sub3A_36 = arith.subf %sub3A_34, %sub3A_35 : vector<256x4096xf32>
    %mul3A = arith.mulf %sub3A_30, %sub3A_30 : vector<256x4096xf32>
    %mul3A_37 = arith.mulf %sub3A_33, %sub3A_33 : vector<256x4096xf32>
    %add3A = arith.addf %mul3A, %mul3A_37 : vector<256x4096xf32>
    %mul3A_38 = arith.mulf %sub3A_36, %sub3A_36 : vector<256x4096xf32>
    %add3A_39 = arith.addf %add3A, %mul3A_38 : vector<256x4096xf32>
    %iota3A = tpu.iota {dimensions = array<i32: 1>} : vector<64x4096xi32>
    %slice3A = vector.extract_strided_slice %add3A_39 {offsets = [0, 0], sizes = [64, 4096], strides = [1, 1]} : vector<256x4096xf32> to vector<64x4096xf32>
    %slice3A_40 = vector.extract_strided_slice %add3A_39 {offsets = [64, 0], sizes = [64, 4096], strides = [1, 1]} : vector<256x4096xf32> to vector<64x4096xf32>
    %slice3A_41 = vector.extract_strided_slice %add3A_39 {offsets = [128, 0], sizes = [64, 4096], strides = [1, 1]} : vector<256x4096xf32> to vector<64x4096xf32>
    %slice3A_42 = vector.extract_strided_slice %add3A_39 {offsets = [192, 0], sizes = [64, 4096], strides = [1, 1]} : vector<256x4096xf32> to vector<64x4096xf32>
    %reduce_min3A = arith.constant dense<0x7F800000> : vector<64xf32>
    %reduce_min3A_43 = vector.multi_reduction <minimumf>, %slice3A, %reduce_min3A [1] : vector<64x4096xf32> to vector<64xf32>
    %broadcast_in_dim3A = vector.shape_cast %reduce_min3A_43 : vector<64xf32> to vector<64x1xf32>
    %eq3A = vector.broadcast %broadcast_in_dim3A : vector<64x1xf32> to vector<64x4096xf32>
    %eq3A_44 = arith.cmpf oeq, %slice3A, %eq3A : vector<64x4096xf32>
    %jit3A = arith.constant 4096 : i32
    %broadcast_in_dim3A_45 = vector.broadcast %jit3A : i32 to vector<64x4096xi32>
    %select_n3A = arith.select %eq3A_44, %iota3A, %broadcast_in_dim3A_45 : vector<64x4096xi1>, vector<64x4096xi32>
    %reduce_min3A_46 = arith.constant dense<2147483647> : vector<64xi32>
    %reduce_min3A_47 = vector.multi_reduction <minsi>, %select_n3A, %reduce_min3A_46 [1] : vector<64x4096xi32> to vector<64xi32>
    %broadcast_in_dim3A_48 = vector.shape_cast %reduce_min3A_47 : vector<64xi32> to vector<64x1xi32>
    %swap3A = arith.constant 0 : index
    %swap3A_49 = arith.constant 0 : index
    %swap3A_50 = arith.constant 0 : index
    %swap3A_51 = vector.load %arg6[%swap3A, %swap3A_49, %swap3A_50] : memref<1x256x16xi32, #tpu.memory_space<vmem>>, vector<1x64x1xi32>
    %swap3A_52 = vector.shape_cast %swap3A_51 : vector<1x64x1xi32> to vector<64x1xi32>
    %swap3A_53 = vector.shape_cast %broadcast_in_dim3A_48 : vector<64x1xi32> to vector<1x64x1xi32>
    tpu.vector_store %arg6[%swap3A, %swap3A_49, %swap3A_50], %swap3A_53 {strides = array<i32>} : memref<1x256x16xi32, #tpu.memory_space<vmem>>, vector<1x64x1xi32>,
    %eq3A_54 = vector.broadcast %broadcast_in_dim3A_48 : vector<64x1xi32> to vector<64x4096xi32>
    %eq3A_55 = arith.cmpi eq, %iota3A, %eq3A_54 : vector<64x4096xi32>
    %jit3A_56 = arith.constant 0x7F800000 : f32
    %broadcast_in_dim3A_57 = vector.broadcast %jit3A_56 : f32 to vector<64x4096xf32>
    %select_n3A_58 = arith.select %eq3A_55, %broadcast_in_dim3A_57, %slice3A : vector<64x4096xi1>, vector<64x4096xf32>
    %reduce_min3A_59 = arith.constant dense<0x7F800000> : vector<64xf32>
    %reduce_min3A_60 = vector.multi_reduction <minimumf>, %slice3A_40, %reduce_min3A_59 [1] : vector<64x4096xf32> to vector<64xf32>
    %broadcast_in_dim3A_61 = vector.shape_cast %reduce_min3A_60 : vector<64xf32> to vector<64x1xf32>
    %eq3A_62 = vector.broadcast %broadcast_in_dim3A_61 : vector<64x1xf32> to vector<64x4096xf32>
    %eq3A_63 = arith.cmpf oeq, %slice3A_40, %eq3A_62 : vector<64x4096xf32>
    %jit3A_64 = arith.constant 4096 : i32
    %broadcast_in_dim3A_65 = vector.broadcast %jit3A_64 : i32 to vector<64x4096xi32>
    %select_n3A_66 = arith.select %eq3A_63, %iota3A, %broadcast_in_dim3A_65 : vector<64x4096xi1>, vector<64x4096xi32>
    %reduce_min3A_67 = arith.constant dense<2147483647> : vector<64xi32>
    %reduce_min3A_68 = vector.multi_reduction <minsi>, %select_n3A_66, %reduce_min3A_67 [1] : vector<64x4096xi32> to vector<64xi32>
    %broadcast_in_dim3A_69 = vector.shape_cast %reduce_min3A_68 : vector<64xi32> to vector<64x1xi32>
    %swap3A_70 = arith.constant 0 : index
    %swap3A_71 = arith.constant 64 : index
    %swap3A_72 = arith.constant 0 : index
    %swap3A_73 = vector.load %arg6[%swap3A_70, %swap3A_71, %swap3A_72] : memref<1x256x16xi32, #tpu.memory_space<vmem>>, vector<1x64x1xi32>
    %swap3A_74 = vector.shape_cast %swap3A_73 : vector<1x64x1xi32> to vector<64x1xi32>
    %swap3A_75 = vector.shape_cast %broadcast_in_dim3A_69 : vector<64x1xi32> to vector<1x64x1xi32>
    tpu.vector_store %arg6[%swap3A_70, %swap3A_71, %swap3A_72], %swap3A_75 {strides = array<i32>} : memref<1x256x16xi32, #tpu.memory_space<vmem>>, vector<1x64x1xi32>,
    %eq3A_76 = vector.broadcast %broadcast_in_dim3A_69 : vector<64x1xi32> to vector<64x4096xi32>
    %eq3A_77 = arith.cmpi eq, %iota3A, %eq3A_76 : vector<64x4096xi32>
    %jit3A_78 = arith.constant 0x7F800000 : f32
    %broadcast_in_dim3A_79 = vector.broadcast %jit3A_78 : f32 to vector<64x4096xf32>
    %select_n3A_80 = arith.select %eq3A_77, %broadcast_in_dim3A_79, %slice3A_40 : vector<64x4096xi1>, vector<64x4096xf32>
    %reduce_min3A_81 = arith.constant dense<0x7F800000> : vector<64xf32>
    %reduce_min3A_82 = vector.multi_reduction <minimumf>, %slice3A_41, %reduce_min3A_81 [1] : vector<64x4096xf32> to vector<64xf32>
    %broadcast_in_dim3A_83 = vector.shape_cast %reduce_min3A_82 : vector<64xf32> to vector<64x1xf32>
    %eq3A_84 = vector.broadcast %broadcast_in_dim3A_83 : vector<64x1xf32> to vector<64x4096xf32>
    %eq3A_85 = arith.cmpf oeq, %slice3A_41, %eq3A_84 : vector<64x4096xf32>
    %jit3A_86 = arith.constant 4096 : i32
    %broadcast_in_dim3A_87 = vector.broadcast %jit3A_86 : i32 to vector<64x4096xi32>
    %select_n3A_88 = arith.select %eq3A_85, %iota3A, %broadcast_in_dim3A_87 : vector<64x4096xi1>, vector<64x4096xi32>
    %reduce_min3A_89 = arith.constant dense<2147483647> : vector<64xi32>
    %reduce_min3A_90 = vector.multi_reduction <minsi>, %select_n3A_88, %reduce_min3A_89 [1] : vector<64x4096xi32> to vector<64xi32>
    %broadcast_in_dim3A_91 = vector.shape_cast %reduce_min3A_90 : vector<64xi32> to vector<64x1xi32>
    %swap3A_92 = arith.constant 0 : index
    %swap3A_93 = arith.constant 128 : index
    %swap3A_94 = arith.constant 0 : index
    %swap3A_95 = vector.load %arg6[%swap3A_92, %swap3A_93, %swap3A_94] : memref<1x256x16xi32, #tpu.memory_space<vmem>>, vector<1x64x1xi32>
    %swap3A_96 = vector.shape_cast %swap3A_95 : vector<1x64x1xi32> to vector<64x1xi32>
    %swap3A_97 = vector.shape_cast %broadcast_in_dim3A_91 : vector<64x1xi32> to vector<1x64x1xi32>
    tpu.vector_store %arg6[%swap3A_92, %swap3A_93, %swap3A_94], %swap3A_97 {strides = array<i32>} : memref<1x256x16xi32, #tpu.memory_space<vmem>>, vector<1x64x1xi32>,
    %eq3A_98 = vector.broadcast %broadcast_in_dim3A_91 : vector<64x1xi32> to vector<64x4096xi32>
    %eq3A_99 = arith.cmpi eq, %iota3A, %eq3A_98 : vector<64x4096xi32>
    %jit3A_100 = arith.constant 0x7F800000 : f32
    %broadcast_in_dim3A_101 = vector.broadcast %jit3A_100 : f32 to vector<64x4096xf32>
    %select_n3A_102 = arith.select %eq3A_99, %broadcast_in_dim3A_101, %slice3A_41 : vector<64x4096xi1>, vector<64x4096xf32>
    %reduce_min3A_103 = arith.constant dense<0x7F800000> : vector<64xf32>
    %reduce_min3A_104 = vector.multi_reduction <minimumf>, %slice3A_42, %reduce_min3A_103 [1] : vector<64x4096xf32> to vector<64xf32>
    %broadcast_in_dim3A_105 = vector.shape_cast %reduce_min3A_104 : vector<64xf32> to vector<64x1xf32>
    %eq3A_106 = vector.broadcast %broadcast_in_dim3A_105 : vector<64x1xf32> to vector<64x4096xf32>
    %eq3A_107 = arith.cmpf oeq, %slice3A_42, %eq3A_106 : vector<64x4096xf32>
    %jit3A_108 = arith.constant 4096 : i32
    %broadcast_in_dim3A_109 = vector.broadcast %jit3A_108 : i32 to vector<64x4096xi32>
    %select_n3A_110 = arith.select %eq3A_107, %iota3A, %broadcast_in_dim3A_109 : vector<64x4096xi1>, vector<64x4096xi32>
    %reduce_min3A_111 = arith.constant dense<2147483647> : vector<64xi32>
    %reduce_min3A_112 = vector.multi_reduction <minsi>, %select_n3A_110, %reduce_min3A_111 [1] : vector<64x4096xi32> to vector<64xi32>
    %broadcast_in_dim3A_113 = vector.shape_cast %reduce_min3A_112 : vector<64xi32> to vector<64x1xi32>
    %swap3A_114 = arith.constant 0 : index
    %swap3A_115 = arith.constant 192 : index
    %swap3A_116 = arith.constant 0 : index
    %swap3A_117 = vector.load %arg6[%swap3A_114, %swap3A_115, %swap3A_116] : memref<1x256x16xi32, #tpu.memory_space<vmem>>, vector<1x64x1xi32>
    %swap3A_118 = vector.shape_cast %swap3A_117 : vector<1x64x1xi32> to vector<64x1xi32>
    %swap3A_119 = vector.shape_cast %broadcast_in_dim3A_113 : vector<64x1xi32> to vector<1x64x1xi32>
    tpu.vector_store %arg6[%swap3A_114, %swap3A_115, %swap3A_116], %swap3A_119 {strides = array<i32>} : memref<1x256x16xi32, #tpu.memory_space<vmem>>, vector<1x64x1xi32>,
    %eq3A_120 = vector.broadcast %broadcast_in_dim3A_113 : vector<64x1xi32> to vector<64x4096xi32>
    %eq3A_121 = arith.cmpi eq, %iota3A, %eq3A_120 : vector<64x4096xi32>
    %jit3A_122 = arith.constant 0x7F800000 : f32
    %broadcast_in_dim3A_123 = vector.broadcast %jit3A_122 : f32 to vector<64x4096xf32>
    %select_n3A_124 = arith.select %eq3A_121, %broadcast_in_dim3A_123, %slice3A_42 : vector<64x4096xi1>, vector<64x4096xf32>
    %reduce_min3A_125 = arith.constant dense<0x7F800000> : vector<64xf32>
    %reduce_min3A_126 = vector.multi_reduction <minimumf>, %select_n3A_58, %reduce_min3A_125 [1] : vector<64x4096xf32> to vector<64xf32>
    %broadcast_in_dim3A_127 = vector.shape_cast %reduce_min3A_126 : vector<64xf32> to vector<64x1xf32>
    %eq3A_128 = vector.broadcast %broadcast_in_dim3A_127 : vector<64x1xf32> to vector<64x4096xf32>
    %eq3A_129 = arith.cmpf oeq, %select_n3A_58, %eq3A_128 : vector<64x4096xf32>
    %jit3A_130 = arith.constant 4096 : i32
    %broadcast_in_dim3A_131 = vector.broadcast %jit3A_130 : i32 to vector<64x4096xi32>
    %select_n3A_132 = arith.select %eq3A_129, %iota3A, %broadcast_in_dim3A_131 : vector<64x4096xi1>, vector<64x4096xi32>
    %reduce_min3A_133 = arith.constant dense<2147483647> : vector<64xi32>
    %reduce_min3A_134 = vector.multi_reduction <minsi>, %select_n3A_132, %reduce_min3A_133 [1] : vector<64x4096xi32> to vector<64xi32>
    %broadcast_in_dim3A_135 = vector.shape_cast %reduce_min3A_134 : vector<64xi32> to vector<64x1xi32>
    %swap3A_136 = arith.constant 0 : index
    %swap3A_137 = arith.constant 0 : index
    %swap3A_138 = arith.constant 1 : index
    %swap3A_139 = vector.load %arg6[%swap3A_136, %swap3A_137, %swap3A_138] : memref<1x256x16xi32, #tpu.memory_space<vmem>>, vector<1x64x1xi32>
    %swap3A_140 = vector.shape_cast %swap3A_139 : vector<1x64x1xi32> to vector<64x1xi32>
    %swap3A_141 = vector.shape_cast %broadcast_in_dim3A_135 : vector<64x1xi32> to vector<1x64x1xi32>
    tpu.vector_store %arg6[%swap3A_136, %swap3A_137, %swap3A_138], %swap3A_141 {strides = array<i32>} : memref<1x256x16xi32, #tpu.memory_space<vmem>>, vector<1x64x1xi32>,
    %eq3A_142 = vector.broadcast %broadcast_in_dim3A_135 : vector<64x1xi32> to vector<64x4096xi32>
    %eq3A_143 = arith.cmpi eq, %iota3A, %eq3A_142 : vector<64x4096xi32>
    %jit3A_144 = arith.constant 0x7F800000 : f32
    %broadcast_in_dim3A_145 = vector.broadcast %jit3A_144 : f32 to vector<64x4096xf32>
    %select_n3A_146 = arith.select %eq3A_143, %broadcast_in_dim3A_145, %select_n3A_58 : vector<64x4096xi1>, vector<64x4096xf32>
    %reduce_min3A_147 = arith.constant dense<0x7F800000> : vector<64xf32>
    %reduce_min3A_148 = vector.multi_reduction <minimumf>, %select_n3A_80, %reduce_min3A_147 [1] : vector<64x4096xf32> to vector<64xf32>
    %broadcast_in_dim3A_149 = vector.shape_cast %reduce_min3A_148 : vector<64xf32> to vector<64x1xf32>
    %eq3A_150 = vector.broadcast %broadcast_in_dim3A_149 : vector<64x1xf32> to vector<64x4096xf32>
    %eq3A_151 = arith.cmpf oeq, %select_n3A_80, %eq3A_150 : vector<64x4096xf32>
    %jit3A_152 = arith.constant 4096 : i32
    %broadcast_in_dim3A_153 = vector.broadcast %jit3A_152 : i32 to vector<64x4096xi32>
    %select_n3A_154 = arith.select %eq3A_151, %iota3A, %broadcast_in_dim3A_153 : vector<64x4096xi1>, vector<64x4096xi32>
    %reduce_min3A_155 = arith.constant dense<2147483647> : vector<64xi32>
    %reduce_min3A_156 = vector.multi_reduction <minsi>, %select_n3A_154, %reduce_min3A_155 [1] : vector<64x4096xi32> to vector<64xi32>
    %broadcast_in_dim3A_157 = vector.shape_cast %reduce_min3A_156 : vector<64xi32> to vector<64x1xi32>
    %swap3A_158 = arith.constant 0 : index
    %swap3A_159 = arith.constant 64 : index
    %swap3A_160 = arith.constant 1 : index
    %swap3A_161 = vector.load %arg6[%swap3A_158, %swap3A_159, %swap3A_160] : memref<1x256x16xi32, #tpu.memory_space<vmem>>, vector<1x64x1xi32>
    %swap3A_162 = vector.shape_cast %swap3A_161 : vector<1x64x1xi32> to vector<64x1xi32>
    %swap3A_163 = vector.shape_cast %broadcast_in_dim3A_157 : vector<64x1xi32> to vector<1x64x1xi32>
    tpu.vector_store %arg6[%swap3A_158, %swap3A_159, %swap3A_160], %swap3A_163 {strides = array<i32>} : memref<1x256x16xi32, #tpu.memory_space<vmem>>, vector<1x64x1xi32>,
    %eq3A_164 = vector.broadcast %broadcast_in_dim3A_157 : vector<64x1xi32> to vector<64x4096xi32>
    %eq3A_165 = arith.cmpi eq, %iota3A, %eq3A_164 : vector<64x4096xi32>
    %jit3A_166 = arith.constant 0x7F800000 : f32
    %broadcast_in_dim3A_167 = vector.broadcast %jit3A_166 : f32 to vector<64x4096xf32>
    %select_n3A_168 = arith.select %eq3A_165, %broadcast_in_dim3A_167, %select_n3A_80 : vector<64x4096xi1>, vector<64x4096xf32>
    %reduce_min3A_169 = arith.constant dense<0x7F800000> : vector<64xf32>
    %reduce_min3A_170 = vector.multi_reduction <minimumf>, %select_n3A_102, %reduce_min3A_169 [1] : vector<64x4096xf32> to vector<64xf32>
    %broadcast_in_dim3A_171 = vector.shape_cast %reduce_min3A_170 : vector<64xf32> to vector<64x1xf32>
    %eq3A_172 = vector.broadcast %broadcast_in_dim3A_171 : vector<64x1xf32> to vector<64x4096xf32>
    %eq3A_173 = arith.cmpf oeq, %select_n3A_102, %eq3A_172 : vector<64x4096xf32>
    %jit3A_174 = arith.constant 4096 : i32
    %broadcast_in_dim3A_175 = vector.broadcast %jit3A_174 : i32 to vector<64x4096xi32>
    %select_n3A_176 = arith.select %eq3A_173, %iota3A, %broadcast_in_dim3A_175 : vector<64x4096xi1>, vector<64x4096xi32>
    %reduce_min3A_177 = arith.constant dense<2147483647> : vector<64xi32>
    %reduce_min3A_178 = vector.multi_reduction <minsi>, %select_n3A_176, %reduce_min3A_177 [1] : vector<64x4096xi32> to vector<64xi32>
    %broadcast_in_dim3A_179 = vector.shape_cast %reduce_min3A_178 : vector<64xi32> to vector<64x1xi32>
    %swap3A_180 = arith.constant 0 : index
    %swap3A_181 = arith.constant 128 : index
    %swap3A_182 = arith.constant 1 : index
    %swap3A_183 = vector.load %arg6[%swap3A_180, %swap3A_181, %swap3A_182] : memref<1x256x16xi32, #tpu.memory_space<vmem>>, vector<1x64x1xi32>
    %swap3A_184 = vector.shape_cast %swap3A_183 : vector<1x64x1xi32> to vector<64x1xi32>
    %swap3A_185 = vector.shape_cast %broadcast_in_dim3A_179 : vector<64x1xi32> to vector<1x64x1xi32>
    tpu.vector_store %arg6[%swap3A_180, %swap3A_181, %swap3A_182], %swap3A_185 {strides = array<i32>} : memref<1x256x16xi32, #tpu.memory_space<vmem>>, vector<1x64x1xi32>,
    %eq3A_186 = vector.broadcast %broadcast_in_dim3A_179 : vector<64x1xi32> to vector<64x4096xi32>
    %eq3A_187 = arith.cmpi eq, %iota3A, %eq3A_186 : vector<64x4096xi32>
    %jit3A_188 = arith.constant 0x7F800000 : f32
    %broadcast_in_dim3A_189 = vector.broadcast %jit3A_188 : f32 to vector<64x4096xf32>
    %select_n3A_190 = arith.select %eq3A_187, %broadcast_in_dim3A_189, %select_n3A_102 : vector<64x4096xi1>, vector<64x4096xf32>
    %reduce_min3A_191 = arith.constant dense<0x7F800000> : vector<64xf32>
    %reduce_min3A_192 = vector.multi_reduction <minimumf>, %select_n3A_124, %reduce_min3A_191 [1] : vector<64x4096xf32> to vector<64xf32>
    %broadcast_in_dim3A_193 = vector.shape_cast %reduce_min3A_192 : vector<64xf32> to vector<64x1xf32>
    %eq3A_194 = vector.broadcast %broadcast_in_dim3A_193 : vector<64x1xf32> to vector<64x4096xf32>
    %eq3A_195 = arith.cmpf oeq, %select_n3A_124, %eq3A_194 : vector<64x4096xf32>
    %jit3A_196 = arith.constant 4096 : i32
    %broadcast_in_dim3A_197 = vector.broadcast %jit3A_196 : i32 to vector<64x4096xi32>
    %select_n3A_198 = arith.select %eq3A_195, %iota3A, %broadcast_in_dim3A_197 : vector<64x4096xi1>, vector<64x4096xi32>
    %reduce_min3A_199 = arith.constant dense<2147483647> : vector<64xi32>
    %reduce_min3A_200 = vector.multi_reduction <minsi>, %select_n3A_198, %reduce_min3A_199 [1] : vector<64x4096xi32> to vector<64xi32>
    %broadcast_in_dim3A_201 = vector.shape_cast %reduce_min3A_200 : vector<64xi32> to vector<64x1xi32>
    %swap3A_202 = arith.constant 0 : index
    %swap3A_203 = arith.constant 192 : index
    %swap3A_204 = arith.constant 1 : index
    %swap3A_205 = vector.load %arg6[%swap3A_202, %swap3A_203, %swap3A_204] : memref<1x256x16xi32, #tpu.memory_space<vmem>>, vector<1x64x1xi32>
    %swap3A_206 = vector.shape_cast %swap3A_205 : vector<1x64x1xi32> to vector<64x1xi32>
    %swap3A_207 = vector.shape_cast %broadcast_in_dim3A_201 : vector<64x1xi32> to vector<1x64x1xi32>
    tpu.vector_store %arg6[%swap3A_202, %swap3A_203, %swap3A_204], %swap3A_207 {strides = array<i32>} : memref<1x256x16xi32, #tpu.memory_space<vmem>>, vector<1x64x1xi32>,
    %eq3A_208 = vector.broadcast %broadcast_in_dim3A_201 : vector<64x1xi32> to vector<64x4096xi32>
    %eq3A_209 = arith.cmpi eq, %iota3A, %eq3A_208 : vector<64x4096xi32>
    %jit3A_210 = arith.constant 0x7F800000 : f32
    %broadcast_in_dim3A_211 = vector.broadcast %jit3A_210 : f32 to vector<64x4096xf32>
    %select_n3A_212 = arith.select %eq3A_209, %broadcast_in_dim3A_211, %select_n3A_124 : vector<64x4096xi1>, vector<64x4096xf32>
    %reduce_min3A_213 = arith.constant dense<0x7F800000> : vector<64xf32>
    %reduce_min3A_214 = vector.multi_reduction <minimumf>, %select_n3A_146, %reduce_min3A_213 [1] : vector<64x4096xf32> to vector<64xf32>
    %broadcast_in_dim3A_215 = vector.shape_cast %reduce_min3A_214 : vector<64xf32> to vector<64x1xf32>
    %eq3A_216 = vector.broadcast %broadcast_in_dim3A_215 : vector<64x1xf32> to vector<64x4096xf32>
    %eq3A_217 = arith.cmpf oeq, %select_n3A_146, %eq3A_216 : vector<64x4096xf32>
    %jit3A_218 = arith.constant 4096 : i32
    %broadcast_in_dim3A_219 = vector.broadcast %jit3A_218 : i32 to vector<64x4096xi32>
    %select_n3A_220 = arith.select %eq3A_217, %iota3A, %broadcast_in_dim3A_219 : vector<64x4096xi1>, vector<64x4096xi32>
    %reduce_min3A_221 = arith.constant dense<2147483647> : vector<64xi32>
    %reduce_min3A_222 = vector.multi_reduction <minsi>, %select_n3A_220, %reduce_min3A_221 [1] : vector<64x4096xi32> to vector<64xi32>
    %broadcast_in_dim3A_223 = vector.shape_cast %reduce_min3A_222 : vector<64xi32> to vector<64x1xi32>
    %swap3A_224 = arith.constant 0 : index
    %swap3A_225 = arith.constant 0 : index
    %swap3A_226 = arith.constant 2 : index
    %swap3A_227 = vector.load %arg6[%swap3A_224, %swap3A_225, %swap3A_226] : memref<1x256x16xi32, #tpu.memory_space<vmem>>, vector<1x64x1xi32>
    %swap3A_228 = vector.shape_cast %swap3A_227 : vector<1x64x1xi32> to vector<64x1xi32>
    %swap3A_229 = vector.shape_cast %broadcast_in_dim3A_223 : vector<64x1xi32> to vector<1x64x1xi32>
    tpu.vector_store %arg6[%swap3A_224, %swap3A_225, %swap3A_226], %swap3A_229 {strides = array<i32>} : memref<1x256x16xi32, #tpu.memory_space<vmem>>, vector<1x64x1xi32>,
    %eq3A_230 = vector.broadcast %broadcast_in_dim3A_223 : vector<64x1xi32> to vector<64x4096xi32>
    %eq3A_231 = arith.cmpi eq, %iota3A, %eq3A_230 : vector<64x4096xi32>
    %jit3A_232 = arith.constant 0x7F800000 : f32
    %broadcast_in_dim3A_233 = vector.broadcast %jit3A_232 : f32 to vector<64x4096xf32>
    %select_n3A_234 = arith.select %eq3A_231, %broadcast_in_dim3A_233, %select_n3A_146 : vector<64x4096xi1>, vector<64x4096xf32>
    %reduce_min3A_235 = arith.constant dense<0x7F800000> : vector<64xf32>
    %reduce_min3A_236 = vector.multi_reduction <minimumf>, %select_n3A_168, %reduce_min3A_235 [1] : vector<64x4096xf32> to vector<64xf32>
    %broadcast_in_dim3A_237 = vector.shape_cast %reduce_min3A_236 : vector<64xf32> to vector<64x1xf32>
    %eq3A_238 = vector.broadcast %broadcast_in_dim3A_237 : vector<64x1xf32> to vector<64x4096xf32>
    %eq3A_239 = arith.cmpf oeq, %select_n3A_168, %eq3A_238 : vector<64x4096xf32>
    %jit3A_240 = arith.constant 4096 : i32
    %broadcast_in_dim3A_241 = vector.broadcast %jit3A_240 : i32 to vector<64x4096xi32>
    %select_n3A_242 = arith.select %eq3A_239, %iota3A, %broadcast_in_dim3A_241 : vector<64x4096xi1>, vector<64x4096xi32>
    %reduce_min3A_243 = arith.constant dense<2147483647> : vector<64xi32>
    %reduce_min3A_244 = vector.multi_reduction <minsi>, %select_n3A_242, %reduce_min3A_243 [1] : vector<64x4096xi32> to vector<64xi32>
    %broadcast_in_dim3A_245 = vector.shape_cast %reduce_min3A_244 : vector<64xi32> to vector<64x1xi32>
    %swap3A_246 = arith.constant 0 : index
    %swap3A_247 = arith.constant 64 : index
    %swap3A_248 = arith.constant 2 : index
    %swap3A_249 = vector.load %arg6[%swap3A_246, %swap3A_247, %swap3A_248] : memref<1x256x16xi32, #tpu.memory_space<vmem>>, vector<1x64x1xi32>
    %swap3A_250 = vector.shape_cast %swap3A_249 : vector<1x64x1xi32> to vector<64x1xi32>
    %swap3A_251 = vector.shape_cast %broadcast_in_dim3A_245 : vector<64x1xi32> to vector<1x64x1xi32>
    tpu.vector_store %arg6[%swap3A_246, %swap3A_247, %swap3A_248], %swap3A_251 {strides = array<i32>} : memref<1x256x16xi32, #tpu.memory_space<vmem>>, vector<1x64x1xi32>,
    %eq3A_252 = vector.broadcast %broadcast_in_dim3A_245 : vector<64x1xi32> to vector<64x4096xi32>
    %eq3A_253 = arith.cmpi eq, %iota3A, %eq3A_252 : vector<64x4096xi32>
    %jit3A_254 = arith.constant 0x7F800000 : f32
    %broadcast_in_dim3A_255 = vector.broadcast %jit3A_254 : f32 to vector<64x4096xf32>
    %select_n3A_256 = arith.select %eq3A_253, %broadcast_in_dim3A_255, %select_n3A_168 : vector<64x4096xi1>, vector<64x4096xf32>
    %reduce_min3A_257 = arith.constant dense<0x7F800000> : vector<64xf32>
    %reduce_min3A_258 = vector.multi_reduction <minimumf>, %select_n3A_190, %reduce_min3A_257 [1] : vector<64x4096xf32> to vector<64xf32>
    %broadcast_in_dim3A_259 = vector.shape_cast %reduce_min3A_258 : vector<64xf32> to vector<64x1xf32>
    %eq3A_260 = vector.broadcast %broadcast_in_dim3A_259 : vector<64x1xf32> to vector<64x4096xf32>
    %eq3A_261 = arith.cmpf oeq, %select_n3A_190, %eq3A_260 : vector<64x4096xf32>
    %jit3A_262 = arith.constant 4096 : i32
    %broadcast_in_dim3A_263 = vector.broadcast %jit3A_262 : i32 to vector<64x4096xi32>
    %select_n3A_264 = arith.select %eq3A_261, %iota3A, %broadcast_in_dim3A_263 : vector<64x4096xi1>, vector<64x4096xi32>
    %reduce_min3A_265 = arith.constant dense<2147483647> : vector<64xi32>
    %reduce_min3A_266 = vector.multi_reduction <minsi>, %select_n3A_264, %reduce_min3A_265 [1] : vector<64x4096xi32> to vector<64xi32>
    %broadcast_in_dim3A_267 = vector.shape_cast %reduce_min3A_266 : vector<64xi32> to vector<64x1xi32>
    %swap3A_268 = arith.constant 0 : index
    %swap3A_269 = arith.constant 128 : index
    %swap3A_270 = arith.constant 2 : index
    %swap3A_271 = vector.load %arg6[%swap3A_268, %swap3A_269, %swap3A_270] : memref<1x256x16xi32, #tpu.memory_space<vmem>>, vector<1x64x1xi32>
    %swap3A_272 = vector.shape_cast %swap3A_271 : vector<1x64x1xi32> to vector<64x1xi32>
    %swap3A_273 = vector.shape_cast %broadcast_in_dim3A_267 : vector<64x1xi32> to vector<1x64x1xi32>
    tpu.vector_store %arg6[%swap3A_268, %swap3A_269, %swap3A_270], %swap3A_273 {strides = array<i32>} : memref<1x256x16xi32, #tpu.memory_space<vmem>>, vector<1x64x1xi32>,
    %eq3A_274 = vector.broadcast %broadcast_in_dim3A_267 : vector<64x1xi32> to vector<64x4096xi32>
    %eq3A_275 = arith.cmpi eq, %iota3A, %eq3A_274 : vector<64x4096xi32>
    %jit3A_276 = arith.constant 0x7F800000 : f32
    %broadcast_in_dim3A_277 = vector.broadcast %jit3A_276 : f32 to vector<64x4096xf32>
    %select_n3A_278 = arith.select %eq3A_275, %broadcast_in_dim3A_277, %select_n3A_190 : vector<64x4096xi1>, vector<64x4096xf32>
    %reduce_min3A_279 = arith.constant dense<0x7F800000> : vector<64xf32>
    %reduce_min3A_280 = vector.multi_reduction <minimumf>, %select_n3A_212, %reduce_min3A_279 [1] : vector<64x4096xf32> to vector<64xf32>
    %broadcast_in_dim3A_281 = vector.shape_cast %reduce_min3A_280 : vector<64xf32> to vector<64x1xf32>
    %eq3A_282 = vector.broadcast %broadcast_in_dim3A_281 : vector<64x1xf32> to vector<64x4096xf32>
    %eq3A_283 = arith.cmpf oeq, %select_n3A_212, %eq3A_282 : vector<64x4096xf32>
    %jit3A_284 = arith.constant 4096 : i32
    %broadcast_in_dim3A_285 = vector.broadcast %jit3A_284 : i32 to vector<64x4096xi32>
    %select_n3A_286 = arith.select %eq3A_283, %iota3A, %broadcast_in_dim3A_285 : vector<64x4096xi1>, vector<64x4096xi32>
    %reduce_min3A_287 = arith.constant dense<2147483647> : vector<64xi32>
    %reduce_min3A_288 = vector.multi_reduction <minsi>, %select_n3A_286, %reduce_min3A_287 [1] : vector<64x4096xi32> to vector<64xi32>
    %broadcast_in_dim3A_289 = vector.shape_cast %reduce_min3A_288 : vector<64xi32> to vector<64x1xi32>
    %swap3A_290 = arith.constant 0 : index
    %swap3A_291 = arith.constant 192 : index
    %swap3A_292 = arith.constant 2 : index
    %swap3A_293 = vector.load %arg6[%swap3A_290, %swap3A_291, %swap3A_292] : memref<1x256x16xi32, #tpu.memory_space<vmem>>, vector<1x64x1xi32>
    %swap3A_294 = vector.shape_cast %swap3A_293 : vector<1x64x1xi32> to vector<64x1xi32>
    %swap3A_295 = vector.shape_cast %broadcast_in_dim3A_289 : vector<64x1xi32> to vector<1x64x1xi32>
    tpu.vector_store %arg6[%swap3A_290, %swap3A_291, %swap3A_292], %swap3A_295 {strides = array<i32>} : memref<1x256x16xi32, #tpu.memory_space<vmem>>, vector<1x64x1xi32>,
    %eq3A_296 = vector.broadcast %broadcast_in_dim3A_289 : vector<64x1xi32> to vector<64x4096xi32>
    %eq3A_297 = arith.cmpi eq, %iota3A, %eq3A_296 : vector<64x4096xi32>
    %jit3A_298 = arith.constant 0x7F800000 : f32
    %broadcast_in_dim3A_299 = vector.broadcast %jit3A_298 : f32 to vector<64x4096xf32>
    %select_n3A_300 = arith.select %eq3A_297, %broadcast_in_dim3A_299, %select_n3A_212 : vector<64x4096xi1>, vector<64x4096xf32>
    %reduce_min3A_301 = arith.constant dense<0x7F800000> : vector<64xf32>
    %reduce_min3A_302 = vector.multi_reduction <minimumf>, %select_n3A_234, %reduce_min3A_301 [1] : vector<64x4096xf32> to vector<64xf32>
    %broadcast_in_dim3A_303 = vector.shape_cast %reduce_min3A_302 : vector<64xf32> to vector<64x1xf32>
    %eq3A_304 = vector.broadcast %broadcast_in_dim3A_303 : vector<64x1xf32> to vector<64x4096xf32>
    %eq3A_305 = arith.cmpf oeq, %select_n3A_234, %eq3A_304 : vector<64x4096xf32>
    %jit3A_306 = arith.constant 4096 : i32
    %broadcast_in_dim3A_307 = vector.broadcast %jit3A_306 : i32 to vector<64x4096xi32>
    %select_n3A_308 = arith.select %eq3A_305, %iota3A, %broadcast_in_dim3A_307 : vector<64x4096xi1>, vector<64x4096xi32>
    %reduce_min3A_309 = arith.constant dense<2147483647> : vector<64xi32>
    %reduce_min3A_310 = vector.multi_reduction <minsi>, %select_n3A_308, %reduce_min3A_309 [1] : vector<64x4096xi32> to vector<64xi32>
    %broadcast_in_dim3A_311 = vector.shape_cast %reduce_min3A_310 : vector<64xi32> to vector<64x1xi32>
    %swap3A_312 = arith.constant 0 : index
    %swap3A_313 = arith.constant 0 : index
    %swap3A_314 = arith.constant 3 : index
    %swap3A_315 = vector.load %arg6[%swap3A_312, %swap3A_313, %swap3A_314] : memref<1x256x16xi32, #tpu.memory_space<vmem>>, vector<1x64x1xi32>
    %swap3A_316 = vector.shape_cast %swap3A_315 : vector<1x64x1xi32> to vector<64x1xi32>
    %swap3A_317 = vector.shape_cast %broadcast_in_dim3A_311 : vector<64x1xi32> to vector<1x64x1xi32>
    tpu.vector_store %arg6[%swap3A_312, %swap3A_313, %swap3A_314], %swap3A_317 {strides = array<i32>} : memref<1x256x16xi32, #tpu.memory_space<vmem>>, vector<1x64x1xi32>,
    %eq3A_318 = vector.broadcast %broadcast_in_dim3A_311 : vector<64x1xi32> to vector<64x4096xi32>
    %eq3A_319 = arith.cmpi eq, %iota3A, %eq3A_318 : vector<64x4096xi32>
    %jit3A_320 = arith.constant 0x7F800000 : f32
    %broadcast_in_dim3A_321 = vector.broadcast %jit3A_320 : f32 to vector<64x4096xf32>
    %select_n3A_322 = arith.select %eq3A_319, %broadcast_in_dim3A_321, %select_n3A_234 : vector<64x4096xi1>, vector<64x4096xf32>
    %reduce_min3A_323 = arith.constant dense<0x7F800000> : vector<64xf32>
    %reduce_min3A_324 = vector.multi_reduction <minimumf>, %select_n3A_256, %reduce_min3A_323 [1] : vector<64x4096xf32> to vector<64xf32>
    %broadcast_in_dim3A_325 = vector.shape_cast %reduce_min3A_324 : vector<64xf32> to vector<64x1xf32>
    %eq3A_326 = vector.broadcast %broadcast_in_dim3A_325 : vector<64x1xf32> to vector<64x4096xf32>
    %eq3A_327 = arith.cmpf oeq, %select_n3A_256, %eq3A_326 : vector<64x4096xf32>
    %jit3A_328 = arith.constant 4096 : i32
    %broadcast_in_dim3A_329 = vector.broadcast %jit3A_328 : i32 to vector<64x4096xi32>
    %select_n3A_330 = arith.select %eq3A_327, %iota3A, %broadcast_in_dim3A_329 : vector<64x4096xi1>, vector<64x4096xi32>
    %reduce_min3A_331 = arith.constant dense<2147483647> : vector<64xi32>
    %reduce_min3A_332 = vector.multi_reduction <minsi>, %select_n3A_330, %reduce_min3A_331 [1] : vector<64x4096xi32> to vector<64xi32>
    %broadcast_in_dim3A_333 = vector.shape_cast %reduce_min3A_332 : vector<64xi32> to vector<64x1xi32>
    %swap3A_334 = arith.constant 0 : index
    %swap3A_335 = arith.constant 64 : index
    %swap3A_336 = arith.constant 3 : index
    %swap3A_337 = vector.load %arg6[%swap3A_334, %swap3A_335, %swap3A_336] : memref<1x256x16xi32, #tpu.memory_space<vmem>>, vector<1x64x1xi32>
    %swap3A_338 = vector.shape_cast %swap3A_337 : vector<1x64x1xi32> to vector<64x1xi32>
    %swap3A_339 = vector.shape_cast %broadcast_in_dim3A_333 : vector<64x1xi32> to vector<1x64x1xi32>
    tpu.vector_store %arg6[%swap3A_334, %swap3A_335, %swap3A_336], %swap3A_339 {strides = array<i32>} : memref<1x256x16xi32, #tpu.memory_space<vmem>>, vector<1x64x1xi32>,
    %eq3A_340 = vector.broadcast %broadcast_in_dim3A_333 : vector<64x1xi32> to vector<64x4096xi32>
    %eq3A_341 = arith.cmpi eq, %iota3A, %eq3A_340 : vector<64x4096xi32>
    %jit3A_342 = arith.constant 0x7F800000 : f32
    %broadcast_in_dim3A_343 = vector.broadcast %jit3A_342 : f32 to vector<64x4096xf32>
    %select_n3A_344 = arith.select %eq3A_341, %broadcast_in_dim3A_343, %select_n3A_256 : vector<64x4096xi1>, vector<64x4096xf32>
    %reduce_min3A_345 = arith.constant dense<0x7F800000> : vector<64xf32>
    %reduce_min3A_346 = vector.multi_reduction <minimumf>, %select_n3A_278, %reduce_min3A_345 [1] : vector<64x4096xf32> to vector<64xf32>
    %broadcast_in_dim3A_347 = vector.shape_cast %reduce_min3A_346 : vector<64xf32> to vector<64x1xf32>
    %eq3A_348 = vector.broadcast %broadcast_in_dim3A_347 : vector<64x1xf32> to vector<64x4096xf32>
    %eq3A_349 = arith.cmpf oeq, %select_n3A_278, %eq3A_348 : vector<64x4096xf32>
    %jit3A_350 = arith.constant 4096 : i32
    %broadcast_in_dim3A_351 = vector.broadcast %jit3A_350 : i32 to vector<64x4096xi32>
    %select_n3A_352 = arith.select %eq3A_349, %iota3A, %broadcast_in_dim3A_351 : vector<64x4096xi1>, vector<64x4096xi32>
    %reduce_min3A_353 = arith.constant dense<2147483647> : vector<64xi32>
    %reduce_min3A_354 = vector.multi_reduction <minsi>, %select_n3A_352, %reduce_min3A_353 [1] : vector<64x4096xi32> to vector<64xi32>
    %broadcast_in_dim3A_355 = vector.shape_cast %reduce_min3A_354 : vector<64xi32> to vector<64x1xi32>
    %swap3A_356 = arith.constant 0 : index
    %swap3A_357 = arith.constant 128 : index
    %swap3A_358 = arith.constant 3 : index
    %swap3A_359 = vector.load %arg6[%swap3A_356, %swap3A_357, %swap3A_358] : memref<1x256x16xi32, #tpu.memory_space<vmem>>, vector<1x64x1xi32>
    %swap3A_360 = vector.shape_cast %swap3A_359 : vector<1x64x1xi32> to vector<64x1xi32>
    %swap3A_361 = vector.shape_cast %broadcast_in_dim3A_355 : vector<64x1xi32> to vector<1x64x1xi32>
    tpu.vector_store %arg6[%swap3A_356, %swap3A_357, %swap3A_358], %swap3A_361 {strides = array<i32>} : memref<1x256x16xi32, #tpu.memory_space<vmem>>, vector<1x64x1xi32>,
    %eq3A_362 = vector.broadcast %broadcast_in_dim3A_355 : vector<64x1xi32> to vector<64x4096xi32>
    %eq3A_363 = arith.cmpi eq, %iota3A, %eq3A_362 : vector<64x4096xi32>
    %jit3A_364 = arith.constant 0x7F800000 : f32
    %broadcast_in_dim3A_365 = vector.broadcast %jit3A_364 : f32 to vector<64x4096xf32>
    %select_n3A_366 = arith.select %eq3A_363, %broadcast_in_dim3A_365, %select_n3A_278 : vector<64x4096xi1>, vector<64x4096xf32>
    %reduce_min3A_367 = arith.constant dense<0x7F800000> : vector<64xf32>
    %reduce_min3A_368 = vector.multi_reduction <minimumf>, %select_n3A_300, %reduce_min3A_367 [1] : vector<64x4096xf32> to vector<64xf32>
    %broadcast_in_dim3A_369 = vector.shape_cast %reduce_min3A_368 : vector<64xf32> to vector<64x1xf32>
    %eq3A_370 = vector.broadcast %broadcast_in_dim3A_369 : vector<64x1xf32> to vector<64x4096xf32>
    %eq3A_371 = arith.cmpf oeq, %select_n3A_300, %eq3A_370 : vector<64x4096xf32>
    %jit3A_372 = arith.constant 4096 : i32
    %broadcast_in_dim3A_373 = vector.broadcast %jit3A_372 : i32 to vector<64x4096xi32>
    %select_n3A_374 = arith.select %eq3A_371, %iota3A, %broadcast_in_dim3A_373 : vector<64x4096xi1>, vector<64x4096xi32>
    %reduce_min3A_375 = arith.constant dense<2147483647> : vector<64xi32>
    %reduce_min3A_376 = vector.multi_reduction <minsi>, %select_n3A_374, %reduce_min3A_375 [1] : vector<64x4096xi32> to vector<64xi32>
    %broadcast_in_dim3A_377 = vector.shape_cast %reduce_min3A_376 : vector<64xi32> to vector<64x1xi32>
    %swap3A_378 = arith.constant 0 : index
    %swap3A_379 = arith.constant 192 : index
    %swap3A_380 = arith.constant 3 : index
    %swap3A_381 = vector.load %arg6[%swap3A_378, %swap3A_379, %swap3A_380] : memref<1x256x16xi32, #tpu.memory_space<vmem>>, vector<1x64x1xi32>
    %swap3A_382 = vector.shape_cast %swap3A_381 : vector<1x64x1xi32> to vector<64x1xi32>
    %swap3A_383 = vector.shape_cast %broadcast_in_dim3A_377 : vector<64x1xi32> to vector<1x64x1xi32>
    tpu.vector_store %arg6[%swap3A_378, %swap3A_379, %swap3A_380], %swap3A_383 {strides = array<i32>} : memref<1x256x16xi32, #tpu.memory_space<vmem>>, vector<1x64x1xi32>,
    %eq3A_384 = vector.broadcast %broadcast_in_dim3A_377 : vector<64x1xi32> to vector<64x4096xi32>
    %eq3A_385 = arith.cmpi eq, %iota3A, %eq3A_384 : vector<64x4096xi32>
    %jit3A_386 = arith.constant 0x7F800000 : f32
    %broadcast_in_dim3A_387 = vector.broadcast %jit3A_386 : f32 to vector<64x4096xf32>
    %select_n3A_388 = arith.select %eq3A_385, %broadcast_in_dim3A_387, %select_n3A_300 : vector<64x4096xi1>, vector<64x4096xf32>
    %reduce_min3A_389 = arith.constant dense<0x7F800000> : vector<64xf32>
    %reduce_min3A_390 = vector.multi_reduction <minimumf>, %select_n3A_322, %reduce_min3A_389 [1] : vector<64x4096xf32> to vector<64xf32>
    %broadcast_in_dim3A_391 = vector.shape_cast %reduce_min3A_390 : vector<64xf32> to vector<64x1xf32>
    %eq3A_392 = vector.broadcast %broadcast_in_dim3A_391 : vector<64x1xf32> to vector<64x4096xf32>
    %eq3A_393 = arith.cmpf oeq, %select_n3A_322, %eq3A_392 : vector<64x4096xf32>
    %jit3A_394 = arith.constant 4096 : i32
    %broadcast_in_dim3A_395 = vector.broadcast %jit3A_394 : i32 to vector<64x4096xi32>
    %select_n3A_396 = arith.select %eq3A_393, %iota3A, %broadcast_in_dim3A_395 : vector<64x4096xi1>, vector<64x4096xi32>
    %reduce_min3A_397 = arith.constant dense<2147483647> : vector<64xi32>
    %reduce_min3A_398 = vector.multi_reduction <minsi>, %select_n3A_396, %reduce_min3A_397 [1] : vector<64x4096xi32> to vector<64xi32>
    %broadcast_in_dim3A_399 = vector.shape_cast %reduce_min3A_398 : vector<64xi32> to vector<64x1xi32>
    %swap3A_400 = arith.constant 0 : index
    %swap3A_401 = arith.constant 0 : index
    %swap3A_402 = arith.constant 4 : index
    %swap3A_403 = vector.load %arg6[%swap3A_400, %swap3A_401, %swap3A_402] : memref<1x256x16xi32, #tpu.memory_space<vmem>>, vector<1x64x1xi32>
    %swap3A_404 = vector.shape_cast %swap3A_403 : vector<1x64x1xi32> to vector<64x1xi32>
    %swap3A_405 = vector.shape_cast %broadcast_in_dim3A_399 : vector<64x1xi32> to vector<1x64x1xi32>
    tpu.vector_store %arg6[%swap3A_400, %swap3A_401, %swap3A_402], %swap3A_405 {strides = array<i32>} : memref<1x256x16xi32, #tpu.memory_space<vmem>>, vector<1x64x1xi32>,
    %eq3A_406 = vector.broadcast %broadcast_in_dim3A_399 : vector<64x1xi32> to vector<64x4096xi32>
    %eq3A_407 = arith.cmpi eq, %iota3A, %eq3A_406 : vector<64x4096xi32>
    %jit3A_408 = arith.constant 0x7F800000 : f32
    %broadcast_in_dim3A_409 = vector.broadcast %jit3A_408 : f32 to vector<64x4096xf32>
    %select_n3A_410 = arith.select %eq3A_407, %broadcast_in_dim3A_409, %select_n3A_322 : vector<64x4096xi1>, vector<64x4096xf32>
    %reduce_min3A_411 = arith.constant dense<0x7F800000> : vector<64xf32>
    %reduce_min3A_412 = vector.multi_reduction <minimumf>, %select_n3A_344, %reduce_min3A_411 [1] : vector<64x4096xf32> to vector<64xf32>
    %broadcast_in_dim3A_413 = vector.shape_cast %reduce_min3A_412 : vector<64xf32> to vector<64x1xf32>
    %eq3A_414 = vector.broadcast %broadcast_in_dim3A_413 : vector<64x1xf32> to vector<64x4096xf32>
    %eq3A_415 = arith.cmpf oeq, %select_n3A_344, %eq3A_414 : vector<64x4096xf32>
    %jit3A_416 = arith.constant 4096 : i32
    %broadcast_in_dim3A_417 = vector.broadcast %jit3A_416 : i32 to vector<64x4096xi32>
    %select_n3A_418 = arith.select %eq3A_415, %iota3A, %broadcast_in_dim3A_417 : vector<64x4096xi1>, vector<64x4096xi32>
    %reduce_min3A_419 = arith.constant dense<2147483647> : vector<64xi32>
    %reduce_min3A_420 = vector.multi_reduction <minsi>, %select_n3A_418, %reduce_min3A_419 [1] : vector<64x4096xi32> to vector<64xi32>
    %broadcast_in_dim3A_421 = vector.shape_cast %reduce_min3A_420 : vector<64xi32> to vector<64x1xi32>
    %swap3A_422 = arith.constant 0 : index
    %swap3A_423 = arith.constant 64 : index
    %swap3A_424 = arith.constant 4 : index
    %swap3A_425 = vector.load %arg6[%swap3A_422, %swap3A_423, %swap3A_424] : memref<1x256x16xi32, #tpu.memory_space<vmem>>, vector<1x64x1xi32>
    %swap3A_426 = vector.shape_cast %swap3A_425 : vector<1x64x1xi32> to vector<64x1xi32>
    %swap3A_427 = vector.shape_cast %broadcast_in_dim3A_421 : vector<64x1xi32> to vector<1x64x1xi32>
    tpu.vector_store %arg6[%swap3A_422, %swap3A_423, %swap3A_424], %swap3A_427 {strides = array<i32>} : memref<1x256x16xi32, #tpu.memory_space<vmem>>, vector<1x64x1xi32>,
    %eq3A_428 = vector.broadcast %broadcast_in_dim3A_421 : vector<64x1xi32> to vector<64x4096xi32>
    %eq3A_429 = arith.cmpi eq, %iota3A, %eq3A_428 : vector<64x4096xi32>
    %jit3A_430 = arith.constant 0x7F800000 : f32
    %broadcast_in_dim3A_431 = vector.broadcast %jit3A_430 : f32 to vector<64x4096xf32>
    %select_n3A_432 = arith.select %eq3A_429, %broadcast_in_dim3A_431, %select_n3A_344 : vector<64x4096xi1>, vector<64x4096xf32>
    %reduce_min3A_433 = arith.constant dense<0x7F800000> : vector<64xf32>
    %reduce_min3A_434 = vector.multi_reduction <minimumf>, %select_n3A_366, %reduce_min3A_433 [1] : vector<64x4096xf32> to vector<64xf32>
    %broadcast_in_dim3A_435 = vector.shape_cast %reduce_min3A_434 : vector<64xf32> to vector<64x1xf32>
    %eq3A_436 = vector.broadcast %broadcast_in_dim3A_435 : vector<64x1xf32> to vector<64x4096xf32>
    %eq3A_437 = arith.cmpf oeq, %select_n3A_366, %eq3A_436 : vector<64x4096xf32>
    %jit3A_438 = arith.constant 4096 : i32
    %broadcast_in_dim3A_439 = vector.broadcast %jit3A_438 : i32 to vector<64x4096xi32>
    %select_n3A_440 = arith.select %eq3A_437, %iota3A, %broadcast_in_dim3A_439 : vector<64x4096xi1>, vector<64x4096xi32>
    %reduce_min3A_441 = arith.constant dense<2147483647> : vector<64xi32>
    %reduce_min3A_442 = vector.multi_reduction <minsi>, %select_n3A_440, %reduce_min3A_441 [1] : vector<64x4096xi32> to vector<64xi32>
    %broadcast_in_dim3A_443 = vector.shape_cast %reduce_min3A_442 : vector<64xi32> to vector<64x1xi32>
    %swap3A_444 = arith.constant 0 : index
    %swap3A_445 = arith.constant 128 : index
    %swap3A_446 = arith.constant 4 : index
    %swap3A_447 = vector.load %arg6[%swap3A_444, %swap3A_445, %swap3A_446] : memref<1x256x16xi32, #tpu.memory_space<vmem>>, vector<1x64x1xi32>
    %swap3A_448 = vector.shape_cast %swap3A_447 : vector<1x64x1xi32> to vector<64x1xi32>
    %swap3A_449 = vector.shape_cast %broadcast_in_dim3A_443 : vector<64x1xi32> to vector<1x64x1xi32>
    tpu.vector_store %arg6[%swap3A_444, %swap3A_445, %swap3A_446], %swap3A_449 {strides = array<i32>} : memref<1x256x16xi32, #tpu.memory_space<vmem>>, vector<1x64x1xi32>,
    %eq3A_450 = vector.broadcast %broadcast_in_dim3A_443 : vector<64x1xi32> to vector<64x4096xi32>
    %eq3A_451 = arith.cmpi eq, %iota3A, %eq3A_450 : vector<64x4096xi32>
    %jit3A_452 = arith.constant 0x7F800000 : f32
    %broadcast_in_dim3A_453 = vector.broadcast %jit3A_452 : f32 to vector<64x4096xf32>
    %select_n3A_454 = arith.select %eq3A_451, %broadcast_in_dim3A_453, %select_n3A_366 : vector<64x4096xi1>, vector<64x4096xf32>
    %reduce_min3A_455 = arith.constant dense<0x7F800000> : vector<64xf32>
    %reduce_min3A_456 = vector.multi_reduction <minimumf>, %select_n3A_388, %reduce_min3A_455 [1] : vector<64x4096xf32> to vector<64xf32>
    %broadcast_in_dim3A_457 = vector.shape_cast %reduce_min3A_456 : vector<64xf32> to vector<64x1xf32>
    %eq3A_458 = vector.broadcast %broadcast_in_dim3A_457 : vector<64x1xf32> to vector<64x4096xf32>
    %eq3A_459 = arith.cmpf oeq, %select_n3A_388, %eq3A_458 : vector<64x4096xf32>
    %jit3A_460 = arith.constant 4096 : i32
    %broadcast_in_dim3A_461 = vector.broadcast %jit3A_460 : i32 to vector<64x4096xi32>
    %select_n3A_462 = arith.select %eq3A_459, %iota3A, %broadcast_in_dim3A_461 : vector<64x4096xi1>, vector<64x4096xi32>
    %reduce_min3A_463 = arith.constant dense<2147483647> : vector<64xi32>
    %reduce_min3A_464 = vector.multi_reduction <minsi>, %select_n3A_462, %reduce_min3A_463 [1] : vector<64x4096xi32> to vector<64xi32>
    %broadcast_in_dim3A_465 = vector.shape_cast %reduce_min3A_464 : vector<64xi32> to vector<64x1xi32>
    %swap3A_466 = arith.constant 0 : index
    %swap3A_467 = arith.constant 192 : index
    %swap3A_468 = arith.constant 4 : index
    %swap3A_469 = vector.load %arg6[%swap3A_466, %swap3A_467, %swap3A_468] : memref<1x256x16xi32, #tpu.memory_space<vmem>>, vector<1x64x1xi32>
    %swap3A_470 = vector.shape_cast %swap3A_469 : vector<1x64x1xi32> to vector<64x1xi32>
    %swap3A_471 = vector.shape_cast %broadcast_in_dim3A_465 : vector<64x1xi32> to vector<1x64x1xi32>
    tpu.vector_store %arg6[%swap3A_466, %swap3A_467, %swap3A_468], %swap3A_471 {strides = array<i32>} : memref<1x256x16xi32, #tpu.memory_space<vmem>>, vector<1x64x1xi32>,
    %eq3A_472 = vector.broadcast %broadcast_in_dim3A_465 : vector<64x1xi32> to vector<64x4096xi32>
    %eq3A_473 = arith.cmpi eq, %iota3A, %eq3A_472 : vector<64x4096xi32>
    %jit3A_474 = arith.constant 0x7F800000 : f32
    %broadcast_in_dim3A_475 = vector.broadcast %jit3A_474 : f32 to vector<64x4096xf32>
    %select_n3A_476 = arith.select %eq3A_473, %broadcast_in_dim3A_475, %select_n3A_388 : vector<64x4096xi1>, vector<64x4096xf32>
    %reduce_min3A_477 = arith.constant dense<0x7F800000> : vector<64xf32>
    %reduce_min3A_478 = vector.multi_reduction <minimumf>, %select_n3A_410, %reduce_min3A_477 [1] : vector<64x4096xf32> to vector<64xf32>
    %broadcast_in_dim3A_479 = vector.shape_cast %reduce_min3A_478 : vector<64xf32> to vector<64x1xf32>
    %eq3A_480 = vector.broadcast %broadcast_in_dim3A_479 : vector<64x1xf32> to vector<64x4096xf32>
    %eq3A_481 = arith.cmpf oeq, %select_n3A_410, %eq3A_480 : vector<64x4096xf32>
    %jit3A_482 = arith.constant 4096 : i32
    %broadcast_in_dim3A_483 = vector.broadcast %jit3A_482 : i32 to vector<64x4096xi32>
    %select_n3A_484 = arith.select %eq3A_481, %iota3A, %broadcast_in_dim3A_483 : vector<64x4096xi1>, vector<64x4096xi32>
    %reduce_min3A_485 = arith.constant dense<2147483647> : vector<64xi32>
    %reduce_min3A_486 = vector.multi_reduction <minsi>, %select_n3A_484, %reduce_min3A_485 [1] : vector<64x4096xi32> to vector<64xi32>
    %broadcast_in_dim3A_487 = vector.shape_cast %reduce_min3A_486 : vector<64xi32> to vector<64x1xi32>
    %swap3A_488 = arith.constant 0 : index
    %swap3A_489 = arith.constant 0 : index
    %swap3A_490 = arith.constant 5 : index
    %swap3A_491 = vector.load %arg6[%swap3A_488, %swap3A_489, %swap3A_490] : memref<1x256x16xi32, #tpu.memory_space<vmem>>, vector<1x64x1xi32>
    %swap3A_492 = vector.shape_cast %swap3A_491 : vector<1x64x1xi32> to vector<64x1xi32>
    %swap3A_493 = vector.shape_cast %broadcast_in_dim3A_487 : vector<64x1xi32> to vector<1x64x1xi32>
    tpu.vector_store %arg6[%swap3A_488, %swap3A_489, %swap3A_490], %swap3A_493 {strides = array<i32>} : memref<1x256x16xi32, #tpu.memory_space<vmem>>, vector<1x64x1xi32>,
    %eq3A_494 = vector.broadcast %broadcast_in_dim3A_487 : vector<64x1xi32> to vector<64x4096xi32>
    %eq3A_495 = arith.cmpi eq, %iota3A, %eq3A_494 : vector<64x4096xi32>
    %jit3A_496 = arith.constant 0x7F800000 : f32
    %broadcast_in_dim3A_497 = vector.broadcast %jit3A_496 : f32 to vector<64x4096xf32>
    %select_n3A_498 = arith.select %eq3A_495, %broadcast_in_dim3A_497, %select_n3A_410 : vector<64x4096xi1>, vector<64x4096xf32>
    %reduce_min3A_499 = arith.constant dense<0x7F800000> : vector<64xf32>
    %reduce_min3A_500 = vector.multi_reduction <minimumf>, %select_n3A_432, %reduce_min3A_499 [1] : vector<64x4096xf32> to vector<64xf32>
    %broadcast_in_dim3A_501 = vector.shape_cast %reduce_min3A_500 : vector<64xf32> to vector<64x1xf32>
    %eq3A_502 = vector.broadcast %broadcast_in_dim3A_501 : vector<64x1xf32> to vector<64x4096xf32>
    %eq3A_503 = arith.cmpf oeq, %select_n3A_432, %eq3A_502 : vector<64x4096xf32>
    %jit3A_504 = arith.constant 4096 : i32
    %broadcast_in_dim3A_505 = vector.broadcast %jit3A_504 : i32 to vector<64x4096xi32>
    %select_n3A_506 = arith.select %eq3A_503, %iota3A, %broadcast_in_dim3A_505 : vector<64x4096xi1>, vector<64x4096xi32>
    %reduce_min3A_507 = arith.constant dense<2147483647> : vector<64xi32>
    %reduce_min3A_508 = vector.multi_reduction <minsi>, %select_n3A_506, %reduce_min3A_507 [1] : vector<64x4096xi32> to vector<64xi32>
    %broadcast_in_dim3A_509 = vector.shape_cast %reduce_min3A_508 : vector<64xi32> to vector<64x1xi32>
    %swap3A_510 = arith.constant 0 : index
    %swap3A_511 = arith.constant 64 : index
    %swap3A_512 = arith.constant 5 : index
    %swap3A_513 = vector.load %arg6[%swap3A_510, %swap3A_511, %swap3A_512] : memref<1x256x16xi32, #tpu.memory_space<vmem>>, vector<1x64x1xi32>
    %swap3A_514 = vector.shape_cast %swap3A_513 : vector<1x64x1xi32> to vector<64x1xi32>
    %swap3A_515 = vector.shape_cast %broadcast_in_dim3A_509 : vector<64x1xi32> to vector<1x64x1xi32>
    tpu.vector_store %arg6[%swap3A_510, %swap3A_511, %swap3A_512], %swap3A_515 {strides = array<i32>} : memref<1x256x16xi32, #tpu.memory_space<vmem>>, vector<1x64x1xi32>,
    %eq3A_516 = vector.broadcast %broadcast_in_dim3A_509 : vector<64x1xi32> to vector<64x4096xi32>
    %eq3A_517 = arith.cmpi eq, %iota3A, %eq3A_516 : vector<64x4096xi32>
    %jit3A_518 = arith.constant 0x7F800000 : f32
    %broadcast_in_dim3A_519 = vector.broadcast %jit3A_518 : f32 to vector<64x4096xf32>
    %select_n3A_520 = arith.select %eq3A_517, %broadcast_in_dim3A_519, %select_n3A_432 : vector<64x4096xi1>, vector<64x4096xf32>
    %reduce_min3A_521 = arith.constant dense<0x7F800000> : vector<64xf32>
    %reduce_min3A_522 = vector.multi_reduction <minimumf>, %select_n3A_454, %reduce_min3A_521 [1] : vector<64x4096xf32> to vector<64xf32>
    %broadcast_in_dim3A_523 = vector.shape_cast %reduce_min3A_522 : vector<64xf32> to vector<64x1xf32>
    %eq3A_524 = vector.broadcast %broadcast_in_dim3A_523 : vector<64x1xf32> to vector<64x4096xf32>
    %eq3A_525 = arith.cmpf oeq, %select_n3A_454, %eq3A_524 : vector<64x4096xf32>
    %jit3A_526 = arith.constant 4096 : i32
    %broadcast_in_dim3A_527 = vector.broadcast %jit3A_526 : i32 to vector<64x4096xi32>
    %select_n3A_528 = arith.select %eq3A_525, %iota3A, %broadcast_in_dim3A_527 : vector<64x4096xi1>, vector<64x4096xi32>
    %reduce_min3A_529 = arith.constant dense<2147483647> : vector<64xi32>
    %reduce_min3A_530 = vector.multi_reduction <minsi>, %select_n3A_528, %reduce_min3A_529 [1] : vector<64x4096xi32> to vector<64xi32>
    %broadcast_in_dim3A_531 = vector.shape_cast %reduce_min3A_530 : vector<64xi32> to vector<64x1xi32>
    %swap3A_532 = arith.constant 0 : index
    %swap3A_533 = arith.constant 128 : index
    %swap3A_534 = arith.constant 5 : index
    %swap3A_535 = vector.load %arg6[%swap3A_532, %swap3A_533, %swap3A_534] : memref<1x256x16xi32, #tpu.memory_space<vmem>>, vector<1x64x1xi32>
    %swap3A_536 = vector.shape_cast %swap3A_535 : vector<1x64x1xi32> to vector<64x1xi32>
    %swap3A_537 = vector.shape_cast %broadcast_in_dim3A_531 : vector<64x1xi32> to vector<1x64x1xi32>
    tpu.vector_store %arg6[%swap3A_532, %swap3A_533, %swap3A_534], %swap3A_537 {strides = array<i32>} : memref<1x256x16xi32, #tpu.memory_space<vmem>>, vector<1x64x1xi32>,
    %eq3A_538 = vector.broadcast %broadcast_in_dim3A_531 : vector<64x1xi32> to vector<64x4096xi32>
    %eq3A_539 = arith.cmpi eq, %iota3A, %eq3A_538 : vector<64x4096xi32>
    %jit3A_540 = arith.constant 0x7F800000 : f32
    %broadcast_in_dim3A_541 = vector.broadcast %jit3A_540 : f32 to vector<64x4096xf32>
    %select_n3A_542 = arith.select %eq3A_539, %broadcast_in_dim3A_541, %select_n3A_454 : vector<64x4096xi1>, vector<64x4096xf32>
    %reduce_min3A_543 = arith.constant dense<0x7F800000> : vector<64xf32>
    %reduce_min3A_544 = vector.multi_reduction <minimumf>, %select_n3A_476, %reduce_min3A_543 [1] : vector<64x4096xf32> to vector<64xf32>
    %broadcast_in_dim3A_545 = vector.shape_cast %reduce_min3A_544 : vector<64xf32> to vector<64x1xf32>
    %eq3A_546 = vector.broadcast %broadcast_in_dim3A_545 : vector<64x1xf32> to vector<64x4096xf32>
    %eq3A_547 = arith.cmpf oeq, %select_n3A_476, %eq3A_546 : vector<64x4096xf32>
    %jit3A_548 = arith.constant 4096 : i32
    %broadcast_in_dim3A_549 = vector.broadcast %jit3A_548 : i32 to vector<64x4096xi32>
    %select_n3A_550 = arith.select %eq3A_547, %iota3A, %broadcast_in_dim3A_549 : vector<64x4096xi1>, vector<64x4096xi32>
    %reduce_min3A_551 = arith.constant dense<2147483647> : vector<64xi32>
    %reduce_min3A_552 = vector.multi_reduction <minsi>, %select_n3A_550, %reduce_min3A_551 [1] : vector<64x4096xi32> to vector<64xi32>
    %broadcast_in_dim3A_553 = vector.shape_cast %reduce_min3A_552 : vector<64xi32> to vector<64x1xi32>
    %swap3A_554 = arith.constant 0 : index
    %swap3A_555 = arith.constant 192 : index
    %swap3A_556 = arith.constant 5 : index
    %swap3A_557 = vector.load %arg6[%swap3A_554, %swap3A_555, %swap3A_556] : memref<1x256x16xi32, #tpu.memory_space<vmem>>, vector<1x64x1xi32>
    %swap3A_558 = vector.shape_cast %swap3A_557 : vector<1x64x1xi32> to vector<64x1xi32>
    %swap3A_559 = vector.shape_cast %broadcast_in_dim3A_553 : vector<64x1xi32> to vector<1x64x1xi32>
    tpu.vector_store %arg6[%swap3A_554, %swap3A_555, %swap3A_556], %swap3A_559 {strides = array<i32>} : memref<1x256x16xi32, #tpu.memory_space<vmem>>, vector<1x64x1xi32>,
    %eq3A_560 = vector.broadcast %broadcast_in_dim3A_553 : vector<64x1xi32> to vector<64x4096xi32>
    %eq3A_561 = arith.cmpi eq, %iota3A, %eq3A_560 : vector<64x4096xi32>
    %jit3A_562 = arith.constant 0x7F800000 : f32
    %broadcast_in_dim3A_563 = vector.broadcast %jit3A_562 : f32 to vector<64x4096xf32>
    %select_n3A_564 = arith.select %eq3A_561, %broadcast_in_dim3A_563, %select_n3A_476 : vector<64x4096xi1>, vector<64x4096xf32>
    %reduce_min3A_565 = arith.constant dense<0x7F800000> : vector<64xf32>
    %reduce_min3A_566 = vector.multi_reduction <minimumf>, %select_n3A_498, %reduce_min3A_565 [1] : vector<64x4096xf32> to vector<64xf32>
    %broadcast_in_dim3A_567 = vector.shape_cast %reduce_min3A_566 : vector<64xf32> to vector<64x1xf32>
    %eq3A_568 = vector.broadcast %broadcast_in_dim3A_567 : vector<64x1xf32> to vector<64x4096xf32>
    %eq3A_569 = arith.cmpf oeq, %select_n3A_498, %eq3A_568 : vector<64x4096xf32>
    %jit3A_570 = arith.constant 4096 : i32
    %broadcast_in_dim3A_571 = vector.broadcast %jit3A_570 : i32 to vector<64x4096xi32>
    %select_n3A_572 = arith.select %eq3A_569, %iota3A, %broadcast_in_dim3A_571 : vector<64x4096xi1>, vector<64x4096xi32>
    %reduce_min3A_573 = arith.constant dense<2147483647> : vector<64xi32>
    %reduce_min3A_574 = vector.multi_reduction <minsi>, %select_n3A_572, %reduce_min3A_573 [1] : vector<64x4096xi32> to vector<64xi32>
    %broadcast_in_dim3A_575 = vector.shape_cast %reduce_min3A_574 : vector<64xi32> to vector<64x1xi32>
    %swap3A_576 = arith.constant 0 : index
    %swap3A_577 = arith.constant 0 : index
    %swap3A_578 = arith.constant 6 : index
    %swap3A_579 = vector.load %arg6[%swap3A_576, %swap3A_577, %swap3A_578] : memref<1x256x16xi32, #tpu.memory_space<vmem>>, vector<1x64x1xi32>
    %swap3A_580 = vector.shape_cast %swap3A_579 : vector<1x64x1xi32> to vector<64x1xi32>
    %swap3A_581 = vector.shape_cast %broadcast_in_dim3A_575 : vector<64x1xi32> to vector<1x64x1xi32>
    tpu.vector_store %arg6[%swap3A_576, %swap3A_577, %swap3A_578], %swap3A_581 {strides = array<i32>} : memref<1x256x16xi32, #tpu.memory_space<vmem>>, vector<1x64x1xi32>,
    %eq3A_582 = vector.broadcast %broadcast_in_dim3A_575 : vector<64x1xi32> to vector<64x4096xi32>
    %eq3A_583 = arith.cmpi eq, %iota3A, %eq3A_582 : vector<64x4096xi32>
    %jit3A_584 = arith.constant 0x7F800000 : f32
    %broadcast_in_dim3A_585 = vector.broadcast %jit3A_584 : f32 to vector<64x4096xf32>
    %select_n3A_586 = arith.select %eq3A_583, %broadcast_in_dim3A_585, %select_n3A_498 : vector<64x4096xi1>, vector<64x4096xf32>
    %reduce_min3A_587 = arith.constant dense<0x7F800000> : vector<64xf32>
    %reduce_min3A_588 = vector.multi_reduction <minimumf>, %select_n3A_520, %reduce_min3A_587 [1] : vector<64x4096xf32> to vector<64xf32>
    %broadcast_in_dim3A_589 = vector.shape_cast %reduce_min3A_588 : vector<64xf32> to vector<64x1xf32>
    %eq3A_590 = vector.broadcast %broadcast_in_dim3A_589 : vector<64x1xf32> to vector<64x4096xf32>
    %eq3A_591 = arith.cmpf oeq, %select_n3A_520, %eq3A_590 : vector<64x4096xf32>
    %jit3A_592 = arith.constant 4096 : i32
    %broadcast_in_dim3A_593 = vector.broadcast %jit3A_592 : i32 to vector<64x4096xi32>
    %select_n3A_594 = arith.select %eq3A_591, %iota3A, %broadcast_in_dim3A_593 : vector<64x4096xi1>, vector<64x4096xi32>
    %reduce_min3A_595 = arith.constant dense<2147483647> : vector<64xi32>
    %reduce_min3A_596 = vector.multi_reduction <minsi>, %select_n3A_594, %reduce_min3A_595 [1] : vector<64x4096xi32> to vector<64xi32>
    %broadcast_in_dim3A_597 = vector.shape_cast %reduce_min3A_596 : vector<64xi32> to vector<64x1xi32>
    %swap3A_598 = arith.constant 0 : index
    %swap3A_599 = arith.constant 64 : index
    %swap3A_600 = arith.constant 6 : index
    %swap3A_601 = vector.load %arg6[%swap3A_598, %swap3A_599, %swap3A_600] : memref<1x256x16xi32, #tpu.memory_space<vmem>>, vector<1x64x1xi32>
    %swap3A_602 = vector.shape_cast %swap3A_601 : vector<1x64x1xi32> to vector<64x1xi32>
    %swap3A_603 = vector.shape_cast %broadcast_in_dim3A_597 : vector<64x1xi32> to vector<1x64x1xi32>
    tpu.vector_store %arg6[%swap3A_598, %swap3A_599, %swap3A_600], %swap3A_603 {strides = array<i32>} : memref<1x256x16xi32, #tpu.memory_space<vmem>>, vector<1x64x1xi32>,
    %eq3A_604 = vector.broadcast %broadcast_in_dim3A_597 : vector<64x1xi32> to vector<64x4096xi32>
    %eq3A_605 = arith.cmpi eq, %iota3A, %eq3A_604 : vector<64x4096xi32>
    %jit3A_606 = arith.constant 0x7F800000 : f32
    %broadcast_in_dim3A_607 = vector.broadcast %jit3A_606 : f32 to vector<64x4096xf32>
    %select_n3A_608 = arith.select %eq3A_605, %broadcast_in_dim3A_607, %select_n3A_520 : vector<64x4096xi1>, vector<64x4096xf32>
    %reduce_min3A_609 = arith.constant dense<0x7F800000> : vector<64xf32>
    %reduce_min3A_610 = vector.multi_reduction <minimumf>, %select_n3A_542, %reduce_min3A_609 [1] : vector<64x4096xf32> to vector<64xf32>
    %broadcast_in_dim3A_611 = vector.shape_cast %reduce_min3A_610 : vector<64xf32> to vector<64x1xf32>
    %eq3A_612 = vector.broadcast %broadcast_in_dim3A_611 : vector<64x1xf32> to vector<64x4096xf32>
    %eq3A_613 = arith.cmpf oeq, %select_n3A_542, %eq3A_612 : vector<64x4096xf32>
    %jit3A_614 = arith.constant 4096 : i32
    %broadcast_in_dim3A_615 = vector.broadcast %jit3A_614 : i32 to vector<64x4096xi32>
    %select_n3A_616 = arith.select %eq3A_613, %iota3A, %broadcast_in_dim3A_615 : vector<64x4096xi1>, vector<64x4096xi32>
    %reduce_min3A_617 = arith.constant dense<2147483647> : vector<64xi32>
    %reduce_min3A_618 = vector.multi_reduction <minsi>, %select_n3A_616, %reduce_min3A_617 [1] : vector<64x4096xi32> to vector<64xi32>
    %broadcast_in_dim3A_619 = vector.shape_cast %reduce_min3A_618 : vector<64xi32> to vector<64x1xi32>
    %swap3A_620 = arith.constant 0 : index
    %swap3A_621 = arith.constant 128 : index
    %swap3A_622 = arith.constant 6 : index
    %swap3A_623 = vector.load %arg6[%swap3A_620, %swap3A_621, %swap3A_622] : memref<1x256x16xi32, #tpu.memory_space<vmem>>, vector<1x64x1xi32>
    %swap3A_624 = vector.shape_cast %swap3A_623 : vector<1x64x1xi32> to vector<64x1xi32>
    %swap3A_625 = vector.shape_cast %broadcast_in_dim3A_619 : vector<64x1xi32> to vector<1x64x1xi32>
    tpu.vector_store %arg6[%swap3A_620, %swap3A_621, %swap3A_622], %swap3A_625 {strides = array<i32>} : memref<1x256x16xi32, #tpu.memory_space<vmem>>, vector<1x64x1xi32>,
    %eq3A_626 = vector.broadcast %broadcast_in_dim3A_619 : vector<64x1xi32> to vector<64x4096xi32>
    %eq3A_627 = arith.cmpi eq, %iota3A, %eq3A_626 : vector<64x4096xi32>
    %jit3A_628 = arith.constant 0x7F800000 : f32
    %broadcast_in_dim3A_629 = vector.broadcast %jit3A_628 : f32 to vector<64x4096xf32>
    %select_n3A_630 = arith.select %eq3A_627, %broadcast_in_dim3A_629, %select_n3A_542 : vector<64x4096xi1>, vector<64x4096xf32>
    %reduce_min3A_631 = arith.constant dense<0x7F800000> : vector<64xf32>
    %reduce_min3A_632 = vector.multi_reduction <minimumf>, %select_n3A_564, %reduce_min3A_631 [1] : vector<64x4096xf32> to vector<64xf32>
    %broadcast_in_dim3A_633 = vector.shape_cast %reduce_min3A_632 : vector<64xf32> to vector<64x1xf32>
    %eq3A_634 = vector.broadcast %broadcast_in_dim3A_633 : vector<64x1xf32> to vector<64x4096xf32>
    %eq3A_635 = arith.cmpf oeq, %select_n3A_564, %eq3A_634 : vector<64x4096xf32>
    %jit3A_636 = arith.constant 4096 : i32
    %broadcast_in_dim3A_637 = vector.broadcast %jit3A_636 : i32 to vector<64x4096xi32>
    %select_n3A_638 = arith.select %eq3A_635, %iota3A, %broadcast_in_dim3A_637 : vector<64x4096xi1>, vector<64x4096xi32>
    %reduce_min3A_639 = arith.constant dense<2147483647> : vector<64xi32>
    %reduce_min3A_640 = vector.multi_reduction <minsi>, %select_n3A_638, %reduce_min3A_639 [1] : vector<64x4096xi32> to vector<64xi32>
    %broadcast_in_dim3A_641 = vector.shape_cast %reduce_min3A_640 : vector<64xi32> to vector<64x1xi32>
    %swap3A_642 = arith.constant 0 : index
    %swap3A_643 = arith.constant 192 : index
    %swap3A_644 = arith.constant 6 : index
    %swap3A_645 = vector.load %arg6[%swap3A_642, %swap3A_643, %swap3A_644] : memref<1x256x16xi32, #tpu.memory_space<vmem>>, vector<1x64x1xi32>
    %swap3A_646 = vector.shape_cast %swap3A_645 : vector<1x64x1xi32> to vector<64x1xi32>
    %swap3A_647 = vector.shape_cast %broadcast_in_dim3A_641 : vector<64x1xi32> to vector<1x64x1xi32>
    tpu.vector_store %arg6[%swap3A_642, %swap3A_643, %swap3A_644], %swap3A_647 {strides = array<i32>} : memref<1x256x16xi32, #tpu.memory_space<vmem>>, vector<1x64x1xi32>,
    %eq3A_648 = vector.broadcast %broadcast_in_dim3A_641 : vector<64x1xi32> to vector<64x4096xi32>
    %eq3A_649 = arith.cmpi eq, %iota3A, %eq3A_648 : vector<64x4096xi32>
    %jit3A_650 = arith.constant 0x7F800000 : f32
    %broadcast_in_dim3A_651 = vector.broadcast %jit3A_650 : f32 to vector<64x4096xf32>
    %select_n3A_652 = arith.select %eq3A_649, %broadcast_in_dim3A_651, %select_n3A_564 : vector<64x4096xi1>, vector<64x4096xf32>
    %reduce_min3A_653 = arith.constant dense<0x7F800000> : vector<64xf32>
    %reduce_min3A_654 = vector.multi_reduction <minimumf>, %select_n3A_586, %reduce_min3A_653 [1] : vector<64x4096xf32> to vector<64xf32>
    %broadcast_in_dim3A_655 = vector.shape_cast %reduce_min3A_654 : vector<64xf32> to vector<64x1xf32>
    %eq3A_656 = vector.broadcast %broadcast_in_dim3A_655 : vector<64x1xf32> to vector<64x4096xf32>
    %eq3A_657 = arith.cmpf oeq, %select_n3A_586, %eq3A_656 : vector<64x4096xf32>
    %jit3A_658 = arith.constant 4096 : i32
    %broadcast_in_dim3A_659 = vector.broadcast %jit3A_658 : i32 to vector<64x4096xi32>
    %select_n3A_660 = arith.select %eq3A_657, %iota3A, %broadcast_in_dim3A_659 : vector<64x4096xi1>, vector<64x4096xi32>
    %reduce_min3A_661 = arith.constant dense<2147483647> : vector<64xi32>
    %reduce_min3A_662 = vector.multi_reduction <minsi>, %select_n3A_660, %reduce_min3A_661 [1] : vector<64x4096xi32> to vector<64xi32>
    %broadcast_in_dim3A_663 = vector.shape_cast %reduce_min3A_662 : vector<64xi32> to vector<64x1xi32>
    %swap3A_664 = arith.constant 0 : index
    %swap3A_665 = arith.constant 0 : index
    %swap3A_666 = arith.constant 7 : index
    %swap3A_667 = vector.load %arg6[%swap3A_664, %swap3A_665, %swap3A_666] : memref<1x256x16xi32, #tpu.memory_space<vmem>>, vector<1x64x1xi32>
    %swap3A_668 = vector.shape_cast %swap3A_667 : vector<1x64x1xi32> to vector<64x1xi32>
    %swap3A_669 = vector.shape_cast %broadcast_in_dim3A_663 : vector<64x1xi32> to vector<1x64x1xi32>
    tpu.vector_store %arg6[%swap3A_664, %swap3A_665, %swap3A_666], %swap3A_669 {strides = array<i32>} : memref<1x256x16xi32, #tpu.memory_space<vmem>>, vector<1x64x1xi32>,
    %eq3A_670 = vector.broadcast %broadcast_in_dim3A_663 : vector<64x1xi32> to vector<64x4096xi32>
    %eq3A_671 = arith.cmpi eq, %iota3A, %eq3A_670 : vector<64x4096xi32>
    %jit3A_672 = arith.constant 0x7F800000 : f32
    %broadcast_in_dim3A_673 = vector.broadcast %jit3A_672 : f32 to vector<64x4096xf32>
    %select_n3A_674 = arith.select %eq3A_671, %broadcast_in_dim3A_673, %select_n3A_586 : vector<64x4096xi1>, vector<64x4096xf32>
    %reduce_min3A_675 = arith.constant dense<0x7F800000> : vector<64xf32>
    %reduce_min3A_676 = vector.multi_reduction <minimumf>, %select_n3A_608, %reduce_min3A_675 [1] : vector<64x4096xf32> to vector<64xf32>
    %broadcast_in_dim3A_677 = vector.shape_cast %reduce_min3A_676 : vector<64xf32> to vector<64x1xf32>
    %eq3A_678 = vector.broadcast %broadcast_in_dim3A_677 : vector<64x1xf32> to vector<64x4096xf32>
    %eq3A_679 = arith.cmpf oeq, %select_n3A_608, %eq3A_678 : vector<64x4096xf32>
    %jit3A_680 = arith.constant 4096 : i32
    %broadcast_in_dim3A_681 = vector.broadcast %jit3A_680 : i32 to vector<64x4096xi32>
    %select_n3A_682 = arith.select %eq3A_679, %iota3A, %broadcast_in_dim3A_681 : vector<64x4096xi1>, vector<64x4096xi32>
    %reduce_min3A_683 = arith.constant dense<2147483647> : vector<64xi32>
    %reduce_min3A_684 = vector.multi_reduction <minsi>, %select_n3A_682, %reduce_min3A_683 [1] : vector<64x4096xi32> to vector<64xi32>
    %broadcast_in_dim3A_685 = vector.shape_cast %reduce_min3A_684 : vector<64xi32> to vector<64x1xi32>
    %swap3A_686 = arith.constant 0 : index
    %swap3A_687 = arith.constant 64 : index
    %swap3A_688 = arith.constant 7 : index
    %swap3A_689 = vector.load %arg6[%swap3A_686, %swap3A_687, %swap3A_688] : memref<1x256x16xi32, #tpu.memory_space<vmem>>, vector<1x64x1xi32>
    %swap3A_690 = vector.shape_cast %swap3A_689 : vector<1x64x1xi32> to vector<64x1xi32>
    %swap3A_691 = vector.shape_cast %broadcast_in_dim3A_685 : vector<64x1xi32> to vector<1x64x1xi32>
    tpu.vector_store %arg6[%swap3A_686, %swap3A_687, %swap3A_688], %swap3A_691 {strides = array<i32>} : memref<1x256x16xi32, #tpu.memory_space<vmem>>, vector<1x64x1xi32>,
    %eq3A_692 = vector.broadcast %broadcast_in_dim3A_685 : vector<64x1xi32> to vector<64x4096xi32>
    %eq3A_693 = arith.cmpi eq, %iota3A, %eq3A_692 : vector<64x4096xi32>
    %jit3A_694 = arith.constant 0x7F800000 : f32
    %broadcast_in_dim3A_695 = vector.broadcast %jit3A_694 : f32 to vector<64x4096xf32>
    %select_n3A_696 = arith.select %eq3A_693, %broadcast_in_dim3A_695, %select_n3A_608 : vector<64x4096xi1>, vector<64x4096xf32>
    %reduce_min3A_697 = arith.constant dense<0x7F800000> : vector<64xf32>
    %reduce_min3A_698 = vector.multi_reduction <minimumf>, %select_n3A_630, %reduce_min3A_697 [1] : vector<64x4096xf32> to vector<64xf32>
    %broadcast_in_dim3A_699 = vector.shape_cast %reduce_min3A_698 : vector<64xf32> to vector<64x1xf32>
    %eq3A_700 = vector.broadcast %broadcast_in_dim3A_699 : vector<64x1xf32> to vector<64x4096xf32>
    %eq3A_701 = arith.cmpf oeq, %select_n3A_630, %eq3A_700 : vector<64x4096xf32>
    %jit3A_702 = arith.constant 4096 : i32
    %broadcast_in_dim3A_703 = vector.broadcast %jit3A_702 : i32 to vector<64x4096xi32>
    %select_n3A_704 = arith.select %eq3A_701, %iota3A, %broadcast_in_dim3A_703 : vector<64x4096xi1>, vector<64x4096xi32>
    %reduce_min3A_705 = arith.constant dense<2147483647> : vector<64xi32>
    %reduce_min3A_706 = vector.multi_reduction <minsi>, %select_n3A_704, %reduce_min3A_705 [1] : vector<64x4096xi32> to vector<64xi32>
    %broadcast_in_dim3A_707 = vector.shape_cast %reduce_min3A_706 : vector<64xi32> to vector<64x1xi32>
    %swap3A_708 = arith.constant 0 : index
    %swap3A_709 = arith.constant 128 : index
    %swap3A_710 = arith.constant 7 : index
    %swap3A_711 = vector.load %arg6[%swap3A_708, %swap3A_709, %swap3A_710] : memref<1x256x16xi32, #tpu.memory_space<vmem>>, vector<1x64x1xi32>
    %swap3A_712 = vector.shape_cast %swap3A_711 : vector<1x64x1xi32> to vector<64x1xi32>
    %swap3A_713 = vector.shape_cast %broadcast_in_dim3A_707 : vector<64x1xi32> to vector<1x64x1xi32>
    tpu.vector_store %arg6[%swap3A_708, %swap3A_709, %swap3A_710], %swap3A_713 {strides = array<i32>} : memref<1x256x16xi32, #tpu.memory_space<vmem>>, vector<1x64x1xi32>,
    %eq3A_714 = vector.broadcast %broadcast_in_dim3A_707 : vector<64x1xi32> to vector<64x4096xi32>
    %eq3A_715 = arith.cmpi eq, %iota3A, %eq3A_714 : vector<64x4096xi32>
    %jit3A_716 = arith.constant 0x7F800000 : f32
    %broadcast_in_dim3A_717 = vector.broadcast %jit3A_716 : f32 to vector<64x4096xf32>
    %select_n3A_718 = arith.select %eq3A_715, %broadcast_in_dim3A_717, %select_n3A_630 : vector<64x4096xi1>, vector<64x4096xf32>
    %reduce_min3A_719 = arith.constant dense<0x7F800000> : vector<64xf32>
    %reduce_min3A_720 = vector.multi_reduction <minimumf>, %select_n3A_652, %reduce_min3A_719 [1] : vector<64x4096xf32> to vector<64xf32>
    %broadcast_in_dim3A_721 = vector.shape_cast %reduce_min3A_720 : vector<64xf32> to vector<64x1xf32>
    %eq3A_722 = vector.broadcast %broadcast_in_dim3A_721 : vector<64x1xf32> to vector<64x4096xf32>
    %eq3A_723 = arith.cmpf oeq, %select_n3A_652, %eq3A_722 : vector<64x4096xf32>
    %jit3A_724 = arith.constant 4096 : i32
    %broadcast_in_dim3A_725 = vector.broadcast %jit3A_724 : i32 to vector<64x4096xi32>
    %select_n3A_726 = arith.select %eq3A_723, %iota3A, %broadcast_in_dim3A_725 : vector<64x4096xi1>, vector<64x4096xi32>
    %reduce_min3A_727 = arith.constant dense<2147483647> : vector<64xi32>
    %reduce_min3A_728 = vector.multi_reduction <minsi>, %select_n3A_726, %reduce_min3A_727 [1] : vector<64x4096xi32> to vector<64xi32>
    %broadcast_in_dim3A_729 = vector.shape_cast %reduce_min3A_728 : vector<64xi32> to vector<64x1xi32>
    %swap3A_730 = arith.constant 0 : index
    %swap3A_731 = arith.constant 192 : index
    %swap3A_732 = arith.constant 7 : index
    %swap3A_733 = vector.load %arg6[%swap3A_730, %swap3A_731, %swap3A_732] : memref<1x256x16xi32, #tpu.memory_space<vmem>>, vector<1x64x1xi32>
    %swap3A_734 = vector.shape_cast %swap3A_733 : vector<1x64x1xi32> to vector<64x1xi32>
    %swap3A_735 = vector.shape_cast %broadcast_in_dim3A_729 : vector<64x1xi32> to vector<1x64x1xi32>
    tpu.vector_store %arg6[%swap3A_730, %swap3A_731, %swap3A_732], %swap3A_735 {strides = array<i32>} : memref<1x256x16xi32, #tpu.memory_space<vmem>>, vector<1x64x1xi32>,
    %eq3A_736 = vector.broadcast %broadcast_in_dim3A_729 : vector<64x1xi32> to vector<64x4096xi32>
    %eq3A_737 = arith.cmpi eq, %iota3A, %eq3A_736 : vector<64x4096xi32>
    %jit3A_738 = arith.constant 0x7F800000 : f32
    %broadcast_in_dim3A_739 = vector.broadcast %jit3A_738 : f32 to vector<64x4096xf32>
    %select_n3A_740 = arith.select %eq3A_737, %broadcast_in_dim3A_739, %select_n3A_652 : vector<64x4096xi1>, vector<64x4096xf32>
    %reduce_min3A_741 = arith.constant dense<0x7F800000> : vector<64xf32>
    %reduce_min3A_742 = vector.multi_reduction <minimumf>, %select_n3A_674, %reduce_min3A_741 [1] : vector<64x4096xf32> to vector<64xf32>
    %broadcast_in_dim3A_743 = vector.shape_cast %reduce_min3A_742 : vector<64xf32> to vector<64x1xf32>
    %eq3A_744 = vector.broadcast %broadcast_in_dim3A_743 : vector<64x1xf32> to vector<64x4096xf32>
    %eq3A_745 = arith.cmpf oeq, %select_n3A_674, %eq3A_744 : vector<64x4096xf32>
    %jit3A_746 = arith.constant 4096 : i32
    %broadcast_in_dim3A_747 = vector.broadcast %jit3A_746 : i32 to vector<64x4096xi32>
    %select_n3A_748 = arith.select %eq3A_745, %iota3A, %broadcast_in_dim3A_747 : vector<64x4096xi1>, vector<64x4096xi32>
    %reduce_min3A_749 = arith.constant dense<2147483647> : vector<64xi32>
    %reduce_min3A_750 = vector.multi_reduction <minsi>, %select_n3A_748, %reduce_min3A_749 [1] : vector<64x4096xi32> to vector<64xi32>
    %broadcast_in_dim3A_751 = vector.shape_cast %reduce_min3A_750 : vector<64xi32> to vector<64x1xi32>
    %swap3A_752 = arith.constant 0 : index
    %swap3A_753 = arith.constant 0 : index
    %swap3A_754 = arith.constant 8 : index
    %swap3A_755 = vector.load %arg6[%swap3A_752, %swap3A_753, %swap3A_754] : memref<1x256x16xi32, #tpu.memory_space<vmem>>, vector<1x64x1xi32>
    %swap3A_756 = vector.shape_cast %swap3A_755 : vector<1x64x1xi32> to vector<64x1xi32>
    %swap3A_757 = vector.shape_cast %broadcast_in_dim3A_751 : vector<64x1xi32> to vector<1x64x1xi32>
    tpu.vector_store %arg6[%swap3A_752, %swap3A_753, %swap3A_754], %swap3A_757 {strides = array<i32>} : memref<1x256x16xi32, #tpu.memory_space<vmem>>, vector<1x64x1xi32>,
    %eq3A_758 = vector.broadcast %broadcast_in_dim3A_751 : vector<64x1xi32> to vector<64x4096xi32>
    %eq3A_759 = arith.cmpi eq, %iota3A, %eq3A_758 : vector<64x4096xi32>
    %jit3A_760 = arith.constant 0x7F800000 : f32
    %broadcast_in_dim3A_761 = vector.broadcast %jit3A_760 : f32 to vector<64x4096xf32>
    %select_n3A_762 = arith.select %eq3A_759, %broadcast_in_dim3A_761, %select_n3A_674 : vector<64x4096xi1>, vector<64x4096xf32>
    %reduce_min3A_763 = arith.constant dense<0x7F800000> : vector<64xf32>
    %reduce_min3A_764 = vector.multi_reduction <minimumf>, %select_n3A_696, %reduce_min3A_763 [1] : vector<64x4096xf32> to vector<64xf32>
    %broadcast_in_dim3A_765 = vector.shape_cast %reduce_min3A_764 : vector<64xf32> to vector<64x1xf32>
    %eq3A_766 = vector.broadcast %broadcast_in_dim3A_765 : vector<64x1xf32> to vector<64x4096xf32>
    %eq3A_767 = arith.cmpf oeq, %select_n3A_696, %eq3A_766 : vector<64x4096xf32>
    %jit3A_768 = arith.constant 4096 : i32
    %broadcast_in_dim3A_769 = vector.broadcast %jit3A_768 : i32 to vector<64x4096xi32>
    %select_n3A_770 = arith.select %eq3A_767, %iota3A, %broadcast_in_dim3A_769 : vector<64x4096xi1>, vector<64x4096xi32>
    %reduce_min3A_771 = arith.constant dense<2147483647> : vector<64xi32>
    %reduce_min3A_772 = vector.multi_reduction <minsi>, %select_n3A_770, %reduce_min3A_771 [1] : vector<64x4096xi32> to vector<64xi32>
    %broadcast_in_dim3A_773 = vector.shape_cast %reduce_min3A_772 : vector<64xi32> to vector<64x1xi32>
    %swap3A_774 = arith.constant 0 : index
    %swap3A_775 = arith.constant 64 : index
    %swap3A_776 = arith.constant 8 : index
    %swap3A_777 = vector.load %arg6[%swap3A_774, %swap3A_775, %swap3A_776] : memref<1x256x16xi32, #tpu.memory_space<vmem>>, vector<1x64x1xi32>
    %swap3A_778 = vector.shape_cast %swap3A_777 : vector<1x64x1xi32> to vector<64x1xi32>
    %swap3A_779 = vector.shape_cast %broadcast_in_dim3A_773 : vector<64x1xi32> to vector<1x64x1xi32>
    tpu.vector_store %arg6[%swap3A_774, %swap3A_775, %swap3A_776], %swap3A_779 {strides = array<i32>} : memref<1x256x16xi32, #tpu.memory_space<vmem>>, vector<1x64x1xi32>,
    %eq3A_780 = vector.broadcast %broadcast_in_dim3A_773 : vector<64x1xi32> to vector<64x4096xi32>
    %eq3A_781 = arith.cmpi eq, %iota3A, %eq3A_780 : vector<64x4096xi32>
    %jit3A_782 = arith.constant 0x7F800000 : f32
    %broadcast_in_dim3A_783 = vector.broadcast %jit3A_782 : f32 to vector<64x4096xf32>
    %select_n3A_784 = arith.select %eq3A_781, %broadcast_in_dim3A_783, %select_n3A_696 : vector<64x4096xi1>, vector<64x4096xf32>
    %reduce_min3A_785 = arith.constant dense<0x7F800000> : vector<64xf32>
    %reduce_min3A_786 = vector.multi_reduction <minimumf>, %select_n3A_718, %reduce_min3A_785 [1] : vector<64x4096xf32> to vector<64xf32>
    %broadcast_in_dim3A_787 = vector.shape_cast %reduce_min3A_786 : vector<64xf32> to vector<64x1xf32>
    %eq3A_788 = vector.broadcast %broadcast_in_dim3A_787 : vector<64x1xf32> to vector<64x4096xf32>
    %eq3A_789 = arith.cmpf oeq, %select_n3A_718, %eq3A_788 : vector<64x4096xf32>
    %jit3A_790 = arith.constant 4096 : i32
    %broadcast_in_dim3A_791 = vector.broadcast %jit3A_790 : i32 to vector<64x4096xi32>
    %select_n3A_792 = arith.select %eq3A_789, %iota3A, %broadcast_in_dim3A_791 : vector<64x4096xi1>, vector<64x4096xi32>
    %reduce_min3A_793 = arith.constant dense<2147483647> : vector<64xi32>
    %reduce_min3A_794 = vector.multi_reduction <minsi>, %select_n3A_792, %reduce_min3A_793 [1] : vector<64x4096xi32> to vector<64xi32>
    %broadcast_in_dim3A_795 = vector.shape_cast %reduce_min3A_794 : vector<64xi32> to vector<64x1xi32>
    %swap3A_796 = arith.constant 0 : index
    %swap3A_797 = arith.constant 128 : index
    %swap3A_798 = arith.constant 8 : index
    %swap3A_799 = vector.load %arg6[%swap3A_796, %swap3A_797, %swap3A_798] : memref<1x256x16xi32, #tpu.memory_space<vmem>>, vector<1x64x1xi32>
    %swap3A_800 = vector.shape_cast %swap3A_799 : vector<1x64x1xi32> to vector<64x1xi32>
    %swap3A_801 = vector.shape_cast %broadcast_in_dim3A_795 : vector<64x1xi32> to vector<1x64x1xi32>
    tpu.vector_store %arg6[%swap3A_796, %swap3A_797, %swap3A_798], %swap3A_801 {strides = array<i32>} : memref<1x256x16xi32, #tpu.memory_space<vmem>>, vector<1x64x1xi32>,
    %eq3A_802 = vector.broadcast %broadcast_in_dim3A_795 : vector<64x1xi32> to vector<64x4096xi32>
    %eq3A_803 = arith.cmpi eq, %iota3A, %eq3A_802 : vector<64x4096xi32>
    %jit3A_804 = arith.constant 0x7F800000 : f32
    %broadcast_in_dim3A_805 = vector.broadcast %jit3A_804 : f32 to vector<64x4096xf32>
    %select_n3A_806 = arith.select %eq3A_803, %broadcast_in_dim3A_805, %select_n3A_718 : vector<64x4096xi1>, vector<64x4096xf32>
    %reduce_min3A_807 = arith.constant dense<0x7F800000> : vector<64xf32>
    %reduce_min3A_808 = vector.multi_reduction <minimumf>, %select_n3A_740, %reduce_min3A_807 [1] : vector<64x4096xf32> to vector<64xf32>
    %broadcast_in_dim3A_809 = vector.shape_cast %reduce_min3A_808 : vector<64xf32> to vector<64x1xf32>
    %eq3A_810 = vector.broadcast %broadcast_in_dim3A_809 : vector<64x1xf32> to vector<64x4096xf32>
    %eq3A_811 = arith.cmpf oeq, %select_n3A_740, %eq3A_810 : vector<64x4096xf32>
    %jit3A_812 = arith.constant 4096 : i32
    %broadcast_in_dim3A_813 = vector.broadcast %jit3A_812 : i32 to vector<64x4096xi32>
    %select_n3A_814 = arith.select %eq3A_811, %iota3A, %broadcast_in_dim3A_813 : vector<64x4096xi1>, vector<64x4096xi32>
    %reduce_min3A_815 = arith.constant dense<2147483647> : vector<64xi32>
    %reduce_min3A_816 = vector.multi_reduction <minsi>, %select_n3A_814, %reduce_min3A_815 [1] : vector<64x4096xi32> to vector<64xi32>
    %broadcast_in_dim3A_817 = vector.shape_cast %reduce_min3A_816 : vector<64xi32> to vector<64x1xi32>
    %swap3A_818 = arith.constant 0 : index
    %swap3A_819 = arith.constant 192 : index
    %swap3A_820 = arith.constant 8 : index
    %swap3A_821 = vector.load %arg6[%swap3A_818, %swap3A_819, %swap3A_820] : memref<1x256x16xi32, #tpu.memory_space<vmem>>, vector<1x64x1xi32>
    %swap3A_822 = vector.shape_cast %swap3A_821 : vector<1x64x1xi32> to vector<64x1xi32>
    %swap3A_823 = vector.shape_cast %broadcast_in_dim3A_817 : vector<64x1xi32> to vector<1x64x1xi32>
    tpu.vector_store %arg6[%swap3A_818, %swap3A_819, %swap3A_820], %swap3A_823 {strides = array<i32>} : memref<1x256x16xi32, #tpu.memory_space<vmem>>, vector<1x64x1xi32>,
    %eq3A_824 = vector.broadcast %broadcast_in_dim3A_817 : vector<64x1xi32> to vector<64x4096xi32>
    %eq3A_825 = arith.cmpi eq, %iota3A, %eq3A_824 : vector<64x4096xi32>
    %jit3A_826 = arith.constant 0x7F800000 : f32
    %broadcast_in_dim3A_827 = vector.broadcast %jit3A_826 : f32 to vector<64x4096xf32>
    %select_n3A_828 = arith.select %eq3A_825, %broadcast_in_dim3A_827, %select_n3A_740 : vector<64x4096xi1>, vector<64x4096xf32>
    %reduce_min3A_829 = arith.constant dense<0x7F800000> : vector<64xf32>
    %reduce_min3A_830 = vector.multi_reduction <minimumf>, %select_n3A_762, %reduce_min3A_829 [1] : vector<64x4096xf32> to vector<64xf32>
    %broadcast_in_dim3A_831 = vector.shape_cast %reduce_min3A_830 : vector<64xf32> to vector<64x1xf32>
    %eq3A_832 = vector.broadcast %broadcast_in_dim3A_831 : vector<64x1xf32> to vector<64x4096xf32>
    %eq3A_833 = arith.cmpf oeq, %select_n3A_762, %eq3A_832 : vector<64x4096xf32>
    %jit3A_834 = arith.constant 4096 : i32
    %broadcast_in_dim3A_835 = vector.broadcast %jit3A_834 : i32 to vector<64x4096xi32>
    %select_n3A_836 = arith.select %eq3A_833, %iota3A, %broadcast_in_dim3A_835 : vector<64x4096xi1>, vector<64x4096xi32>
    %reduce_min3A_837 = arith.constant dense<2147483647> : vector<64xi32>
    %reduce_min3A_838 = vector.multi_reduction <minsi>, %select_n3A_836, %reduce_min3A_837 [1] : vector<64x4096xi32> to vector<64xi32>
    %broadcast_in_dim3A_839 = vector.shape_cast %reduce_min3A_838 : vector<64xi32> to vector<64x1xi32>
    %swap3A_840 = arith.constant 0 : index
    %swap3A_841 = arith.constant 0 : index
    %swap3A_842 = arith.constant 9 : index
    %swap3A_843 = vector.load %arg6[%swap3A_840, %swap3A_841, %swap3A_842] : memref<1x256x16xi32, #tpu.memory_space<vmem>>, vector<1x64x1xi32>
    %swap3A_844 = vector.shape_cast %swap3A_843 : vector<1x64x1xi32> to vector<64x1xi32>
    %swap3A_845 = vector.shape_cast %broadcast_in_dim3A_839 : vector<64x1xi32> to vector<1x64x1xi32>
    tpu.vector_store %arg6[%swap3A_840, %swap3A_841, %swap3A_842], %swap3A_845 {strides = array<i32>} : memref<1x256x16xi32, #tpu.memory_space<vmem>>, vector<1x64x1xi32>,
    %eq3A_846 = vector.broadcast %broadcast_in_dim3A_839 : vector<64x1xi32> to vector<64x4096xi32>
    %eq3A_847 = arith.cmpi eq, %iota3A, %eq3A_846 : vector<64x4096xi32>
    %jit3A_848 = arith.constant 0x7F800000 : f32
    %broadcast_in_dim3A_849 = vector.broadcast %jit3A_848 : f32 to vector<64x4096xf32>
    %select_n3A_850 = arith.select %eq3A_847, %broadcast_in_dim3A_849, %select_n3A_762 : vector<64x4096xi1>, vector<64x4096xf32>
    %reduce_min3A_851 = arith.constant dense<0x7F800000> : vector<64xf32>
    %reduce_min3A_852 = vector.multi_reduction <minimumf>, %select_n3A_784, %reduce_min3A_851 [1] : vector<64x4096xf32> to vector<64xf32>
    %broadcast_in_dim3A_853 = vector.shape_cast %reduce_min3A_852 : vector<64xf32> to vector<64x1xf32>
    %eq3A_854 = vector.broadcast %broadcast_in_dim3A_853 : vector<64x1xf32> to vector<64x4096xf32>
    %eq3A_855 = arith.cmpf oeq, %select_n3A_784, %eq3A_854 : vector<64x4096xf32>
    %jit3A_856 = arith.constant 4096 : i32
    %broadcast_in_dim3A_857 = vector.broadcast %jit3A_856 : i32 to vector<64x4096xi32>
    %select_n3A_858 = arith.select %eq3A_855, %iota3A, %broadcast_in_dim3A_857 : vector<64x4096xi1>, vector<64x4096xi32>
    %reduce_min3A_859 = arith.constant dense<2147483647> : vector<64xi32>
    %reduce_min3A_860 = vector.multi_reduction <minsi>, %select_n3A_858, %reduce_min3A_859 [1] : vector<64x4096xi32> to vector<64xi32>
    %broadcast_in_dim3A_861 = vector.shape_cast %reduce_min3A_860 : vector<64xi32> to vector<64x1xi32>
    %swap3A_862 = arith.constant 0 : index
    %swap3A_863 = arith.constant 64 : index
    %swap3A_864 = arith.constant 9 : index
    %swap3A_865 = vector.load %arg6[%swap3A_862, %swap3A_863, %swap3A_864] : memref<1x256x16xi32, #tpu.memory_space<vmem>>, vector<1x64x1xi32>
    %swap3A_866 = vector.shape_cast %swap3A_865 : vector<1x64x1xi32> to vector<64x1xi32>
    %swap3A_867 = vector.shape_cast %broadcast_in_dim3A_861 : vector<64x1xi32> to vector<1x64x1xi32>
    tpu.vector_store %arg6[%swap3A_862, %swap3A_863, %swap3A_864], %swap3A_867 {strides = array<i32>} : memref<1x256x16xi32, #tpu.memory_space<vmem>>, vector<1x64x1xi32>,
    %eq3A_868 = vector.broadcast %broadcast_in_dim3A_861 : vector<64x1xi32> to vector<64x4096xi32>
    %eq3A_869 = arith.cmpi eq, %iota3A, %eq3A_868 : vector<64x4096xi32>
    %jit3A_870 = arith.constant 0x7F800000 : f32
    %broadcast_in_dim3A_871 = vector.broadcast %jit3A_870 : f32 to vector<64x4096xf32>
    %select_n3A_872 = arith.select %eq3A_869, %broadcast_in_dim3A_871, %select_n3A_784 : vector<64x4096xi1>, vector<64x4096xf32>
    %reduce_min3A_873 = arith.constant dense<0x7F800000> : vector<64xf32>
    %reduce_min3A_874 = vector.multi_reduction <minimumf>, %select_n3A_806, %reduce_min3A_873 [1] : vector<64x4096xf32> to vector<64xf32>
    %broadcast_in_dim3A_875 = vector.shape_cast %reduce_min3A_874 : vector<64xf32> to vector<64x1xf32>
    %eq3A_876 = vector.broadcast %broadcast_in_dim3A_875 : vector<64x1xf32> to vector<64x4096xf32>
    %eq3A_877 = arith.cmpf oeq, %select_n3A_806, %eq3A_876 : vector<64x4096xf32>
    %jit3A_878 = arith.constant 4096 : i32
    %broadcast_in_dim3A_879 = vector.broadcast %jit3A_878 : i32 to vector<64x4096xi32>
    %select_n3A_880 = arith.select %eq3A_877, %iota3A, %broadcast_in_dim3A_879 : vector<64x4096xi1>, vector<64x4096xi32>
    %reduce_min3A_881 = arith.constant dense<2147483647> : vector<64xi32>
    %reduce_min3A_882 = vector.multi_reduction <minsi>, %select_n3A_880, %reduce_min3A_881 [1] : vector<64x4096xi32> to vector<64xi32>
    %broadcast_in_dim3A_883 = vector.shape_cast %reduce_min3A_882 : vector<64xi32> to vector<64x1xi32>
    %swap3A_884 = arith.constant 0 : index
    %swap3A_885 = arith.constant 128 : index
    %swap3A_886 = arith.constant 9 : index
    %swap3A_887 = vector.load %arg6[%swap3A_884, %swap3A_885, %swap3A_886] : memref<1x256x16xi32, #tpu.memory_space<vmem>>, vector<1x64x1xi32>
    %swap3A_888 = vector.shape_cast %swap3A_887 : vector<1x64x1xi32> to vector<64x1xi32>
    %swap3A_889 = vector.shape_cast %broadcast_in_dim3A_883 : vector<64x1xi32> to vector<1x64x1xi32>
    tpu.vector_store %arg6[%swap3A_884, %swap3A_885, %swap3A_886], %swap3A_889 {strides = array<i32>} : memref<1x256x16xi32, #tpu.memory_space<vmem>>, vector<1x64x1xi32>,
    %eq3A_890 = vector.broadcast %broadcast_in_dim3A_883 : vector<64x1xi32> to vector<64x4096xi32>
    %eq3A_891 = arith.cmpi eq, %iota3A, %eq3A_890 : vector<64x4096xi32>
    %jit3A_892 = arith.constant 0x7F800000 : f32
    %broadcast_in_dim3A_893 = vector.broadcast %jit3A_892 : f32 to vector<64x4096xf32>
    %select_n3A_894 = arith.select %eq3A_891, %broadcast_in_dim3A_893, %select_n3A_806 : vector<64x4096xi1>, vector<64x4096xf32>
    %reduce_min3A_895 = arith.constant dense<0x7F800000> : vector<64xf32>
    %reduce_min3A_896 = vector.multi_reduction <minimumf>, %select_n3A_828, %reduce_min3A_895 [1] : vector<64x4096xf32> to vector<64xf32>
    %broadcast_in_dim3A_897 = vector.shape_cast %reduce_min3A_896 : vector<64xf32> to vector<64x1xf32>
    %eq3A_898 = vector.broadcast %broadcast_in_dim3A_897 : vector<64x1xf32> to vector<64x4096xf32>
    %eq3A_899 = arith.cmpf oeq, %select_n3A_828, %eq3A_898 : vector<64x4096xf32>
    %jit3A_900 = arith.constant 4096 : i32
    %broadcast_in_dim3A_901 = vector.broadcast %jit3A_900 : i32 to vector<64x4096xi32>
    %select_n3A_902 = arith.select %eq3A_899, %iota3A, %broadcast_in_dim3A_901 : vector<64x4096xi1>, vector<64x4096xi32>
    %reduce_min3A_903 = arith.constant dense<2147483647> : vector<64xi32>
    %reduce_min3A_904 = vector.multi_reduction <minsi>, %select_n3A_902, %reduce_min3A_903 [1] : vector<64x4096xi32> to vector<64xi32>
    %broadcast_in_dim3A_905 = vector.shape_cast %reduce_min3A_904 : vector<64xi32> to vector<64x1xi32>
    %swap3A_906 = arith.constant 0 : index
    %swap3A_907 = arith.constant 192 : index
    %swap3A_908 = arith.constant 9 : index
    %swap3A_909 = vector.load %arg6[%swap3A_906, %swap3A_907, %swap3A_908] : memref<1x256x16xi32, #tpu.memory_space<vmem>>, vector<1x64x1xi32>
    %swap3A_910 = vector.shape_cast %swap3A_909 : vector<1x64x1xi32> to vector<64x1xi32>
    %swap3A_911 = vector.shape_cast %broadcast_in_dim3A_905 : vector<64x1xi32> to vector<1x64x1xi32>
    tpu.vector_store %arg6[%swap3A_906, %swap3A_907, %swap3A_908], %swap3A_911 {strides = array<i32>} : memref<1x256x16xi32, #tpu.memory_space<vmem>>, vector<1x64x1xi32>,
    %eq3A_912 = vector.broadcast %broadcast_in_dim3A_905 : vector<64x1xi32> to vector<64x4096xi32>
    %eq3A_913 = arith.cmpi eq, %iota3A, %eq3A_912 : vector<64x4096xi32>
    %jit3A_914 = arith.constant 0x7F800000 : f32
    %broadcast_in_dim3A_915 = vector.broadcast %jit3A_914 : f32 to vector<64x4096xf32>
    %select_n3A_916 = arith.select %eq3A_913, %broadcast_in_dim3A_915, %select_n3A_828 : vector<64x4096xi1>, vector<64x4096xf32>
    %reduce_min3A_917 = arith.constant dense<0x7F800000> : vector<64xf32>
    %reduce_min3A_918 = vector.multi_reduction <minimumf>, %select_n3A_850, %reduce_min3A_917 [1] : vector<64x4096xf32> to vector<64xf32>
    %broadcast_in_dim3A_919 = vector.shape_cast %reduce_min3A_918 : vector<64xf32> to vector<64x1xf32>
    %eq3A_920 = vector.broadcast %broadcast_in_dim3A_919 : vector<64x1xf32> to vector<64x4096xf32>
    %eq3A_921 = arith.cmpf oeq, %select_n3A_850, %eq3A_920 : vector<64x4096xf32>
    %jit3A_922 = arith.constant 4096 : i32
    %broadcast_in_dim3A_923 = vector.broadcast %jit3A_922 : i32 to vector<64x4096xi32>
    %select_n3A_924 = arith.select %eq3A_921, %iota3A, %broadcast_in_dim3A_923 : vector<64x4096xi1>, vector<64x4096xi32>
    %reduce_min3A_925 = arith.constant dense<2147483647> : vector<64xi32>
    %reduce_min3A_926 = vector.multi_reduction <minsi>, %select_n3A_924, %reduce_min3A_925 [1] : vector<64x4096xi32> to vector<64xi32>
    %broadcast_in_dim3A_927 = vector.shape_cast %reduce_min3A_926 : vector<64xi32> to vector<64x1xi32>
    %swap3A_928 = arith.constant 0 : index
    %swap3A_929 = arith.constant 0 : index
    %swap3A_930 = arith.constant 10 : index
    %swap3A_931 = vector.load %arg6[%swap3A_928, %swap3A_929, %swap3A_930] : memref<1x256x16xi32, #tpu.memory_space<vmem>>, vector<1x64x1xi32>
    %swap3A_932 = vector.shape_cast %swap3A_931 : vector<1x64x1xi32> to vector<64x1xi32>
    %swap3A_933 = vector.shape_cast %broadcast_in_dim3A_927 : vector<64x1xi32> to vector<1x64x1xi32>
    tpu.vector_store %arg6[%swap3A_928, %swap3A_929, %swap3A_930], %swap3A_933 {strides = array<i32>} : memref<1x256x16xi32, #tpu.memory_space<vmem>>, vector<1x64x1xi32>,
    %eq3A_934 = vector.broadcast %broadcast_in_dim3A_927 : vector<64x1xi32> to vector<64x4096xi32>
    %eq3A_935 = arith.cmpi eq, %iota3A, %eq3A_934 : vector<64x4096xi32>
    %jit3A_936 = arith.constant 0x7F800000 : f32
    %broadcast_in_dim3A_937 = vector.broadcast %jit3A_936 : f32 to vector<64x4096xf32>
    %select_n3A_938 = arith.select %eq3A_935, %broadcast_in_dim3A_937, %select_n3A_850 : vector<64x4096xi1>, vector<64x4096xf32>
    %reduce_min3A_939 = arith.constant dense<0x7F800000> : vector<64xf32>
    %reduce_min3A_940 = vector.multi_reduction <minimumf>, %select_n3A_872, %reduce_min3A_939 [1] : vector<64x4096xf32> to vector<64xf32>
    %broadcast_in_dim3A_941 = vector.shape_cast %reduce_min3A_940 : vector<64xf32> to vector<64x1xf32>
    %eq3A_942 = vector.broadcast %broadcast_in_dim3A_941 : vector<64x1xf32> to vector<64x4096xf32>
    %eq3A_943 = arith.cmpf oeq, %select_n3A_872, %eq3A_942 : vector<64x4096xf32>
    %jit3A_944 = arith.constant 4096 : i32
    %broadcast_in_dim3A_945 = vector.broadcast %jit3A_944 : i32 to vector<64x4096xi32>
    %select_n3A_946 = arith.select %eq3A_943, %iota3A, %broadcast_in_dim3A_945 : vector<64x4096xi1>, vector<64x4096xi32>
    %reduce_min3A_947 = arith.constant dense<2147483647> : vector<64xi32>
    %reduce_min3A_948 = vector.multi_reduction <minsi>, %select_n3A_946, %reduce_min3A_947 [1] : vector<64x4096xi32> to vector<64xi32>
    %broadcast_in_dim3A_949 = vector.shape_cast %reduce_min3A_948 : vector<64xi32> to vector<64x1xi32>
    %swap3A_950 = arith.constant 0 : index
    %swap3A_951 = arith.constant 64 : index
    %swap3A_952 = arith.constant 10 : index
    %swap3A_953 = vector.load %arg6[%swap3A_950, %swap3A_951, %swap3A_952] : memref<1x256x16xi32, #tpu.memory_space<vmem>>, vector<1x64x1xi32>
    %swap3A_954 = vector.shape_cast %swap3A_953 : vector<1x64x1xi32> to vector<64x1xi32>
    %swap3A_955 = vector.shape_cast %broadcast_in_dim3A_949 : vector<64x1xi32> to vector<1x64x1xi32>
    tpu.vector_store %arg6[%swap3A_950, %swap3A_951, %swap3A_952], %swap3A_955 {strides = array<i32>} : memref<1x256x16xi32, #tpu.memory_space<vmem>>, vector<1x64x1xi32>,
    %eq3A_956 = vector.broadcast %broadcast_in_dim3A_949 : vector<64x1xi32> to vector<64x4096xi32>
    %eq3A_957 = arith.cmpi eq, %iota3A, %eq3A_956 : vector<64x4096xi32>
    %jit3A_958 = arith.constant 0x7F800000 : f32
    %broadcast_in_dim3A_959 = vector.broadcast %jit3A_958 : f32 to vector<64x4096xf32>
    %select_n3A_960 = arith.select %eq3A_957, %broadcast_in_dim3A_959, %select_n3A_872 : vector<64x4096xi1>, vector<64x4096xf32>
    %reduce_min3A_961 = arith.constant dense<0x7F800000> : vector<64xf32>
    %reduce_min3A_962 = vector.multi_reduction <minimumf>, %select_n3A_894, %reduce_min3A_961 [1] : vector<64x4096xf32> to vector<64xf32>
    %broadcast_in_dim3A_963 = vector.shape_cast %reduce_min3A_962 : vector<64xf32> to vector<64x1xf32>
    %eq3A_964 = vector.broadcast %broadcast_in_dim3A_963 : vector<64x1xf32> to vector<64x4096xf32>
    %eq3A_965 = arith.cmpf oeq, %select_n3A_894, %eq3A_964 : vector<64x4096xf32>
    %jit3A_966 = arith.constant 4096 : i32
    %broadcast_in_dim3A_967 = vector.broadcast %jit3A_966 : i32 to vector<64x4096xi32>
    %select_n3A_968 = arith.select %eq3A_965, %iota3A, %broadcast_in_dim3A_967 : vector<64x4096xi1>, vector<64x4096xi32>
    %reduce_min3A_969 = arith.constant dense<2147483647> : vector<64xi32>
    %reduce_min3A_970 = vector.multi_reduction <minsi>, %select_n3A_968, %reduce_min3A_969 [1] : vector<64x4096xi32> to vector<64xi32>
    %broadcast_in_dim3A_971 = vector.shape_cast %reduce_min3A_970 : vector<64xi32> to vector<64x1xi32>
    %swap3A_972 = arith.constant 0 : index
    %swap3A_973 = arith.constant 128 : index
    %swap3A_974 = arith.constant 10 : index
    %swap3A_975 = vector.load %arg6[%swap3A_972, %swap3A_973, %swap3A_974] : memref<1x256x16xi32, #tpu.memory_space<vmem>>, vector<1x64x1xi32>
    %swap3A_976 = vector.shape_cast %swap3A_975 : vector<1x64x1xi32> to vector<64x1xi32>
    %swap3A_977 = vector.shape_cast %broadcast_in_dim3A_971 : vector<64x1xi32> to vector<1x64x1xi32>
    tpu.vector_store %arg6[%swap3A_972, %swap3A_973, %swap3A_974], %swap3A_977 {strides = array<i32>} : memref<1x256x16xi32, #tpu.memory_space<vmem>>, vector<1x64x1xi32>,
    %eq3A_978 = vector.broadcast %broadcast_in_dim3A_971 : vector<64x1xi32> to vector<64x4096xi32>
    %eq3A_979 = arith.cmpi eq, %iota3A, %eq3A_978 : vector<64x4096xi32>
    %jit3A_980 = arith.constant 0x7F800000 : f32
    %broadcast_in_dim3A_981 = vector.broadcast %jit3A_980 : f32 to vector<64x4096xf32>
    %select_n3A_982 = arith.select %eq3A_979, %broadcast_in_dim3A_981, %select_n3A_894 : vector<64x4096xi1>, vector<64x4096xf32>
    %reduce_min3A_983 = arith.constant dense<0x7F800000> : vector<64xf32>
    %reduce_min3A_984 = vector.multi_reduction <minimumf>, %select_n3A_916, %reduce_min3A_983 [1] : vector<64x4096xf32> to vector<64xf32>
    %broadcast_in_dim3A_985 = vector.shape_cast %reduce_min3A_984 : vector<64xf32> to vector<64x1xf32>
    %eq3A_986 = vector.broadcast %broadcast_in_dim3A_985 : vector<64x1xf32> to vector<64x4096xf32>
    %eq3A_987 = arith.cmpf oeq, %select_n3A_916, %eq3A_986 : vector<64x4096xf32>
    %jit3A_988 = arith.constant 4096 : i32
    %broadcast_in_dim3A_989 = vector.broadcast %jit3A_988 : i32 to vector<64x4096xi32>
    %select_n3A_990 = arith.select %eq3A_987, %iota3A, %broadcast_in_dim3A_989 : vector<64x4096xi1>, vector<64x4096xi32>
    %reduce_min3A_991 = arith.constant dense<2147483647> : vector<64xi32>
    %reduce_min3A_992 = vector.multi_reduction <minsi>, %select_n3A_990, %reduce_min3A_991 [1] : vector<64x4096xi32> to vector<64xi32>
    %broadcast_in_dim3A_993 = vector.shape_cast %reduce_min3A_992 : vector<64xi32> to vector<64x1xi32>
    %swap3A_994 = arith.constant 0 : index
    %swap3A_995 = arith.constant 192 : index
    %swap3A_996 = arith.constant 10 : index
    %swap3A_997 = vector.load %arg6[%swap3A_994, %swap3A_995, %swap3A_996] : memref<1x256x16xi32, #tpu.memory_space<vmem>>, vector<1x64x1xi32>
    %swap3A_998 = vector.shape_cast %swap3A_997 : vector<1x64x1xi32> to vector<64x1xi32>
    %swap3A_999 = vector.shape_cast %broadcast_in_dim3A_993 : vector<64x1xi32> to vector<1x64x1xi32>
    tpu.vector_store %arg6[%swap3A_994, %swap3A_995, %swap3A_996], %swap3A_999 {strides = array<i32>} : memref<1x256x16xi32, #tpu.memory_space<vmem>>, vector<1x64x1xi32>,
    %eq3A_1000 = vector.broadcast %broadcast_in_dim3A_993 : vector<64x1xi32> to vector<64x4096xi32>
    %eq3A_1001 = arith.cmpi eq, %iota3A, %eq3A_1000 : vector<64x4096xi32>
    %jit3A_1002 = arith.constant 0x7F800000 : f32
    %broadcast_in_dim3A_1003 = vector.broadcast %jit3A_1002 : f32 to vector<64x4096xf32>
    %select_n3A_1004 = arith.select %eq3A_1001, %broadcast_in_dim3A_1003, %select_n3A_916 : vector<64x4096xi1>, vector<64x4096xf32>
    %reduce_min3A_1005 = arith.constant dense<0x7F800000> : vector<64xf32>
    %reduce_min3A_1006 = vector.multi_reduction <minimumf>, %select_n3A_938, %reduce_min3A_1005 [1] : vector<64x4096xf32> to vector<64xf32>
    %broadcast_in_dim3A_1007 = vector.shape_cast %reduce_min3A_1006 : vector<64xf32> to vector<64x1xf32>
    %eq3A_1008 = vector.broadcast %broadcast_in_dim3A_1007 : vector<64x1xf32> to vector<64x4096xf32>
    %eq3A_1009 = arith.cmpf oeq, %select_n3A_938, %eq3A_1008 : vector<64x4096xf32>
    %jit3A_1010 = arith.constant 4096 : i32
    %broadcast_in_dim3A_1011 = vector.broadcast %jit3A_1010 : i32 to vector<64x4096xi32>
    %select_n3A_1012 = arith.select %eq3A_1009, %iota3A, %broadcast_in_dim3A_1011 : vector<64x4096xi1>, vector<64x4096xi32>
    %reduce_min3A_1013 = arith.constant dense<2147483647> : vector<64xi32>
    %reduce_min3A_1014 = vector.multi_reduction <minsi>, %select_n3A_1012, %reduce_min3A_1013 [1] : vector<64x4096xi32> to vector<64xi32>
    %broadcast_in_dim3A_1015 = vector.shape_cast %reduce_min3A_1014 : vector<64xi32> to vector<64x1xi32>
    %swap3A_1016 = arith.constant 0 : index
    %swap3A_1017 = arith.constant 0 : index
    %swap3A_1018 = arith.constant 11 : index
    %swap3A_1019 = vector.load %arg6[%swap3A_1016, %swap3A_1017, %swap3A_1018] : memref<1x256x16xi32, #tpu.memory_space<vmem>>, vector<1x64x1xi32>
    %swap3A_1020 = vector.shape_cast %swap3A_1019 : vector<1x64x1xi32> to vector<64x1xi32>
    %swap3A_1021 = vector.shape_cast %broadcast_in_dim3A_1015 : vector<64x1xi32> to vector<1x64x1xi32>
    tpu.vector_store %arg6[%swap3A_1016, %swap3A_1017, %swap3A_1018], %swap3A_1021 {strides = array<i32>} : memref<1x256x16xi32, #tpu.memory_space<vmem>>, vector<1x64x1xi32>,
    %eq3A_1022 = vector.broadcast %broadcast_in_dim3A_1015 : vector<64x1xi32> to vector<64x4096xi32>
    %eq3A_1023 = arith.cmpi eq, %iota3A, %eq3A_1022 : vector<64x4096xi32>
    %jit3A_1024 = arith.constant 0x7F800000 : f32
    %broadcast_in_dim3A_1025 = vector.broadcast %jit3A_1024 : f32 to vector<64x4096xf32>
    %select_n3A_1026 = arith.select %eq3A_1023, %broadcast_in_dim3A_1025, %select_n3A_938 : vector<64x4096xi1>, vector<64x4096xf32>
    %reduce_min3A_1027 = arith.constant dense<0x7F800000> : vector<64xf32>
    %reduce_min3A_1028 = vector.multi_reduction <minimumf>, %select_n3A_960, %reduce_min3A_1027 [1] : vector<64x4096xf32> to vector<64xf32>
    %broadcast_in_dim3A_1029 = vector.shape_cast %reduce_min3A_1028 : vector<64xf32> to vector<64x1xf32>
    %eq3A_1030 = vector.broadcast %broadcast_in_dim3A_1029 : vector<64x1xf32> to vector<64x4096xf32>
    %eq3A_1031 = arith.cmpf oeq, %select_n3A_960, %eq3A_1030 : vector<64x4096xf32>
    %jit3A_1032 = arith.constant 4096 : i32
    %broadcast_in_dim3A_1033 = vector.broadcast %jit3A_1032 : i32 to vector<64x4096xi32>
    %select_n3A_1034 = arith.select %eq3A_1031, %iota3A, %broadcast_in_dim3A_1033 : vector<64x4096xi1>, vector<64x4096xi32>
    %reduce_min3A_1035 = arith.constant dense<2147483647> : vector<64xi32>
    %reduce_min3A_1036 = vector.multi_reduction <minsi>, %select_n3A_1034, %reduce_min3A_1035 [1] : vector<64x4096xi32> to vector<64xi32>
    %broadcast_in_dim3A_1037 = vector.shape_cast %reduce_min3A_1036 : vector<64xi32> to vector<64x1xi32>
    %swap3A_1038 = arith.constant 0 : index
    %swap3A_1039 = arith.constant 64 : index
    %swap3A_1040 = arith.constant 11 : index
    %swap3A_1041 = vector.load %arg6[%swap3A_1038, %swap3A_1039, %swap3A_1040] : memref<1x256x16xi32, #tpu.memory_space<vmem>>, vector<1x64x1xi32>
    %swap3A_1042 = vector.shape_cast %swap3A_1041 : vector<1x64x1xi32> to vector<64x1xi32>
    %swap3A_1043 = vector.shape_cast %broadcast_in_dim3A_1037 : vector<64x1xi32> to vector<1x64x1xi32>
    tpu.vector_store %arg6[%swap3A_1038, %swap3A_1039, %swap3A_1040], %swap3A_1043 {strides = array<i32>} : memref<1x256x16xi32, #tpu.memory_space<vmem>>, vector<1x64x1xi32>,
    %eq3A_1044 = vector.broadcast %broadcast_in_dim3A_1037 : vector<64x1xi32> to vector<64x4096xi32>
    %eq3A_1045 = arith.cmpi eq, %iota3A, %eq3A_1044 : vector<64x4096xi32>
    %jit3A_1046 = arith.constant 0x7F800000 : f32
    %broadcast_in_dim3A_1047 = vector.broadcast %jit3A_1046 : f32 to vector<64x4096xf32>
    %select_n3A_1048 = arith.select %eq3A_1045, %broadcast_in_dim3A_1047, %select_n3A_960 : vector<64x4096xi1>, vector<64x4096xf32>
    %reduce_min3A_1049 = arith.constant dense<0x7F800000> : vector<64xf32>
    %reduce_min3A_1050 = vector.multi_reduction <minimumf>, %select_n3A_982, %reduce_min3A_1049 [1] : vector<64x4096xf32> to vector<64xf32>
    %broadcast_in_dim3A_1051 = vector.shape_cast %reduce_min3A_1050 : vector<64xf32> to vector<64x1xf32>
    %eq3A_1052 = vector.broadcast %broadcast_in_dim3A_1051 : vector<64x1xf32> to vector<64x4096xf32>
    %eq3A_1053 = arith.cmpf oeq, %select_n3A_982, %eq3A_1052 : vector<64x4096xf32>
    %jit3A_1054 = arith.constant 4096 : i32
    %broadcast_in_dim3A_1055 = vector.broadcast %jit3A_1054 : i32 to vector<64x4096xi32>
    %select_n3A_1056 = arith.select %eq3A_1053, %iota3A, %broadcast_in_dim3A_1055 : vector<64x4096xi1>, vector<64x4096xi32>
    %reduce_min3A_1057 = arith.constant dense<2147483647> : vector<64xi32>
    %reduce_min3A_1058 = vector.multi_reduction <minsi>, %select_n3A_1056, %reduce_min3A_1057 [1] : vector<64x4096xi32> to vector<64xi32>
    %broadcast_in_dim3A_1059 = vector.shape_cast %reduce_min3A_1058 : vector<64xi32> to vector<64x1xi32>
    %swap3A_1060 = arith.constant 0 : index
    %swap3A_1061 = arith.constant 128 : index
    %swap3A_1062 = arith.constant 11 : index
    %swap3A_1063 = vector.load %arg6[%swap3A_1060, %swap3A_1061, %swap3A_1062] : memref<1x256x16xi32, #tpu.memory_space<vmem>>, vector<1x64x1xi32>
    %swap3A_1064 = vector.shape_cast %swap3A_1063 : vector<1x64x1xi32> to vector<64x1xi32>
    %swap3A_1065 = vector.shape_cast %broadcast_in_dim3A_1059 : vector<64x1xi32> to vector<1x64x1xi32>
    tpu.vector_store %arg6[%swap3A_1060, %swap3A_1061, %swap3A_1062], %swap3A_1065 {strides = array<i32>} : memref<1x256x16xi32, #tpu.memory_space<vmem>>, vector<1x64x1xi32>,
    %eq3A_1066 = vector.broadcast %broadcast_in_dim3A_1059 : vector<64x1xi32> to vector<64x4096xi32>
    %eq3A_1067 = arith.cmpi eq, %iota3A, %eq3A_1066 : vector<64x4096xi32>
    %jit3A_1068 = arith.constant 0x7F800000 : f32
    %broadcast_in_dim3A_1069 = vector.broadcast %jit3A_1068 : f32 to vector<64x4096xf32>
    %select_n3A_1070 = arith.select %eq3A_1067, %broadcast_in_dim3A_1069, %select_n3A_982 : vector<64x4096xi1>, vector<64x4096xf32>
    %reduce_min3A_1071 = arith.constant dense<0x7F800000> : vector<64xf32>
    %reduce_min3A_1072 = vector.multi_reduction <minimumf>, %select_n3A_1004, %reduce_min3A_1071 [1] : vector<64x4096xf32> to vector<64xf32>
    %broadcast_in_dim3A_1073 = vector.shape_cast %reduce_min3A_1072 : vector<64xf32> to vector<64x1xf32>
    %eq3A_1074 = vector.broadcast %broadcast_in_dim3A_1073 : vector<64x1xf32> to vector<64x4096xf32>
    %eq3A_1075 = arith.cmpf oeq, %select_n3A_1004, %eq3A_1074 : vector<64x4096xf32>
    %jit3A_1076 = arith.constant 4096 : i32
    %broadcast_in_dim3A_1077 = vector.broadcast %jit3A_1076 : i32 to vector<64x4096xi32>
    %select_n3A_1078 = arith.select %eq3A_1075, %iota3A, %broadcast_in_dim3A_1077 : vector<64x4096xi1>, vector<64x4096xi32>
    %reduce_min3A_1079 = arith.constant dense<2147483647> : vector<64xi32>
    %reduce_min3A_1080 = vector.multi_reduction <minsi>, %select_n3A_1078, %reduce_min3A_1079 [1] : vector<64x4096xi32> to vector<64xi32>
    %broadcast_in_dim3A_1081 = vector.shape_cast %reduce_min3A_1080 : vector<64xi32> to vector<64x1xi32>
    %swap3A_1082 = arith.constant 0 : index
    %swap3A_1083 = arith.constant 192 : index
    %swap3A_1084 = arith.constant 11 : index
    %swap3A_1085 = vector.load %arg6[%swap3A_1082, %swap3A_1083, %swap3A_1084] : memref<1x256x16xi32, #tpu.memory_space<vmem>>, vector<1x64x1xi32>
    %swap3A_1086 = vector.shape_cast %swap3A_1085 : vector<1x64x1xi32> to vector<64x1xi32>
    %swap3A_1087 = vector.shape_cast %broadcast_in_dim3A_1081 : vector<64x1xi32> to vector<1x64x1xi32>
    tpu.vector_store %arg6[%swap3A_1082, %swap3A_1083, %swap3A_1084], %swap3A_1087 {strides = array<i32>} : memref<1x256x16xi32, #tpu.memory_space<vmem>>, vector<1x64x1xi32>,
    %eq3A_1088 = vector.broadcast %broadcast_in_dim3A_1081 : vector<64x1xi32> to vector<64x4096xi32>
    %eq3A_1089 = arith.cmpi eq, %iota3A, %eq3A_1088 : vector<64x4096xi32>
    %jit3A_1090 = arith.constant 0x7F800000 : f32
    %broadcast_in_dim3A_1091 = vector.broadcast %jit3A_1090 : f32 to vector<64x4096xf32>
    %select_n3A_1092 = arith.select %eq3A_1089, %broadcast_in_dim3A_1091, %select_n3A_1004 : vector<64x4096xi1>, vector<64x4096xf32>
    %reduce_min3A_1093 = arith.constant dense<0x7F800000> : vector<64xf32>
    %reduce_min3A_1094 = vector.multi_reduction <minimumf>, %select_n3A_1026, %reduce_min3A_1093 [1] : vector<64x4096xf32> to vector<64xf32>
    %broadcast_in_dim3A_1095 = vector.shape_cast %reduce_min3A_1094 : vector<64xf32> to vector<64x1xf32>
    %eq3A_1096 = vector.broadcast %broadcast_in_dim3A_1095 : vector<64x1xf32> to vector<64x4096xf32>
    %eq3A_1097 = arith.cmpf oeq, %select_n3A_1026, %eq3A_1096 : vector<64x4096xf32>
    %jit3A_1098 = arith.constant 4096 : i32
    %broadcast_in_dim3A_1099 = vector.broadcast %jit3A_1098 : i32 to vector<64x4096xi32>
    %select_n3A_1100 = arith.select %eq3A_1097, %iota3A, %broadcast_in_dim3A_1099 : vector<64x4096xi1>, vector<64x4096xi32>
    %reduce_min3A_1101 = arith.constant dense<2147483647> : vector<64xi32>
    %reduce_min3A_1102 = vector.multi_reduction <minsi>, %select_n3A_1100, %reduce_min3A_1101 [1] : vector<64x4096xi32> to vector<64xi32>
    %broadcast_in_dim3A_1103 = vector.shape_cast %reduce_min3A_1102 : vector<64xi32> to vector<64x1xi32>
    %swap3A_1104 = arith.constant 0 : index
    %swap3A_1105 = arith.constant 0 : index
    %swap3A_1106 = arith.constant 12 : index
    %swap3A_1107 = vector.load %arg6[%swap3A_1104, %swap3A_1105, %swap3A_1106] : memref<1x256x16xi32, #tpu.memory_space<vmem>>, vector<1x64x1xi32>
    %swap3A_1108 = vector.shape_cast %swap3A_1107 : vector<1x64x1xi32> to vector<64x1xi32>
    %swap3A_1109 = vector.shape_cast %broadcast_in_dim3A_1103 : vector<64x1xi32> to vector<1x64x1xi32>
    tpu.vector_store %arg6[%swap3A_1104, %swap3A_1105, %swap3A_1106], %swap3A_1109 {strides = array<i32>} : memref<1x256x16xi32, #tpu.memory_space<vmem>>, vector<1x64x1xi32>,
    %eq3A_1110 = vector.broadcast %broadcast_in_dim3A_1103 : vector<64x1xi32> to vector<64x4096xi32>
    %eq3A_1111 = arith.cmpi eq, %iota3A, %eq3A_1110 : vector<64x4096xi32>
    %jit3A_1112 = arith.constant 0x7F800000 : f32
    %broadcast_in_dim3A_1113 = vector.broadcast %jit3A_1112 : f32 to vector<64x4096xf32>
    %select_n3A_1114 = arith.select %eq3A_1111, %broadcast_in_dim3A_1113, %select_n3A_1026 : vector<64x4096xi1>, vector<64x4096xf32>
    %reduce_min3A_1115 = arith.constant dense<0x7F800000> : vector<64xf32>
    %reduce_min3A_1116 = vector.multi_reduction <minimumf>, %select_n3A_1048, %reduce_min3A_1115 [1] : vector<64x4096xf32> to vector<64xf32>
    %broadcast_in_dim3A_1117 = vector.shape_cast %reduce_min3A_1116 : vector<64xf32> to vector<64x1xf32>
    %eq3A_1118 = vector.broadcast %broadcast_in_dim3A_1117 : vector<64x1xf32> to vector<64x4096xf32>
    %eq3A_1119 = arith.cmpf oeq, %select_n3A_1048, %eq3A_1118 : vector<64x4096xf32>
    %jit3A_1120 = arith.constant 4096 : i32
    %broadcast_in_dim3A_1121 = vector.broadcast %jit3A_1120 : i32 to vector<64x4096xi32>
    %select_n3A_1122 = arith.select %eq3A_1119, %iota3A, %broadcast_in_dim3A_1121 : vector<64x4096xi1>, vector<64x4096xi32>
    %reduce_min3A_1123 = arith.constant dense<2147483647> : vector<64xi32>
    %reduce_min3A_1124 = vector.multi_reduction <minsi>, %select_n3A_1122, %reduce_min3A_1123 [1] : vector<64x4096xi32> to vector<64xi32>
    %broadcast_in_dim3A_1125 = vector.shape_cast %reduce_min3A_1124 : vector<64xi32> to vector<64x1xi32>
    %swap3A_1126 = arith.constant 0 : index
    %swap3A_1127 = arith.constant 64 : index
    %swap3A_1128 = arith.constant 12 : index
    %swap3A_1129 = vector.load %arg6[%swap3A_1126, %swap3A_1127, %swap3A_1128] : memref<1x256x16xi32, #tpu.memory_space<vmem>>, vector<1x64x1xi32>
    %swap3A_1130 = vector.shape_cast %swap3A_1129 : vector<1x64x1xi32> to vector<64x1xi32>
    %swap3A_1131 = vector.shape_cast %broadcast_in_dim3A_1125 : vector<64x1xi32> to vector<1x64x1xi32>
    tpu.vector_store %arg6[%swap3A_1126, %swap3A_1127, %swap3A_1128], %swap3A_1131 {strides = array<i32>} : memref<1x256x16xi32, #tpu.memory_space<vmem>>, vector<1x64x1xi32>,
    %eq3A_1132 = vector.broadcast %broadcast_in_dim3A_1125 : vector<64x1xi32> to vector<64x4096xi32>
    %eq3A_1133 = arith.cmpi eq, %iota3A, %eq3A_1132 : vector<64x4096xi32>
    %jit3A_1134 = arith.constant 0x7F800000 : f32
    %broadcast_in_dim3A_1135 = vector.broadcast %jit3A_1134 : f32 to vector<64x4096xf32>
    %select_n3A_1136 = arith.select %eq3A_1133, %broadcast_in_dim3A_1135, %select_n3A_1048 : vector<64x4096xi1>, vector<64x4096xf32>
    %reduce_min3A_1137 = arith.constant dense<0x7F800000> : vector<64xf32>
    %reduce_min3A_1138 = vector.multi_reduction <minimumf>, %select_n3A_1070, %reduce_min3A_1137 [1] : vector<64x4096xf32> to vector<64xf32>
    %broadcast_in_dim3A_1139 = vector.shape_cast %reduce_min3A_1138 : vector<64xf32> to vector<64x1xf32>
    %eq3A_1140 = vector.broadcast %broadcast_in_dim3A_1139 : vector<64x1xf32> to vector<64x4096xf32>
    %eq3A_1141 = arith.cmpf oeq, %select_n3A_1070, %eq3A_1140 : vector<64x4096xf32>
    %jit3A_1142 = arith.constant 4096 : i32
    %broadcast_in_dim3A_1143 = vector.broadcast %jit3A_1142 : i32 to vector<64x4096xi32>
    %select_n3A_1144 = arith.select %eq3A_1141, %iota3A, %broadcast_in_dim3A_1143 : vector<64x4096xi1>, vector<64x4096xi32>
    %reduce_min3A_1145 = arith.constant dense<2147483647> : vector<64xi32>
    %reduce_min3A_1146 = vector.multi_reduction <minsi>, %select_n3A_1144, %reduce_min3A_1145 [1] : vector<64x4096xi32> to vector<64xi32>
    %broadcast_in_dim3A_1147 = vector.shape_cast %reduce_min3A_1146 : vector<64xi32> to vector<64x1xi32>
    %swap3A_1148 = arith.constant 0 : index
    %swap3A_1149 = arith.constant 128 : index
    %swap3A_1150 = arith.constant 12 : index
    %swap3A_1151 = vector.load %arg6[%swap3A_1148, %swap3A_1149, %swap3A_1150] : memref<1x256x16xi32, #tpu.memory_space<vmem>>, vector<1x64x1xi32>
    %swap3A_1152 = vector.shape_cast %swap3A_1151 : vector<1x64x1xi32> to vector<64x1xi32>
    %swap3A_1153 = vector.shape_cast %broadcast_in_dim3A_1147 : vector<64x1xi32> to vector<1x64x1xi32>
    tpu.vector_store %arg6[%swap3A_1148, %swap3A_1149, %swap3A_1150], %swap3A_1153 {strides = array<i32>} : memref<1x256x16xi32, #tpu.memory_space<vmem>>, vector<1x64x1xi32>,
    %eq3A_1154 = vector.broadcast %broadcast_in_dim3A_1147 : vector<64x1xi32> to vector<64x4096xi32>
    %eq3A_1155 = arith.cmpi eq, %iota3A, %eq3A_1154 : vector<64x4096xi32>
    %jit3A_1156 = arith.constant 0x7F800000 : f32
    %broadcast_in_dim3A_1157 = vector.broadcast %jit3A_1156 : f32 to vector<64x4096xf32>
    %select_n3A_1158 = arith.select %eq3A_1155, %broadcast_in_dim3A_1157, %select_n3A_1070 : vector<64x4096xi1>, vector<64x4096xf32>
    %reduce_min3A_1159 = arith.constant dense<0x7F800000> : vector<64xf32>
    %reduce_min3A_1160 = vector.multi_reduction <minimumf>, %select_n3A_1092, %reduce_min3A_1159 [1] : vector<64x4096xf32> to vector<64xf32>
    %broadcast_in_dim3A_1161 = vector.shape_cast %reduce_min3A_1160 : vector<64xf32> to vector<64x1xf32>
    %eq3A_1162 = vector.broadcast %broadcast_in_dim3A_1161 : vector<64x1xf32> to vector<64x4096xf32>
    %eq3A_1163 = arith.cmpf oeq, %select_n3A_1092, %eq3A_1162 : vector<64x4096xf32>
    %jit3A_1164 = arith.constant 4096 : i32
    %broadcast_in_dim3A_1165 = vector.broadcast %jit3A_1164 : i32 to vector<64x4096xi32>
    %select_n3A_1166 = arith.select %eq3A_1163, %iota3A, %broadcast_in_dim3A_1165 : vector<64x4096xi1>, vector<64x4096xi32>
    %reduce_min3A_1167 = arith.constant dense<2147483647> : vector<64xi32>
    %reduce_min3A_1168 = vector.multi_reduction <minsi>, %select_n3A_1166, %reduce_min3A_1167 [1] : vector<64x4096xi32> to vector<64xi32>
    %broadcast_in_dim3A_1169 = vector.shape_cast %reduce_min3A_1168 : vector<64xi32> to vector<64x1xi32>
    %swap3A_1170 = arith.constant 0 : index
    %swap3A_1171 = arith.constant 192 : index
    %swap3A_1172 = arith.constant 12 : index
    %swap3A_1173 = vector.load %arg6[%swap3A_1170, %swap3A_1171, %swap3A_1172] : memref<1x256x16xi32, #tpu.memory_space<vmem>>, vector<1x64x1xi32>
    %swap3A_1174 = vector.shape_cast %swap3A_1173 : vector<1x64x1xi32> to vector<64x1xi32>
    %swap3A_1175 = vector.shape_cast %broadcast_in_dim3A_1169 : vector<64x1xi32> to vector<1x64x1xi32>
    tpu.vector_store %arg6[%swap3A_1170, %swap3A_1171, %swap3A_1172], %swap3A_1175 {strides = array<i32>} : memref<1x256x16xi32, #tpu.memory_space<vmem>>, vector<1x64x1xi32>,
    %eq3A_1176 = vector.broadcast %broadcast_in_dim3A_1169 : vector<64x1xi32> to vector<64x4096xi32>
    %eq3A_1177 = arith.cmpi eq, %iota3A, %eq3A_1176 : vector<64x4096xi32>
    %jit3A_1178 = arith.constant 0x7F800000 : f32
    %broadcast_in_dim3A_1179 = vector.broadcast %jit3A_1178 : f32 to vector<64x4096xf32>
    %select_n3A_1180 = arith.select %eq3A_1177, %broadcast_in_dim3A_1179, %select_n3A_1092 : vector<64x4096xi1>, vector<64x4096xf32>
    %reduce_min3A_1181 = arith.constant dense<0x7F800000> : vector<64xf32>
    %reduce_min3A_1182 = vector.multi_reduction <minimumf>, %select_n3A_1114, %reduce_min3A_1181 [1] : vector<64x4096xf32> to vector<64xf32>
    %broadcast_in_dim3A_1183 = vector.shape_cast %reduce_min3A_1182 : vector<64xf32> to vector<64x1xf32>
    %eq3A_1184 = vector.broadcast %broadcast_in_dim3A_1183 : vector<64x1xf32> to vector<64x4096xf32>
    %eq3A_1185 = arith.cmpf oeq, %select_n3A_1114, %eq3A_1184 : vector<64x4096xf32>
    %jit3A_1186 = arith.constant 4096 : i32
    %broadcast_in_dim3A_1187 = vector.broadcast %jit3A_1186 : i32 to vector<64x4096xi32>
    %select_n3A_1188 = arith.select %eq3A_1185, %iota3A, %broadcast_in_dim3A_1187 : vector<64x4096xi1>, vector<64x4096xi32>
    %reduce_min3A_1189 = arith.constant dense<2147483647> : vector<64xi32>
    %reduce_min3A_1190 = vector.multi_reduction <minsi>, %select_n3A_1188, %reduce_min3A_1189 [1] : vector<64x4096xi32> to vector<64xi32>
    %broadcast_in_dim3A_1191 = vector.shape_cast %reduce_min3A_1190 : vector<64xi32> to vector<64x1xi32>
    %swap3A_1192 = arith.constant 0 : index
    %swap3A_1193 = arith.constant 0 : index
    %swap3A_1194 = arith.constant 13 : index
    %swap3A_1195 = vector.load %arg6[%swap3A_1192, %swap3A_1193, %swap3A_1194] : memref<1x256x16xi32, #tpu.memory_space<vmem>>, vector<1x64x1xi32>
    %swap3A_1196 = vector.shape_cast %swap3A_1195 : vector<1x64x1xi32> to vector<64x1xi32>
    %swap3A_1197 = vector.shape_cast %broadcast_in_dim3A_1191 : vector<64x1xi32> to vector<1x64x1xi32>
    tpu.vector_store %arg6[%swap3A_1192, %swap3A_1193, %swap3A_1194], %swap3A_1197 {strides = array<i32>} : memref<1x256x16xi32, #tpu.memory_space<vmem>>, vector<1x64x1xi32>,
    %eq3A_1198 = vector.broadcast %broadcast_in_dim3A_1191 : vector<64x1xi32> to vector<64x4096xi32>
    %eq3A_1199 = arith.cmpi eq, %iota3A, %eq3A_1198 : vector<64x4096xi32>
    %jit3A_1200 = arith.constant 0x7F800000 : f32
    %broadcast_in_dim3A_1201 = vector.broadcast %jit3A_1200 : f32 to vector<64x4096xf32>
    %select_n3A_1202 = arith.select %eq3A_1199, %broadcast_in_dim3A_1201, %select_n3A_1114 : vector<64x4096xi1>, vector<64x4096xf32>
    %reduce_min3A_1203 = arith.constant dense<0x7F800000> : vector<64xf32>
    %reduce_min3A_1204 = vector.multi_reduction <minimumf>, %select_n3A_1136, %reduce_min3A_1203 [1] : vector<64x4096xf32> to vector<64xf32>
    %broadcast_in_dim3A_1205 = vector.shape_cast %reduce_min3A_1204 : vector<64xf32> to vector<64x1xf32>
    %eq3A_1206 = vector.broadcast %broadcast_in_dim3A_1205 : vector<64x1xf32> to vector<64x4096xf32>
    %eq3A_1207 = arith.cmpf oeq, %select_n3A_1136, %eq3A_1206 : vector<64x4096xf32>
    %jit3A_1208 = arith.constant 4096 : i32
    %broadcast_in_dim3A_1209 = vector.broadcast %jit3A_1208 : i32 to vector<64x4096xi32>
    %select_n3A_1210 = arith.select %eq3A_1207, %iota3A, %broadcast_in_dim3A_1209 : vector<64x4096xi1>, vector<64x4096xi32>
    %reduce_min3A_1211 = arith.constant dense<2147483647> : vector<64xi32>
    %reduce_min3A_1212 = vector.multi_reduction <minsi>, %select_n3A_1210, %reduce_min3A_1211 [1] : vector<64x4096xi32> to vector<64xi32>
    %broadcast_in_dim3A_1213 = vector.shape_cast %reduce_min3A_1212 : vector<64xi32> to vector<64x1xi32>
    %swap3A_1214 = arith.constant 0 : index
    %swap3A_1215 = arith.constant 64 : index
    %swap3A_1216 = arith.constant 13 : index
    %swap3A_1217 = vector.load %arg6[%swap3A_1214, %swap3A_1215, %swap3A_1216] : memref<1x256x16xi32, #tpu.memory_space<vmem>>, vector<1x64x1xi32>
    %swap3A_1218 = vector.shape_cast %swap3A_1217 : vector<1x64x1xi32> to vector<64x1xi32>
    %swap3A_1219 = vector.shape_cast %broadcast_in_dim3A_1213 : vector<64x1xi32> to vector<1x64x1xi32>
    tpu.vector_store %arg6[%swap3A_1214, %swap3A_1215, %swap3A_1216], %swap3A_1219 {strides = array<i32>} : memref<1x256x16xi32, #tpu.memory_space<vmem>>, vector<1x64x1xi32>,
    %eq3A_1220 = vector.broadcast %broadcast_in_dim3A_1213 : vector<64x1xi32> to vector<64x4096xi32>
    %eq3A_1221 = arith.cmpi eq, %iota3A, %eq3A_1220 : vector<64x4096xi32>
    %jit3A_1222 = arith.constant 0x7F800000 : f32
    %broadcast_in_dim3A_1223 = vector.broadcast %jit3A_1222 : f32 to vector<64x4096xf32>
    %select_n3A_1224 = arith.select %eq3A_1221, %broadcast_in_dim3A_1223, %select_n3A_1136 : vector<64x4096xi1>, vector<64x4096xf32>
    %reduce_min3A_1225 = arith.constant dense<0x7F800000> : vector<64xf32>
    %reduce_min3A_1226 = vector.multi_reduction <minimumf>, %select_n3A_1158, %reduce_min3A_1225 [1] : vector<64x4096xf32> to vector<64xf32>
    %broadcast_in_dim3A_1227 = vector.shape_cast %reduce_min3A_1226 : vector<64xf32> to vector<64x1xf32>
    %eq3A_1228 = vector.broadcast %broadcast_in_dim3A_1227 : vector<64x1xf32> to vector<64x4096xf32>
    %eq3A_1229 = arith.cmpf oeq, %select_n3A_1158, %eq3A_1228 : vector<64x4096xf32>
    %jit3A_1230 = arith.constant 4096 : i32
    %broadcast_in_dim3A_1231 = vector.broadcast %jit3A_1230 : i32 to vector<64x4096xi32>
    %select_n3A_1232 = arith.select %eq3A_1229, %iota3A, %broadcast_in_dim3A_1231 : vector<64x4096xi1>, vector<64x4096xi32>
    %reduce_min3A_1233 = arith.constant dense<2147483647> : vector<64xi32>
    %reduce_min3A_1234 = vector.multi_reduction <minsi>, %select_n3A_1232, %reduce_min3A_1233 [1] : vector<64x4096xi32> to vector<64xi32>
    %broadcast_in_dim3A_1235 = vector.shape_cast %reduce_min3A_1234 : vector<64xi32> to vector<64x1xi32>
    %swap3A_1236 = arith.constant 0 : index
    %swap3A_1237 = arith.constant 128 : index
    %swap3A_1238 = arith.constant 13 : index
    %swap3A_1239 = vector.load %arg6[%swap3A_1236, %swap3A_1237, %swap3A_1238] : memref<1x256x16xi32, #tpu.memory_space<vmem>>, vector<1x64x1xi32>
    %swap3A_1240 = vector.shape_cast %swap3A_1239 : vector<1x64x1xi32> to vector<64x1xi32>
    %swap3A_1241 = vector.shape_cast %broadcast_in_dim3A_1235 : vector<64x1xi32> to vector<1x64x1xi32>
    tpu.vector_store %arg6[%swap3A_1236, %swap3A_1237, %swap3A_1238], %swap3A_1241 {strides = array<i32>} : memref<1x256x16xi32, #tpu.memory_space<vmem>>, vector<1x64x1xi32>,
    %eq3A_1242 = vector.broadcast %broadcast_in_dim3A_1235 : vector<64x1xi32> to vector<64x4096xi32>
    %eq3A_1243 = arith.cmpi eq, %iota3A, %eq3A_1242 : vector<64x4096xi32>
    %jit3A_1244 = arith.constant 0x7F800000 : f32
    %broadcast_in_dim3A_1245 = vector.broadcast %jit3A_1244 : f32 to vector<64x4096xf32>
    %select_n3A_1246 = arith.select %eq3A_1243, %broadcast_in_dim3A_1245, %select_n3A_1158 : vector<64x4096xi1>, vector<64x4096xf32>
    %reduce_min3A_1247 = arith.constant dense<0x7F800000> : vector<64xf32>
    %reduce_min3A_1248 = vector.multi_reduction <minimumf>, %select_n3A_1180, %reduce_min3A_1247 [1] : vector<64x4096xf32> to vector<64xf32>
    %broadcast_in_dim3A_1249 = vector.shape_cast %reduce_min3A_1248 : vector<64xf32> to vector<64x1xf32>
    %eq3A_1250 = vector.broadcast %broadcast_in_dim3A_1249 : vector<64x1xf32> to vector<64x4096xf32>
    %eq3A_1251 = arith.cmpf oeq, %select_n3A_1180, %eq3A_1250 : vector<64x4096xf32>
    %jit3A_1252 = arith.constant 4096 : i32
    %broadcast_in_dim3A_1253 = vector.broadcast %jit3A_1252 : i32 to vector<64x4096xi32>
    %select_n3A_1254 = arith.select %eq3A_1251, %iota3A, %broadcast_in_dim3A_1253 : vector<64x4096xi1>, vector<64x4096xi32>
    %reduce_min3A_1255 = arith.constant dense<2147483647> : vector<64xi32>
    %reduce_min3A_1256 = vector.multi_reduction <minsi>, %select_n3A_1254, %reduce_min3A_1255 [1] : vector<64x4096xi32> to vector<64xi32>
    %broadcast_in_dim3A_1257 = vector.shape_cast %reduce_min3A_1256 : vector<64xi32> to vector<64x1xi32>
    %swap3A_1258 = arith.constant 0 : index
    %swap3A_1259 = arith.constant 192 : index
    %swap3A_1260 = arith.constant 13 : index
    %swap3A_1261 = vector.load %arg6[%swap3A_1258, %swap3A_1259, %swap3A_1260] : memref<1x256x16xi32, #tpu.memory_space<vmem>>, vector<1x64x1xi32>
    %swap3A_1262 = vector.shape_cast %swap3A_1261 : vector<1x64x1xi32> to vector<64x1xi32>
    %swap3A_1263 = vector.shape_cast %broadcast_in_dim3A_1257 : vector<64x1xi32> to vector<1x64x1xi32>
    tpu.vector_store %arg6[%swap3A_1258, %swap3A_1259, %swap3A_1260], %swap3A_1263 {strides = array<i32>} : memref<1x256x16xi32, #tpu.memory_space<vmem>>, vector<1x64x1xi32>,
    %eq3A_1264 = vector.broadcast %broadcast_in_dim3A_1257 : vector<64x1xi32> to vector<64x4096xi32>
    %eq3A_1265 = arith.cmpi eq, %iota3A, %eq3A_1264 : vector<64x4096xi32>
    %jit3A_1266 = arith.constant 0x7F800000 : f32
    %broadcast_in_dim3A_1267 = vector.broadcast %jit3A_1266 : f32 to vector<64x4096xf32>
    %select_n3A_1268 = arith.select %eq3A_1265, %broadcast_in_dim3A_1267, %select_n3A_1180 : vector<64x4096xi1>, vector<64x4096xf32>
    %reduce_min3A_1269 = arith.constant dense<0x7F800000> : vector<64xf32>
    %reduce_min3A_1270 = vector.multi_reduction <minimumf>, %select_n3A_1202, %reduce_min3A_1269 [1] : vector<64x4096xf32> to vector<64xf32>
    %broadcast_in_dim3A_1271 = vector.shape_cast %reduce_min3A_1270 : vector<64xf32> to vector<64x1xf32>
    %eq3A_1272 = vector.broadcast %broadcast_in_dim3A_1271 : vector<64x1xf32> to vector<64x4096xf32>
    %eq3A_1273 = arith.cmpf oeq, %select_n3A_1202, %eq3A_1272 : vector<64x4096xf32>
    %jit3A_1274 = arith.constant 4096 : i32
    %broadcast_in_dim3A_1275 = vector.broadcast %jit3A_1274 : i32 to vector<64x4096xi32>
    %select_n3A_1276 = arith.select %eq3A_1273, %iota3A, %broadcast_in_dim3A_1275 : vector<64x4096xi1>, vector<64x4096xi32>
    %reduce_min3A_1277 = arith.constant dense<2147483647> : vector<64xi32>
    %reduce_min3A_1278 = vector.multi_reduction <minsi>, %select_n3A_1276, %reduce_min3A_1277 [1] : vector<64x4096xi32> to vector<64xi32>
    %broadcast_in_dim3A_1279 = vector.shape_cast %reduce_min3A_1278 : vector<64xi32> to vector<64x1xi32>
    %swap3A_1280 = arith.constant 0 : index
    %swap3A_1281 = arith.constant 0 : index
    %swap3A_1282 = arith.constant 14 : index
    %swap3A_1283 = vector.load %arg6[%swap3A_1280, %swap3A_1281, %swap3A_1282] : memref<1x256x16xi32, #tpu.memory_space<vmem>>, vector<1x64x1xi32>
    %swap3A_1284 = vector.shape_cast %swap3A_1283 : vector<1x64x1xi32> to vector<64x1xi32>
    %swap3A_1285 = vector.shape_cast %broadcast_in_dim3A_1279 : vector<64x1xi32> to vector<1x64x1xi32>
    tpu.vector_store %arg6[%swap3A_1280, %swap3A_1281, %swap3A_1282], %swap3A_1285 {strides = array<i32>} : memref<1x256x16xi32, #tpu.memory_space<vmem>>, vector<1x64x1xi32>,
    %eq3A_1286 = vector.broadcast %broadcast_in_dim3A_1279 : vector<64x1xi32> to vector<64x4096xi32>
    %eq3A_1287 = arith.cmpi eq, %iota3A, %eq3A_1286 : vector<64x4096xi32>
    %jit3A_1288 = arith.constant 0x7F800000 : f32
    %broadcast_in_dim3A_1289 = vector.broadcast %jit3A_1288 : f32 to vector<64x4096xf32>
    %select_n3A_1290 = arith.select %eq3A_1287, %broadcast_in_dim3A_1289, %select_n3A_1202 : vector<64x4096xi1>, vector<64x4096xf32>
    %reduce_min3A_1291 = arith.constant dense<0x7F800000> : vector<64xf32>
    %reduce_min3A_1292 = vector.multi_reduction <minimumf>, %select_n3A_1224, %reduce_min3A_1291 [1] : vector<64x4096xf32> to vector<64xf32>
    %broadcast_in_dim3A_1293 = vector.shape_cast %reduce_min3A_1292 : vector<64xf32> to vector<64x1xf32>
    %eq3A_1294 = vector.broadcast %broadcast_in_dim3A_1293 : vector<64x1xf32> to vector<64x4096xf32>
    %eq3A_1295 = arith.cmpf oeq, %select_n3A_1224, %eq3A_1294 : vector<64x4096xf32>
    %jit3A_1296 = arith.constant 4096 : i32
    %broadcast_in_dim3A_1297 = vector.broadcast %jit3A_1296 : i32 to vector<64x4096xi32>
    %select_n3A_1298 = arith.select %eq3A_1295, %iota3A, %broadcast_in_dim3A_1297 : vector<64x4096xi1>, vector<64x4096xi32>
    %reduce_min3A_1299 = arith.constant dense<2147483647> : vector<64xi32>
    %reduce_min3A_1300 = vector.multi_reduction <minsi>, %select_n3A_1298, %reduce_min3A_1299 [1] : vector<64x4096xi32> to vector<64xi32>
    %broadcast_in_dim3A_1301 = vector.shape_cast %reduce_min3A_1300 : vector<64xi32> to vector<64x1xi32>
    %swap3A_1302 = arith.constant 0 : index
    %swap3A_1303 = arith.constant 64 : index
    %swap3A_1304 = arith.constant 14 : index
    %swap3A_1305 = vector.load %arg6[%swap3A_1302, %swap3A_1303, %swap3A_1304] : memref<1x256x16xi32, #tpu.memory_space<vmem>>, vector<1x64x1xi32>
    %swap3A_1306 = vector.shape_cast %swap3A_1305 : vector<1x64x1xi32> to vector<64x1xi32>
    %swap3A_1307 = vector.shape_cast %broadcast_in_dim3A_1301 : vector<64x1xi32> to vector<1x64x1xi32>
    tpu.vector_store %arg6[%swap3A_1302, %swap3A_1303, %swap3A_1304], %swap3A_1307 {strides = array<i32>} : memref<1x256x16xi32, #tpu.memory_space<vmem>>, vector<1x64x1xi32>,
    %eq3A_1308 = vector.broadcast %broadcast_in_dim3A_1301 : vector<64x1xi32> to vector<64x4096xi32>
    %eq3A_1309 = arith.cmpi eq, %iota3A, %eq3A_1308 : vector<64x4096xi32>
    %jit3A_1310 = arith.constant 0x7F800000 : f32
    %broadcast_in_dim3A_1311 = vector.broadcast %jit3A_1310 : f32 to vector<64x4096xf32>
    %select_n3A_1312 = arith.select %eq3A_1309, %broadcast_in_dim3A_1311, %select_n3A_1224 : vector<64x4096xi1>, vector<64x4096xf32>
    %reduce_min3A_1313 = arith.constant dense<0x7F800000> : vector<64xf32>
    %reduce_min3A_1314 = vector.multi_reduction <minimumf>, %select_n3A_1246, %reduce_min3A_1313 [1] : vector<64x4096xf32> to vector<64xf32>
    %broadcast_in_dim3A_1315 = vector.shape_cast %reduce_min3A_1314 : vector<64xf32> to vector<64x1xf32>
    %eq3A_1316 = vector.broadcast %broadcast_in_dim3A_1315 : vector<64x1xf32> to vector<64x4096xf32>
    %eq3A_1317 = arith.cmpf oeq, %select_n3A_1246, %eq3A_1316 : vector<64x4096xf32>
    %jit3A_1318 = arith.constant 4096 : i32
    %broadcast_in_dim3A_1319 = vector.broadcast %jit3A_1318 : i32 to vector<64x4096xi32>
    %select_n3A_1320 = arith.select %eq3A_1317, %iota3A, %broadcast_in_dim3A_1319 : vector<64x4096xi1>, vector<64x4096xi32>
    %reduce_min3A_1321 = arith.constant dense<2147483647> : vector<64xi32>
    %reduce_min3A_1322 = vector.multi_reduction <minsi>, %select_n3A_1320, %reduce_min3A_1321 [1] : vector<64x4096xi32> to vector<64xi32>
    %broadcast_in_dim3A_1323 = vector.shape_cast %reduce_min3A_1322 : vector<64xi32> to vector<64x1xi32>
    %swap3A_1324 = arith.constant 0 : index
    %swap3A_1325 = arith.constant 128 : index
    %swap3A_1326 = arith.constant 14 : index
    %swap3A_1327 = vector.load %arg6[%swap3A_1324, %swap3A_1325, %swap3A_1326] : memref<1x256x16xi32, #tpu.memory_space<vmem>>, vector<1x64x1xi32>
    %swap3A_1328 = vector.shape_cast %swap3A_1327 : vector<1x64x1xi32> to vector<64x1xi32>
    %swap3A_1329 = vector.shape_cast %broadcast_in_dim3A_1323 : vector<64x1xi32> to vector<1x64x1xi32>
    tpu.vector_store %arg6[%swap3A_1324, %swap3A_1325, %swap3A_1326], %swap3A_1329 {strides = array<i32>} : memref<1x256x16xi32, #tpu.memory_space<vmem>>, vector<1x64x1xi32>,
    %eq3A_1330 = vector.broadcast %broadcast_in_dim3A_1323 : vector<64x1xi32> to vector<64x4096xi32>
    %eq3A_1331 = arith.cmpi eq, %iota3A, %eq3A_1330 : vector<64x4096xi32>
    %jit3A_1332 = arith.constant 0x7F800000 : f32
    %broadcast_in_dim3A_1333 = vector.broadcast %jit3A_1332 : f32 to vector<64x4096xf32>
    %select_n3A_1334 = arith.select %eq3A_1331, %broadcast_in_dim3A_1333, %select_n3A_1246 : vector<64x4096xi1>, vector<64x4096xf32>
    %reduce_min3A_1335 = arith.constant dense<0x7F800000> : vector<64xf32>
    %reduce_min3A_1336 = vector.multi_reduction <minimumf>, %select_n3A_1268, %reduce_min3A_1335 [1] : vector<64x4096xf32> to vector<64xf32>
    %broadcast_in_dim3A_1337 = vector.shape_cast %reduce_min3A_1336 : vector<64xf32> to vector<64x1xf32>
    %eq3A_1338 = vector.broadcast %broadcast_in_dim3A_1337 : vector<64x1xf32> to vector<64x4096xf32>
    %eq3A_1339 = arith.cmpf oeq, %select_n3A_1268, %eq3A_1338 : vector<64x4096xf32>
    %jit3A_1340 = arith.constant 4096 : i32
    %broadcast_in_dim3A_1341 = vector.broadcast %jit3A_1340 : i32 to vector<64x4096xi32>
    %select_n3A_1342 = arith.select %eq3A_1339, %iota3A, %broadcast_in_dim3A_1341 : vector<64x4096xi1>, vector<64x4096xi32>
    %reduce_min3A_1343 = arith.constant dense<2147483647> : vector<64xi32>
    %reduce_min3A_1344 = vector.multi_reduction <minsi>, %select_n3A_1342, %reduce_min3A_1343 [1] : vector<64x4096xi32> to vector<64xi32>
    %broadcast_in_dim3A_1345 = vector.shape_cast %reduce_min3A_1344 : vector<64xi32> to vector<64x1xi32>
    %swap3A_1346 = arith.constant 0 : index
    %swap3A_1347 = arith.constant 192 : index
    %swap3A_1348 = arith.constant 14 : index
    %swap3A_1349 = vector.load %arg6[%swap3A_1346, %swap3A_1347, %swap3A_1348] : memref<1x256x16xi32, #tpu.memory_space<vmem>>, vector<1x64x1xi32>
    %swap3A_1350 = vector.shape_cast %swap3A_1349 : vector<1x64x1xi32> to vector<64x1xi32>
    %swap3A_1351 = vector.shape_cast %broadcast_in_dim3A_1345 : vector<64x1xi32> to vector<1x64x1xi32>
    tpu.vector_store %arg6[%swap3A_1346, %swap3A_1347, %swap3A_1348], %swap3A_1351 {strides = array<i32>} : memref<1x256x16xi32, #tpu.memory_space<vmem>>, vector<1x64x1xi32>,
    %eq3A_1352 = vector.broadcast %broadcast_in_dim3A_1345 : vector<64x1xi32> to vector<64x4096xi32>
    %eq3A_1353 = arith.cmpi eq, %iota3A, %eq3A_1352 : vector<64x4096xi32>
    %jit3A_1354 = arith.constant 0x7F800000 : f32
    %broadcast_in_dim3A_1355 = vector.broadcast %jit3A_1354 : f32 to vector<64x4096xf32>
    %select_n3A_1356 = arith.select %eq3A_1353, %broadcast_in_dim3A_1355, %select_n3A_1268 : vector<64x4096xi1>, vector<64x4096xf32>
    %reduce_min3A_1357 = arith.constant dense<0x7F800000> : vector<64xf32>
    %reduce_min3A_1358 = vector.multi_reduction <minimumf>, %select_n3A_1290, %reduce_min3A_1357 [1] : vector<64x4096xf32> to vector<64xf32>
    %broadcast_in_dim3A_1359 = vector.shape_cast %reduce_min3A_1358 : vector<64xf32> to vector<64x1xf32>
    %eq3A_1360 = vector.broadcast %broadcast_in_dim3A_1359 : vector<64x1xf32> to vector<64x4096xf32>
    %eq3A_1361 = arith.cmpf oeq, %select_n3A_1290, %eq3A_1360 : vector<64x4096xf32>
    %jit3A_1362 = arith.constant 4096 : i32
    %broadcast_in_dim3A_1363 = vector.broadcast %jit3A_1362 : i32 to vector<64x4096xi32>
    %select_n3A_1364 = arith.select %eq3A_1361, %iota3A, %broadcast_in_dim3A_1363 : vector<64x4096xi1>, vector<64x4096xi32>
    %reduce_min3A_1365 = arith.constant dense<2147483647> : vector<64xi32>
    %reduce_min3A_1366 = vector.multi_reduction <minsi>, %select_n3A_1364, %reduce_min3A_1365 [1] : vector<64x4096xi32> to vector<64xi32>
    %broadcast_in_dim3A_1367 = vector.shape_cast %reduce_min3A_1366 : vector<64xi32> to vector<64x1xi32>
    %swap3A_1368 = arith.constant 0 : index
    %swap3A_1369 = arith.constant 0 : index
    %swap3A_1370 = arith.constant 15 : index
    %swap3A_1371 = vector.load %arg6[%swap3A_1368, %swap3A_1369, %swap3A_1370] : memref<1x256x16xi32, #tpu.memory_space<vmem>>, vector<1x64x1xi32>
    %swap3A_1372 = vector.shape_cast %swap3A_1371 : vector<1x64x1xi32> to vector<64x1xi32>
    %swap3A_1373 = vector.shape_cast %broadcast_in_dim3A_1367 : vector<64x1xi32> to vector<1x64x1xi32>
    tpu.vector_store %arg6[%swap3A_1368, %swap3A_1369, %swap3A_1370], %swap3A_1373 {strides = array<i32>} : memref<1x256x16xi32, #tpu.memory_space<vmem>>, vector<1x64x1xi32>,
    %reduce_min3A_1374 = arith.constant dense<0x7F800000> : vector<64xf32>
    %reduce_min3A_1375 = vector.multi_reduction <minimumf>, %select_n3A_1312, %reduce_min3A_1374 [1] : vector<64x4096xf32> to vector<64xf32>
    %broadcast_in_dim3A_1376 = vector.shape_cast %reduce_min3A_1375 : vector<64xf32> to vector<64x1xf32>
    %eq3A_1377 = vector.broadcast %broadcast_in_dim3A_1376 : vector<64x1xf32> to vector<64x4096xf32>
    %eq3A_1378 = arith.cmpf oeq, %select_n3A_1312, %eq3A_1377 : vector<64x4096xf32>
    %jit3A_1379 = arith.constant 4096 : i32
    %broadcast_in_dim3A_1380 = vector.broadcast %jit3A_1379 : i32 to vector<64x4096xi32>
    %select_n3A_1381 = arith.select %eq3A_1378, %iota3A, %broadcast_in_dim3A_1380 : vector<64x4096xi1>, vector<64x4096xi32>
    %reduce_min3A_1382 = arith.constant dense<2147483647> : vector<64xi32>
    %reduce_min3A_1383 = vector.multi_reduction <minsi>, %select_n3A_1381, %reduce_min3A_1382 [1] : vector<64x4096xi32> to vector<64xi32>
    %broadcast_in_dim3A_1384 = vector.shape_cast %reduce_min3A_1383 : vector<64xi32> to vector<64x1xi32>
    %swap3A_1385 = arith.constant 0 : index
    %swap3A_1386 = arith.constant 64 : index
    %swap3A_1387 = arith.constant 15 : index
    %swap3A_1388 = vector.load %arg6[%swap3A_1385, %swap3A_1386, %swap3A_1387] : memref<1x256x16xi32, #tpu.memory_space<vmem>>, vector<1x64x1xi32>
    %swap3A_1389 = vector.shape_cast %swap3A_1388 : vector<1x64x1xi32> to vector<64x1xi32>
    %swap3A_1390 = vector.shape_cast %broadcast_in_dim3A_1384 : vector<64x1xi32> to vector<1x64x1xi32>
    tpu.vector_store %arg6[%swap3A_1385, %swap3A_1386, %swap3A_1387], %swap3A_1390 {strides = array<i32>} : memref<1x256x16xi32, #tpu.memory_space<vmem>>, vector<1x64x1xi32>,
    %reduce_min3A_1391 = arith.constant dense<0x7F800000> : vector<64xf32>
    %reduce_min3A_1392 = vector.multi_reduction <minimumf>, %select_n3A_1334, %reduce_min3A_1391 [1] : vector<64x4096xf32> to vector<64xf32>
    %broadcast_in_dim3A_1393 = vector.shape_cast %reduce_min3A_1392 : vector<64xf32> to vector<64x1xf32>
    %eq3A_1394 = vector.broadcast %broadcast_in_dim3A_1393 : vector<64x1xf32> to vector<64x4096xf32>
    %eq3A_1395 = arith.cmpf oeq, %select_n3A_1334, %eq3A_1394 : vector<64x4096xf32>
    %jit3A_1396 = arith.constant 4096 : i32
    %broadcast_in_dim3A_1397 = vector.broadcast %jit3A_1396 : i32 to vector<64x4096xi32>
    %select_n3A_1398 = arith.select %eq3A_1395, %iota3A, %broadcast_in_dim3A_1397 : vector<64x4096xi1>, vector<64x4096xi32>
    %reduce_min3A_1399 = arith.constant dense<2147483647> : vector<64xi32>
    %reduce_min3A_1400 = vector.multi_reduction <minsi>, %select_n3A_1398, %reduce_min3A_1399 [1] : vector<64x4096xi32> to vector<64xi32>
    %broadcast_in_dim3A_1401 = vector.shape_cast %reduce_min3A_1400 : vector<64xi32> to vector<64x1xi32>
    %swap3A_1402 = arith.constant 0 : index
    %swap3A_1403 = arith.constant 128 : index
    %swap3A_1404 = arith.constant 15 : index
    %swap3A_1405 = vector.load %arg6[%swap3A_1402, %swap3A_1403, %swap3A_1404] : memref<1x256x16xi32, #tpu.memory_space<vmem>>, vector<1x64x1xi32>
    %swap3A_1406 = vector.shape_cast %swap3A_1405 : vector<1x64x1xi32> to vector<64x1xi32>
    %swap3A_1407 = vector.shape_cast %broadcast_in_dim3A_1401 : vector<64x1xi32> to vector<1x64x1xi32>
    tpu.vector_store %arg6[%swap3A_1402, %swap3A_1403, %swap3A_1404], %swap3A_1407 {strides = array<i32>} : memref<1x256x16xi32, #tpu.memory_space<vmem>>, vector<1x64x1xi32>,
    %reduce_min3A_1408 = arith.constant dense<0x7F800000> : vector<64xf32>
    %reduce_min3A_1409 = vector.multi_reduction <minimumf>, %select_n3A_1356, %reduce_min3A_1408 [1] : vector<64x4096xf32> to vector<64xf32>
    %broadcast_in_dim3A_1410 = vector.shape_cast %reduce_min3A_1409 : vector<64xf32> to vector<64x1xf32>
    %eq3A_1411 = vector.broadcast %broadcast_in_dim3A_1410 : vector<64x1xf32> to vector<64x4096xf32>
    %eq3A_1412 = arith.cmpf oeq, %select_n3A_1356, %eq3A_1411 : vector<64x4096xf32>
    %jit3A_1413 = arith.constant 4096 : i32
    %broadcast_in_dim3A_1414 = vector.broadcast %jit3A_1413 : i32 to vector<64x4096xi32>
    %select_n3A_1415 = arith.select %eq3A_1412, %iota3A, %broadcast_in_dim3A_1414 : vector<64x4096xi1>, vector<64x4096xi32>
    %reduce_min3A_1416 = arith.constant dense<2147483647> : vector<64xi32>
    %reduce_min3A_1417 = vector.multi_reduction <minsi>, %select_n3A_1415, %reduce_min3A_1416 [1] : vector<64x4096xi32> to vector<64xi32>
    %broadcast_in_dim3A_1418 = vector.shape_cast %reduce_min3A_1417 : vector<64xi32> to vector<64x1xi32>
    %swap3A_1419 = arith.constant 0 : index
    %swap3A_1420 = arith.constant 192 : index
    %swap3A_1421 = arith.constant 15 : index
    %swap3A_1422 = vector.load %arg6[%swap3A_1419, %swap3A_1420, %swap3A_1421] : memref<1x256x16xi32, #tpu.memory_space<vmem>>, vector<1x64x1xi32>
    %swap3A_1423 = vector.shape_cast %swap3A_1422 : vector<1x64x1xi32> to vector<64x1xi32>
    %swap3A_1424 = vector.shape_cast %broadcast_in_dim3A_1418 : vector<64x1xi32> to vector<1x64x1xi32>
    tpu.vector_store %arg6[%swap3A_1419, %swap3A_1420, %swap3A_1421], %swap3A_1424 {strides = array<i32>} : memref<1x256x16xi32, #tpu.memory_space<vmem>>, vector<1x64x1xi32>,
    return
  }
  func.func @transform_0(%arg0: i32, %arg1: i32) -> (i32, i32, i32) {
    %c0_i32 = arith.constant 0 : i32
    %c0_i32_0 = arith.constant 0 : i32
    return %arg0, %arg1, %c0_i32 : i32, i32, i32
  }
  func.func @transform_1(%arg0: i32, %arg1: i32) -> (i32, i32, i32) {
    %c0_i32 = arith.constant 0 : i32
    %c0_i32_0 = arith.constant 0 : i32
    %c0_i32_1 = arith.constant 0 : i32
    return %arg0, %c0_i32, %c0_i32_0 : i32, i32, i32
  }
  func.func @transform_2(%arg0: i32, %arg1: i32) -> (i32, i32, i32) {
    %c0_i32 = arith.constant 0 : i32
    %c0_i32_0 = arith.constant 0 : i32
    %c0_i32_1 = arith.constant 0 : i32
    return %arg0, %c0_i32, %c0_i32_0 : i32, i32, i32
  }
  func.func @transform_3(%arg0: i32, %arg1: i32) -> (i32, i32, i32) {
    %c0_i32 = arith.constant 0 : i32
    %c0_i32_0 = arith.constant 0 : i32
    %c0_i32_1 = arith.constant 0 : i32
    return %arg0, %c0_i32, %c0_i32_0 : i32, i32, i32
  }
  func.func @transform_4(%arg0: i32, %arg1: i32) -> (i32, i32, i32) {
    %c0_i32 = arith.constant 0 : i32
    %c0_i32_0 = arith.constant 0 : i32
    return %arg0, %arg1, %c0_i32 : i32, i32, i32
  }
}

module attributes {stable_mosaic.version = 14 : i64} {
  func.func @_dense_body(%arg0: i32, %arg1: memref<4096x128xf32, #tpu.memory_space<vmem>>, %arg2: memref<256x128xf32, #tpu.memory_space<vmem>>, %arg3: memref<32x64xf32, #tpu.memory_space<vmem>>, %arg4: memref<32x64xf32, #tpu.memory_space<vmem>>, %arg5: memref<32x64xf32, #tpu.memory_space<vmem>>, %arg6: memref<3x64xf32, #tpu.memory_space<vmem>>, %arg7: memref<1x64xf32, #tpu.memory_space<vmem>>, %arg8: memref<64x64xf32, #tpu.memory_space<vmem>>, %arg9: memref<1x64xf32, #tpu.memory_space<vmem>>, %arg10: memref<64x64xf32, #tpu.memory_space<vmem>>, %arg11: memref<1x64xf32, #tpu.memory_space<vmem>>, %arg12: memref<64x64xf32, #tpu.memory_space<vmem>>, %arg13: memref<1x64xf32, #tpu.memory_space<vmem>>, %arg14: memref<64x64xf32, #tpu.memory_space<vmem>>, %arg15: memref<1x64xf32, #tpu.memory_space<vmem>>, %arg16: memref<1x64xf32, #tpu.memory_space<vmem>>, %arg17: memref<1x64xf32, #tpu.memory_space<vmem>>, %arg18: memref<4096x64xf32, #tpu.memory_space<vmem>>) attributes {dimension_semantics = [#tpu.dimension_semantics<arbitrary>], iteration_bounds = array<i64: 17>, scalar_prefetch = 0 : i64, scratch_operands = 0 : i64, tpu.core_type = #tpu.core_type<tc>, window_params = [{transform_indices = @transform_0, window_bounds = array<i64: 4096, 128>}, {transform_indices = @transform_1, window_bounds = array<i64: 256, 128>}, {pipeline_mode = #tpu.pipeline_mode<synchronous>, transform_indices = @transform_2, window_bounds = array<i64: 32, 64>}, {pipeline_mode = #tpu.pipeline_mode<synchronous>, transform_indices = @transform_3, window_bounds = array<i64: 32, 64>}, {pipeline_mode = #tpu.pipeline_mode<synchronous>, transform_indices = @transform_4, window_bounds = array<i64: 32, 64>}, {pipeline_mode = #tpu.pipeline_mode<synchronous>, transform_indices = @transform_5, window_bounds = array<i64: 3, 64>}, {pipeline_mode = #tpu.pipeline_mode<synchronous>, transform_indices = @transform_6, window_bounds = array<i64: 1, 64>}, {pipeline_mode = #tpu.pipeline_mode<synchronous>, transform_indices = @transform_7, window_bounds = array<i64: 64, 64>}, {pipeline_mode = #tpu.pipeline_mode<synchronous>, transform_indices = @transform_8, window_bounds = array<i64: 1, 64>}, {pipeline_mode = #tpu.pipeline_mode<synchronous>, transform_indices = @transform_9, window_bounds = array<i64: 64, 64>}, {pipeline_mode = #tpu.pipeline_mode<synchronous>, transform_indices = @transform_10, window_bounds = array<i64: 1, 64>}, {pipeline_mode = #tpu.pipeline_mode<synchronous>, transform_indices = @transform_11, window_bounds = array<i64: 64, 64>}, {pipeline_mode = #tpu.pipeline_mode<synchronous>, transform_indices = @transform_12, window_bounds = array<i64: 1, 64>}, {pipeline_mode = #tpu.pipeline_mode<synchronous>, transform_indices = @transform_13, window_bounds = array<i64: 64, 64>}, {pipeline_mode = #tpu.pipeline_mode<synchronous>, transform_indices = @transform_14, window_bounds = array<i64: 1, 64>}, {pipeline_mode = #tpu.pipeline_mode<synchronous>, transform_indices = @transform_15, window_bounds = array<i64: 1, 64>}, {pipeline_mode = #tpu.pipeline_mode<synchronous>, transform_indices = @transform_16, window_bounds = array<i64: 1, 64>}, {pipeline_mode = #tpu.pipeline_mode<synchronous>, transform_indices = @transform_17, window_bounds = array<i64: 4096, 64>}]} {
    %lt3A = arith.constant 16 : i32
    %lt3A_0 = arith.cmpi slt, %arg0, %lt3A : i32
    %convert_element_type3A = arith.extui %lt3A_0 : i1 to i32
    %cond3A = arith.constant 0 : i32
    %cond3A_1 = arith.cmpi ne, %convert_element_type3A, %cond3A : i32
    scf.if %cond3A_1 {
      %get3A = arith.constant 0 : index
      %get3A_6 = arith.constant 0 : index
      %get3A_7 = vector.load %arg1[%get3A, %get3A_6] : memref<4096x128xf32, #tpu.memory_space<vmem>>, vector<4096x128xf32>
      %get3A_8 = arith.constant 0 : index
      %get3A_9 = arith.constant 0 : index
      %get3A_10 = vector.load %arg2[%get3A_8, %get3A_9] : memref<256x128xf32, #tpu.memory_space<vmem>>, vector<256x128xf32>
      %slice3A = vector.extract_strided_slice %get3A_7 {offsets = [0, 0], sizes = [4096, 3], strides = [1, 1]} : vector<4096x128xf32> to vector<4096x3xf32>
      %slice3A_11 = vector.extract_strided_slice %get3A_7 {offsets = [0, 16], sizes = [4096, 32], strides = [1, 1]} : vector<4096x128xf32> to vector<4096x32xf32>
      %slice3A_12 = vector.extract_strided_slice %get3A_10 {offsets = [0, 0], sizes = [256, 3], strides = [1, 1]} : vector<256x128xf32> to vector<256x3xf32>
      %slice3A_13 = vector.extract_strided_slice %get3A_10 {offsets = [0, 16], sizes = [256, 32], strides = [1, 1]} : vector<256x128xf32> to vector<256x32xf32>
      %get3A_14 = arith.constant 0 : index
      %get3A_15 = arith.constant 0 : index
      %get3A_16 = vector.load %arg3[%get3A_14, %get3A_15] : memref<32x64xf32, #tpu.memory_space<vmem>>, vector<32x64xf32>
      %dot_general3A = arith.constant dense<0.000000e+00> : vector<256x64xf32>
      %dot_general3A_17 = tpu.matmul %slice3A_13, %get3A_16, %dot_general3A {dimension_numbers = #tpu.dot_dimension_numbers<[1], [0], [0], [1], [0, 0, 1, 1], [], []>, transpose_lhs_hint = false} : vector<256x32xf32>, vector<32x64xf32>, vector<256x64xf32> -> vector<256x64xf32>
      %get3A_18 = arith.constant 0 : index
      %get3A_19 = arith.constant 0 : index
      %get3A_20 = vector.load %arg4[%get3A_18, %get3A_19] : memref<32x64xf32, #tpu.memory_space<vmem>>, vector<32x64xf32>
      %dot_general3A_21 = arith.constant dense<0.000000e+00> : vector<4096x64xf32>
      %dot_general3A_22 = tpu.matmul %slice3A_11, %get3A_20, %dot_general3A_21 {dimension_numbers = #tpu.dot_dimension_numbers<[1], [0], [0], [1], [0, 0, 1, 1], [], []>, transpose_lhs_hint = false} : vector<4096x32xf32>, vector<32x64xf32>, vector<4096x64xf32> -> vector<4096x64xf32>
      %get3A_23 = arith.constant 0 : index
      %get3A_24 = arith.constant 0 : index
      %get3A_25 = vector.load %arg5[%get3A_23, %get3A_24] : memref<32x64xf32, #tpu.memory_space<vmem>>, vector<32x64xf32>
      %dot_general3A_26 = arith.constant dense<0.000000e+00> : vector<4096x64xf32>
      %dot_general3A_27 = tpu.matmul %slice3A_11, %get3A_25, %dot_general3A_26 {dimension_numbers = #tpu.dot_dimension_numbers<[1], [0], [0], [1], [0, 0, 1, 1], [], []>, transpose_lhs_hint = false} : vector<4096x32xf32>, vector<32x64xf32>, vector<4096x64xf32> -> vector<4096x64xf32>
      %reshape3A = vector.shape_cast %slice3A : vector<4096x3xf32> to vector<256x16x3xf32>
      %reshape3A_28 = vector.shape_cast %slice3A_12 : vector<256x3xf32> to vector<256x1x3xf32>
      %sub3A = vector.broadcast %reshape3A_28 : vector<256x1x3xf32> to vector<256x16x3xf32>
      %sub3A_29 = arith.subf %reshape3A, %sub3A : vector<256x16x3xf32>
      %reshape3A_30 = vector.shape_cast %sub3A_29 : vector<256x16x3xf32> to vector<4096x3xf32>
      %get3A_31 = arith.constant 0 : index
      %get3A_32 = arith.constant 0 : index
      %get3A_33 = vector.load %arg6[%get3A_31, %get3A_32] : memref<3x64xf32, #tpu.memory_space<vmem>>, vector<3x64xf32>
      %dot_general3A_34 = arith.constant dense<0.000000e+00> : vector<4096x64xf32>
      %dot_general3A_35 = tpu.matmul %reshape3A_30, %get3A_33, %dot_general3A_34 {dimension_numbers = #tpu.dot_dimension_numbers<[1], [0], [0], [1], [0, 0, 1, 1], [], []>, transpose_lhs_hint = false} : vector<4096x3xf32>, vector<3x64xf32>, vector<4096x64xf32> -> vector<4096x64xf32>
      %get3A_36 = arith.constant 0 : index
      %get3A_37 = arith.constant 0 : index
      %get3A_38 = vector.load %arg7[%get3A_36, %get3A_37] : memref<1x64xf32, #tpu.memory_space<vmem>>, vector<1x64xf32>
      %add3A = vector.broadcast %get3A_38 : vector<1x64xf32> to vector<4096x64xf32>
      %add3A_39 = arith.addf %dot_general3A_35, %add3A : vector<4096x64xf32>
      %max3A = arith.constant 0.000000e+00 : f32
      %max3A_40 = vector.broadcast %max3A : f32 to vector<4096x64xf32>
      %max3A_41 = arith.maximumf %add3A_39, %max3A_40 : vector<4096x64xf32>
      %get3A_42 = arith.constant 0 : index
      %get3A_43 = arith.constant 0 : index
      %get3A_44 = vector.load %arg8[%get3A_42, %get3A_43] : memref<64x64xf32, #tpu.memory_space<vmem>>, vector<64x64xf32>
      %dot_general3A_45 = arith.constant dense<0.000000e+00> : vector<4096x64xf32>
      %dot_general3A_46 = tpu.matmul %max3A_41, %get3A_44, %dot_general3A_45 {dimension_numbers = #tpu.dot_dimension_numbers<[1], [0], [0], [1], [0, 0, 1, 1], [], []>, transpose_lhs_hint = false} : vector<4096x64xf32>, vector<64x64xf32>, vector<4096x64xf32> -> vector<4096x64xf32>
      %get3A_47 = arith.constant 0 : index
      %get3A_48 = arith.constant 0 : index
      %get3A_49 = vector.load %arg9[%get3A_47, %get3A_48] : memref<1x64xf32, #tpu.memory_space<vmem>>, vector<1x64xf32>
      %add3A_50 = vector.broadcast %get3A_49 : vector<1x64xf32> to vector<4096x64xf32>
      %add3A_51 = arith.addf %dot_general3A_46, %add3A_50 : vector<4096x64xf32>
      %reshape3A_52 = vector.shape_cast %dot_general3A_17 : vector<256x64xf32> to vector<256x1x64xf32>
      %reshape3A_53 = vector.shape_cast %dot_general3A_22 : vector<4096x64xf32> to vector<256x16x64xf32>
      %sub3A_54 = vector.broadcast %reshape3A_52 : vector<256x1x64xf32> to vector<256x16x64xf32>
      %sub3A_55 = arith.subf %sub3A_54, %reshape3A_53 : vector<256x16x64xf32>
      %reshape3A_56 = vector.shape_cast %add3A_51 : vector<4096x64xf32> to vector<256x16x64xf32>
      %add3A_57 = arith.addf %sub3A_55, %reshape3A_56 : vector<256x16x64xf32>
      %reshape3A_58 = vector.shape_cast %add3A_57 : vector<256x16x64xf32> to vector<4096x64xf32>
      %get3A_59 = arith.constant 0 : index
      %get3A_60 = arith.constant 0 : index
      %get3A_61 = vector.load %arg10[%get3A_59, %get3A_60] : memref<64x64xf32, #tpu.memory_space<vmem>>, vector<64x64xf32>
      %dot_general3A_62 = arith.constant dense<0.000000e+00> : vector<4096x64xf32>
      %dot_general3A_63 = tpu.matmul %reshape3A_58, %get3A_61, %dot_general3A_62 {dimension_numbers = #tpu.dot_dimension_numbers<[1], [0], [0], [1], [0, 0, 1, 1], [], []>, transpose_lhs_hint = false} : vector<4096x64xf32>, vector<64x64xf32>, vector<4096x64xf32> -> vector<4096x64xf32>
      %get3A_64 = arith.constant 0 : index
      %get3A_65 = arith.constant 0 : index
      %get3A_66 = vector.load %arg11[%get3A_64, %get3A_65] : memref<1x64xf32, #tpu.memory_space<vmem>>, vector<1x64xf32>
      %add3A_67 = vector.broadcast %get3A_66 : vector<1x64xf32> to vector<4096x64xf32>
      %add3A_68 = arith.addf %dot_general3A_63, %add3A_67 : vector<4096x64xf32>
      %max3A_69 = arith.constant 0.000000e+00 : f32
      %max3A_70 = vector.broadcast %max3A_69 : f32 to vector<4096x64xf32>
      %max3A_71 = arith.maximumf %add3A_68, %max3A_70 : vector<4096x64xf32>
      %get3A_72 = arith.constant 0 : index
      %get3A_73 = arith.constant 0 : index
      %get3A_74 = vector.load %arg12[%get3A_72, %get3A_73] : memref<64x64xf32, #tpu.memory_space<vmem>>, vector<64x64xf32>
      %dot_general3A_75 = arith.constant dense<0.000000e+00> : vector<4096x64xf32>
      %dot_general3A_76 = tpu.matmul %max3A_71, %get3A_74, %dot_general3A_75 {dimension_numbers = #tpu.dot_dimension_numbers<[1], [0], [0], [1], [0, 0, 1, 1], [], []>, transpose_lhs_hint = false} : vector<4096x64xf32>, vector<64x64xf32>, vector<4096x64xf32> -> vector<4096x64xf32>
      %get3A_77 = arith.constant 0 : index
      %get3A_78 = arith.constant 0 : index
      %get3A_79 = vector.load %arg13[%get3A_77, %get3A_78] : memref<1x64xf32, #tpu.memory_space<vmem>>, vector<1x64xf32>
      %add3A_80 = vector.broadcast %get3A_79 : vector<1x64xf32> to vector<4096x64xf32>
      %add3A_81 = arith.addf %dot_general3A_76, %add3A_80 : vector<4096x64xf32>
      %reshape3A_82 = vector.shape_cast %add3A_81 : vector<4096x64xf32> to vector<256x16x64xf32>
      %div3A = arith.constant 8.000000e+00 : f32
      %div3A_83 = vector.broadcast %div3A : f32 to vector<256x16x64xf32>
      %div3A_84 = arith.divf %reshape3A_82, %div3A_83 : vector<256x16x64xf32>
      %reduce_max3A = arith.constant dense<0xFF800000> : vector<256x64xf32>
      %reduce_max3A_85 = vector.multi_reduction <maximumf>, %div3A_84, %reduce_max3A [1] : vector<256x16x64xf32> to vector<256x64xf32>
      %max3A_86 = arith.constant 0xFF800000 : f32
      %max3A_87 = vector.broadcast %max3A_86 : f32 to vector<256x64xf32>
      %max3A_88 = arith.maximumf %max3A_87, %reduce_max3A_85 : vector<256x64xf32>
      %broadcast_in_dim3A = vector.shape_cast %max3A_88 : vector<256x64xf32> to vector<256x1x64xf32>
      %sub3A_89 = vector.broadcast %broadcast_in_dim3A : vector<256x1x64xf32> to vector<256x16x64xf32>
      %sub3A_90 = arith.subf %div3A_84, %sub3A_89 : vector<256x16x64xf32>
      %exp3A = math.exp %sub3A_90 : vector<256x16x64xf32>
      %reduce_sum3A = arith.constant dense<0.000000e+00> : vector<256x64xf32>
      %reduce_sum3A_91 = vector.multi_reduction <add>, %exp3A, %reduce_sum3A [1] : vector<256x16x64xf32> to vector<256x64xf32>
      %broadcast_in_dim3A_92 = vector.shape_cast %reduce_sum3A_91 : vector<256x64xf32> to vector<256x1x64xf32>
      %div3A_93 = vector.broadcast %broadcast_in_dim3A_92 : vector<256x1x64xf32> to vector<256x16x64xf32>
      %div3A_94 = arith.divf %exp3A, %div3A_93 : vector<256x16x64xf32>
      %add3A_95 = arith.addf %dot_general3A_27, %add3A_51 : vector<4096x64xf32>
      %reshape3A_96 = vector.shape_cast %add3A_95 : vector<4096x64xf32> to vector<256x16x64xf32>
      %mul3A = arith.mulf %div3A_94, %reshape3A_96 : vector<256x16x64xf32>
      %reduce_sum3A_97 = arith.constant dense<0.000000e+00> : vector<256x64xf32>
      %reduce_sum3A_98 = vector.multi_reduction <add>, %mul3A, %reduce_sum3A_97 [1] : vector<256x16x64xf32> to vector<256x64xf32>
      %mul3A_99 = arith.constant 256 : i32
      %mul3A_100 = arith.muli %arg0, %mul3A_99 : i32
      %multiple_of3A = tpu.assume_multiple %mul3A_100, 256 : i32
      %get3A_101 = arith.constant 0 : index
      %get3A_102 = arith.constant 0 : index
      %get3A_103 = vector.load %arg14[%get3A_101, %get3A_102] : memref<64x64xf32, #tpu.memory_space<vmem>>, vector<64x64xf32>
      %dot_general3A_104 = arith.constant dense<0.000000e+00> : vector<256x64xf32>
      %dot_general3A_105 = tpu.matmul %reduce_sum3A_98, %get3A_103, %dot_general3A_104 {dimension_numbers = #tpu.dot_dimension_numbers<[1], [0], [0], [1], [0, 0, 1, 1], [], []>, transpose_lhs_hint = false} : vector<256x64xf32>, vector<64x64xf32>, vector<256x64xf32> -> vector<256x64xf32>
      %get3A_106 = arith.constant 0 : index
      %get3A_107 = arith.constant 0 : index
      %get3A_108 = vector.load %arg15[%get3A_106, %get3A_107] : memref<1x64xf32, #tpu.memory_space<vmem>>, vector<1x64xf32>
      %add3A_109 = vector.broadcast %get3A_108 : vector<1x64xf32> to vector<256x64xf32>
      %add3A_110 = arith.addf %dot_general3A_105, %add3A_109 : vector<256x64xf32>
      %swap3A = arith.index_cast %multiple_of3A : i32 to index
      %swap3A_111 = arith.constant 0 : index
      %swap3A_112 = vector.load %arg18[%swap3A, %swap3A_111] : memref<4096x64xf32, #tpu.memory_space<vmem>>, vector<256x64xf32>
      tpu.vector_store %arg18[%swap3A, %swap3A_111], %add3A_110 {strides = array<i32>} : memref<4096x64xf32, #tpu.memory_space<vmem>>, vector<256x64xf32>,
    } else {
    }
    %eq3A = arith.constant 16 : i32
    %eq3A_2 = arith.cmpi eq, %arg0, %eq3A : i32
    %convert_element_type3A_3 = arith.extui %eq3A_2 : i1 to i32
    %cond3A_4 = arith.constant 0 : i32
    %cond3A_5 = arith.cmpi ne, %convert_element_type3A_3, %cond3A_4 : i32
    scf.if %cond3A_5 {
      %get3A = arith.constant 0 : index
      %get3A_6 = arith.constant 0 : index
      %get3A_7 = vector.load %arg18[%get3A, %get3A_6] : memref<4096x64xf32, #tpu.memory_space<vmem>>, vector<4096x64xf32>
      %reduce_sum3A = arith.constant dense<0.000000e+00> : vector<64xf32>
      %reduce_sum3A_8 = vector.multi_reduction <add>, %get3A_7, %reduce_sum3A [0] : vector<4096x64xf32> to vector<64xf32>
      %broadcast_in_dim3A = vector.shape_cast %reduce_sum3A_8 : vector<64xf32> to vector<1x64xf32>
      %div3A = arith.constant 4.096000e+03 : f32
      %div3A_9 = vector.broadcast %div3A : f32 to vector<1x64xf32>
      %div3A_10 = arith.divf %broadcast_in_dim3A, %div3A_9 : vector<1x64xf32>
      %sub3A = vector.broadcast %div3A_10 : vector<1x64xf32> to vector<4096x64xf32>
      %sub3A_11 = arith.subf %get3A_7, %sub3A : vector<4096x64xf32>
      %integer_pow3A = arith.mulf %sub3A_11, %sub3A_11 : vector<4096x64xf32>
      %reduce_sum3A_12 = arith.constant dense<0.000000e+00> : vector<64xf32>
      %reduce_sum3A_13 = vector.multi_reduction <add>, %integer_pow3A, %reduce_sum3A_12 [0] : vector<4096x64xf32> to vector<64xf32>
      %broadcast_in_dim3A_14 = vector.shape_cast %reduce_sum3A_13 : vector<64xf32> to vector<1x64xf32>
      %div3A_15 = arith.constant 4.096000e+03 : f32
      %div3A_16 = vector.broadcast %div3A_15 : f32 to vector<1x64xf32>
      %div3A_17 = arith.divf %broadcast_in_dim3A_14, %div3A_16 : vector<1x64xf32>
      %sub3A_18 = vector.broadcast %div3A_10 : vector<1x64xf32> to vector<4096x64xf32>
      %sub3A_19 = arith.subf %get3A_7, %sub3A_18 : vector<4096x64xf32>
      %add3A = arith.constant 9.99999974E-6 : f32
      %add3A_20 = vector.broadcast %add3A : f32 to vector<1x64xf32>
      %add3A_21 = arith.addf %div3A_17, %add3A_20 : vector<1x64xf32>
      %sqrt3A = math.sqrt %add3A_21 : vector<1x64xf32>
      %div3A_22 = vector.broadcast %sqrt3A : vector<1x64xf32> to vector<4096x64xf32>
      %div3A_23 = arith.divf %sub3A_19, %div3A_22 : vector<4096x64xf32>
      %get3A_24 = arith.constant 0 : index
      %get3A_25 = arith.constant 0 : index
      %get3A_26 = vector.load %arg16[%get3A_24, %get3A_25] : memref<1x64xf32, #tpu.memory_space<vmem>>, vector<1x64xf32>
      %mul3A = vector.broadcast %get3A_26 : vector<1x64xf32> to vector<4096x64xf32>
      %mul3A_27 = arith.mulf %div3A_23, %mul3A : vector<4096x64xf32>
      %get3A_28 = arith.constant 0 : index
      %get3A_29 = arith.constant 0 : index
      %get3A_30 = vector.load %arg17[%get3A_28, %get3A_29] : memref<1x64xf32, #tpu.memory_space<vmem>>, vector<1x64xf32>
      %add3A_31 = vector.broadcast %get3A_30 : vector<1x64xf32> to vector<4096x64xf32>
      %add3A_32 = arith.addf %mul3A_27, %add3A_31 : vector<4096x64xf32>
      %max3A = arith.constant 0.000000e+00 : f32
      %max3A_33 = vector.broadcast %max3A : f32 to vector<4096x64xf32>
      %max3A_34 = arith.maximumf %add3A_32, %max3A_33 : vector<4096x64xf32>
      %swap3A = arith.constant 0 : index
      %swap3A_35 = arith.constant 0 : index
      %swap3A_36 = vector.load %arg18[%swap3A, %swap3A_35] : memref<4096x64xf32, #tpu.memory_space<vmem>>, vector<4096x64xf32>
      tpu.vector_store %arg18[%swap3A, %swap3A_35], %max3A_34 {strides = array<i32>} : memref<4096x64xf32, #tpu.memory_space<vmem>>, vector<4096x64xf32>,
    } else {
    }
    return
  }
  func.func @transform_0(%arg0: i32) -> (i32, i32) {
    %min3A = arith.constant 15 : i32
    %min3A_0 = arith.minsi %arg0, %min3A : i32
    %c0_i32 = arith.constant 0 : i32
    %c0_i32_1 = arith.constant 0 : i32
    return %min3A_0, %c0_i32 : i32, i32
  }
  func.func @transform_1(%arg0: i32) -> (i32, i32) {
    %min3A = arith.constant 15 : i32
    %min3A_0 = arith.minsi %arg0, %min3A : i32
    %c0_i32 = arith.constant 0 : i32
    %c0_i32_1 = arith.constant 0 : i32
    return %min3A_0, %c0_i32 : i32, i32
  }
  func.func @transform_2(%arg0: i32) -> (i32, i32) {
    %c0_i32 = arith.constant 0 : i32
    %c0_i32_0 = arith.constant 0 : i32
    %c0_i32_1 = arith.constant 0 : i32
    return %c0_i32, %c0_i32_0 : i32, i32
  }
  func.func @transform_3(%arg0: i32) -> (i32, i32) {
    %c0_i32 = arith.constant 0 : i32
    %c0_i32_0 = arith.constant 0 : i32
    %c0_i32_1 = arith.constant 0 : i32
    return %c0_i32, %c0_i32_0 : i32, i32
  }
  func.func @transform_4(%arg0: i32) -> (i32, i32) {
    %c0_i32 = arith.constant 0 : i32
    %c0_i32_0 = arith.constant 0 : i32
    %c0_i32_1 = arith.constant 0 : i32
    return %c0_i32, %c0_i32_0 : i32, i32
  }
  func.func @transform_5(%arg0: i32) -> (i32, i32) {
    %c0_i32 = arith.constant 0 : i32
    %c0_i32_0 = arith.constant 0 : i32
    %c0_i32_1 = arith.constant 0 : i32
    return %c0_i32, %c0_i32_0 : i32, i32
  }
  func.func @transform_6(%arg0: i32) -> (i32, i32) {
    %c0_i32 = arith.constant 0 : i32
    %c0_i32_0 = arith.constant 0 : i32
    %c0_i32_1 = arith.constant 0 : i32
    return %c0_i32, %c0_i32_0 : i32, i32
  }
  func.func @transform_7(%arg0: i32) -> (i32, i32) {
    %c0_i32 = arith.constant 0 : i32
    %c0_i32_0 = arith.constant 0 : i32
    %c0_i32_1 = arith.constant 0 : i32
    return %c0_i32, %c0_i32_0 : i32, i32
  }
  func.func @transform_8(%arg0: i32) -> (i32, i32) {
    %c0_i32 = arith.constant 0 : i32
    %c0_i32_0 = arith.constant 0 : i32
    %c0_i32_1 = arith.constant 0 : i32
    return %c0_i32, %c0_i32_0 : i32, i32
  }
  func.func @transform_9(%arg0: i32) -> (i32, i32) {
    %c0_i32 = arith.constant 0 : i32
    %c0_i32_0 = arith.constant 0 : i32
    %c0_i32_1 = arith.constant 0 : i32
    return %c0_i32, %c0_i32_0 : i32, i32
  }
  func.func @transform_10(%arg0: i32) -> (i32, i32) {
    %c0_i32 = arith.constant 0 : i32
    %c0_i32_0 = arith.constant 0 : i32
    %c0_i32_1 = arith.constant 0 : i32
    return %c0_i32, %c0_i32_0 : i32, i32
  }
  func.func @transform_11(%arg0: i32) -> (i32, i32) {
    %c0_i32 = arith.constant 0 : i32
    %c0_i32_0 = arith.constant 0 : i32
    %c0_i32_1 = arith.constant 0 : i32
    return %c0_i32, %c0_i32_0 : i32, i32
  }
  func.func @transform_12(%arg0: i32) -> (i32, i32) {
    %c0_i32 = arith.constant 0 : i32
    %c0_i32_0 = arith.constant 0 : i32
    %c0_i32_1 = arith.constant 0 : i32
    return %c0_i32, %c0_i32_0 : i32, i32
  }
  func.func @transform_13(%arg0: i32) -> (i32, i32) {
    %c0_i32 = arith.constant 0 : i32
    %c0_i32_0 = arith.constant 0 : i32
    %c0_i32_1 = arith.constant 0 : i32
    return %c0_i32, %c0_i32_0 : i32, i32
  }
  func.func @transform_14(%arg0: i32) -> (i32, i32) {
    %c0_i32 = arith.constant 0 : i32
    %c0_i32_0 = arith.constant 0 : i32
    %c0_i32_1 = arith.constant 0 : i32
    return %c0_i32, %c0_i32_0 : i32, i32
  }
  func.func @transform_15(%arg0: i32) -> (i32, i32) {
    %c0_i32 = arith.constant 0 : i32
    %c0_i32_0 = arith.constant 0 : i32
    %c0_i32_1 = arith.constant 0 : i32
    return %c0_i32, %c0_i32_0 : i32, i32
  }
  func.func @transform_16(%arg0: i32) -> (i32, i32) {
    %c0_i32 = arith.constant 0 : i32
    %c0_i32_0 = arith.constant 0 : i32
    %c0_i32_1 = arith.constant 0 : i32
    return %c0_i32, %c0_i32_0 : i32, i32
  }
  func.func @transform_17(%arg0: i32) -> (i32, i32) {
    %c0_i32 = arith.constant 0 : i32
    %c0_i32_0 = arith.constant 0 : i32
    %c0_i32_1 = arith.constant 0 : i32
    return %c0_i32, %c0_i32_0 : i32, i32
  }
}

</mosaic_0001>

<sc_bundles>
// kernel: kernel.6.cloned.1.call-start
scs
__scs_entry_jumppad:
0x0: {  	(pc) =	sbr.rel $0x88, $3  }
0x1: {  	(tag) =	ssettag $0x0;
	lr =	simm.s32 $0x1  }
0x2: {  	[smem:$0x3F90] =	sst lr;
	_ =	strace $0xD0000000  }
0x3: {  	_ = 	snop  }
0x4: {  	_ = 	snop  }
0x5: {  	_ = 	snop  }
0x6: {  	_ = 	snop  }
0x7: {  	_ = 	snop  }
__scs_overlays_trampoline_lowered:
0x8: {  	[smem:$0x3F9F] =	sst s0  }
0x9: {  	[smem:$0x3FA0] =	sst s1  }
0xa: {  	[smem:$0x3FA1] =	sst s2  }
0xb: {  	[smem:$0x3FA2] =	sst s3  }
0xc: {  	[smem:$0x3FA3] =	sst s4  }
0xd: {  	[smem:$0x3FA4] =	sst s5  }
0xe: {  	[smem:$0x3FA5] =	sst s6  }
0xf: {  	[smem:$0x3FA6] =	sst s7  }
0x10: {  	[smem:$0x3FA7] =	sst s8  }
0x11: {  	[smem:$0x3FA8] =	sst s9;
	s0 =	simm.s32 @!p0 $0x0  }
0x12: {  	s1 =	sld [smem:$0x3F8E];
	s0 =	simm.s32 @p0 $0x1  }
0x13: {  	[smem:$0x3FA9] =	sst s0;
	s0 =	simm.s32 @!p1 $0x0  }
0x14: {  	s2 =	sld [smem:$0x3F8D];
	s0 =	simm.s32 @p1 $0x1  }
0x15: {  	[smem:$0x3FAA] =	sst s0;
	s0 =	simm.s32 @!p2 $0x0  }
0x16: {  	s3 =	sld [smem:$0x3FDB];
	s0 =	simm.s32 @p2 $0x1  }
0x17: {  	s4 =	simm.s32 $0x1BF5;
	[smem:$0x3FAC] =	sst s0  }
0x18: {  	s0 =	sld [smem:$0x3F8F];
	_ =	swait.ge [sflag:s4], $0x0  }
0x19: {  	s7 =	sld [smem:$0x3F90]  }
0x1a: {  	s8 =	sadd.s32 $0xFFFFE003, lr  }
0x1b: {  	s9 =	sadd.s32 $0xFFFFFEF7, lr;
	s5 =	simm.s32 $0xFFFFFFFF;
	p2 =	slt.u32 s8, $0xFFFFF086  }
0x1c: {  	p1 =	slt.u32 s9, $0xF7A;
	s5 =	simm.s32 @!p2 $0x0  }
0x1d: {  	s5 =	simm.s32 @p1 $0x1;
	p0 =	seq.s32 s7, s2  }
0x1e: {  	s7 =	smul.u32 @!p0 $0xF7A, s2;
	p2 =	seq.s32 @!p0 s5, $0x0  }
0x1f: {  	s9 =	smul.u32 $0xF7A, s1;
	s8 =	simm.s32 @!p0 $0x1BF5;
	p2 =	por !p2, p0  }
0x20: {  	[sflag:s8] =	ssyncset.s32 @!p0 $0xFFFFF086;
	s6 =	sadd.s32 @!p0 s3, s7;
	s7 =	simm.s32 @!p0 $0x108  }
0x21: {  	s3 =	sadd.s32 s3, s9;
	s6 =	sadd.s32 @!p0 $0x88, s6;
	s7 =	simm.s32 @p2 $0x1082  }
0x22: {  	[simem:s7], [sflag:s8] =	dma.local @!p0 [hbm:s6], $0xF7A  }
0x23: {  	s9 =	sor.u32 $0xD0000000, s2;
	s6 =	simm.s32 $0x108;
	_ =	swait.ge @!p0 [sflag:s8], $0x0  }
0x24: {  	s3 =	sadd.s32 $0x88, s3;
	s6 =	simm.s32 @!p1 $0x1082;
	[sflag:s4] =	ssyncset.s32 $0xFFFFF086  }
0x25: {  	[simem:s6], [sflag:s4] =	dma.local [hbm:s3], $0xF7A  }
0x26: {  	[smem:$0x3F90] =	sst s1;
	(tag) =	ssettag s2;
	_ =	strace s9  }
0x27: {  	s1 =	sld [smem:$0x3FA0]  }
0x28: {  	s2 =	sld [smem:$0x3FA1]  }
0x29: {  	s4 =	sld [smem:$0x3FA3]  }
0x2a: {  	p0 =	seq.s32 s5, $0x0;
	s5 =	sld [smem:$0x3FA4]  }
0x2b: {  	s6 =	sld [smem:$0x3FA5]  }
0x2c: {  	s7 =	sld [smem:$0x3FA6]  }
0x2d: {  	s3 =	simm.s32 $0x108;
	s8 =	sld [smem:$0x3FA7]  }
0x2e: {  	s3 =	simm.s32 @!p0 $0x1082;
	s9 =	sld [smem:$0x3FA8]  }
0x2f: {  	lr =	sadd.s32 s0, s3;
	s0 =	sld [smem:$0x3F9F]  }
0x30: {  	s3 =	sld [smem:$0x3FA2]  }
0x31: {  	[smem:$0x3FAB] =	sst s10  }
0x32: {  	s10 =	sld [smem:$0x3FA9];
	_ =	sdelay $0x3  }
0x33: {  	p0 =	seq.s32 s10, $0x1;
	s10 =	sld [smem:$0x3FAB];
	_ =	sdelay $0x3  }
0x34: {  	[smem:$0x3FAB] =	sst s10  }
0x35: {  	s10 =	sld [smem:$0x3FAA];
	_ =	sdelay $0x3  }
0x36: {  	p1 =	seq.s32 s10, $0x1;
	s10 =	sld [smem:$0x3FAB];
	_ =	sdelay $0x3  }
0x37: {  	[smem:$0x3FAB] =	sst s10  }
0x38: {  	s10 =	sld [smem:$0x3FAC]  }
0x39: {  	_ = 	snop;
	(pc) =	sbr.ind lr, $3  }
0x3a: {  	_ = 	snop  }
0x3b: {  	_ = 	snop  }
0x3c: {  	p2 =	seq.s32 s10, $0x1;
	s10 =	sld [smem:$0x3FAB]  }
0x3d: {  	_ =	shalt  }
0x3e: {  	_ =	shalt  }
0x3f: {  	_ =	shalt  }
0x40: {  	_ =	shalt  }
0x41: {  	_ =	shalt  }
0x42: {  	_ =	shalt  }
0x43: {  	_ =	shalt  }
0x44: {  	_ =	shalt  }
0x45: {  	_ =	shalt  }
0x46: {  	_ =	shalt  }
0x47: {  	_ =	shalt  }
0x48: {  	_ =	shalt  }
0x49: {  	_ =	shalt  }
0x4a: {  	_ =	shalt  }
0x4b: {  	_ =	shalt  }
0x4c: {  	_ =	shalt  }
0x4d: {  	_ =	shalt  }
0x4e: {  	_ =	shalt  }
0x4f: {  	_ =	shalt  }
0x50: {  	_ =	shalt  }
0x51: {  	_ =	shalt  }
0x52: {  	_ =	shalt  }
0x53: {  	_ =	shalt  }
0x54: {  	_ =	shalt  }
0x55: {  	_ =	shalt  }
0x56: {  	_ =	shalt  }
0x57: {  	_ =	shalt  }
0x58: {  	_ =	shalt  }
0x59: {  	_ =	shalt  }
0x5a: {  	_ =	shalt  }
0x5b: {  	_ =	shalt  }
0x5c: {  	_ =	shalt  }
0x5d: {  	_ =	shalt  }
0x5e: {  	_ =	shalt  }
0x5f: {  	_ =	shalt  }
0x60: {  	_ =	shalt  }
0x61: {  	_ =	shalt  }
0x62: {  	_ =	shalt  }
0x63: {  	_ =	shalt  }
0x64: {  	_ =	shalt  }
0x65: {  	_ =	shalt  }
0x66: {  	_ =	shalt  }
0x67: {  	_ =	shalt  }
0x68: {  	_ =	shalt  }
0x69: {  	_ =	shalt  }
0x6a: {  	_ =	shalt  }
0x6b: {  	_ =	shalt  }
0x6c: {  	_ =	shalt  }
0x6d: {  	_ =	shalt  }
0x6e: {  	_ =	shalt  }
0x6f: {  	_ =	shalt  }
0x70: {  	_ =	shalt  }
0x71: {  	_ =	shalt  }
0x72: {  	_ =	shalt  }
0x73: {  	_ =	shalt  }
0x74: {  	_ =	shalt  }
0x75: {  	_ =	shalt  }
0x76: {  	_ =	shalt  }
0x77: {  	_ =	shalt  }
0x78: {  	_ =	shalt  }
0x79: {  	_ =	shalt  }
0x7a: {  	_ =	shalt  }
0x7b: {  	_ =	shalt  }
0x7c: {  	_ =	shalt  }
0x7d: {  	_ =	shalt  }
0x7e: {  	_ =	shalt  }
0x7f: {  	_ =	shalt  }
0x80: {  	_ =	shalt  }
0x81: {  	_ =	shalt  }
0x82: {  	_ =	shalt  }
0x83: {  	_ =	shalt  }
0x84: {  	_ =	shalt  }
0x85: {  	_ =	shalt  }
0x86: {  	_ =	shalt  }
0x87: {  	_ =	shalt  }
.Lfunc_end0:
.L_simem_size_0:
called_computation_lowered:
.L_overlay_start_0:
0x88: {  	s2 =	sld [smem:$0x3FD9]  }
0x89: {  	s3 =	sld [smem:$0x3FFE];
	_ =	sdelay $0x1  }
0x8a: {  	s1 =	srdreg.scid  }
0x8b: {  	s0 =	sand.u32 $0x1, s1  }
0x8c: {  	s14 =	sshll.u32 s0, $0xA;
	s2 =	sadd.s32 s3, s2  }
0x8d: {  	s2 =	sadd.s32 s2, s14  }
0x8e: {  	[smem:$0x3FB7] =	sst s2  }
0x8f: {  	_ = 	snop  }
0x90: {  	s2 =	sld [smem:$0x3FD0];
	_ =	sdelay $0x2  }
0x91: {  	s15 =	simm.s32 $0xA;
	s4 =	simm.s32 $0x10  }
0x92: {  	[smem:s4], [sflag:s15] =	dma.local [hbm:s2], $0x1  }
0x93: {  	_ =	swait.eq [sflag:s15], $0x1  }
0x94: {  	[sflag:s15] =	ssyncset.done $0x0  }
0x95: {  	[sflag:s15] =	ssyncadd.s32 $0xFFFFFFFF  }
0x96: {  	s16 =	sld [smem:$0x11];
	(tm) =	ssettm $0x1  }
0x97: {  	s17 =	sld [smem:$0x3FFB];
	_ =	sdelay $0x3  }
0x98: {  	_ =	strace s17  }
0x99: {  	s3 =	sld [smem:$0x3FFC];
	_ =	sdelay $0x3  }
0x9a: {  	_ =	strace s3  }
0x9b: {  	s3 =	sld [smem:$0x3FFD];
	_ =	sdelay $0x3  }
0x9c: {  	_ =	strace s3  }
0x9d: {  	_ =	strace $0x8FFFFFFF  }
0x9e: {  	s18 =	sld [smem:$0x3FDB];
	_ =	sdelay $0x1  }
0x9f: {  	s19 =	simm.s32 $_scs_section_size  }
0xa0: {  	s5 =	simm.s32 $_size__tile_overlayer_lowered;
	s6 =	simm.s32 $_tile_overlayer_lowered  }
0xa1: {  	s22 =	simm.s32 $0x1BFF;
	s21 =	sshll.u32 s6, $0x1;
	s3 =	sadd.s32 s19, s18  }
0xa2: {  	s7 =	simm.s32 $0x0;
	s20 =	sshll.u32 s5, $0x1;
	s5 =	sadd.s32 s21, s3  }
0xa3: {  	[timem:s7], [sflag:s22] =	dma.local [hbm:s5], s20  }
0xa4: {  	_ =	swait.ge [sflag:s22], s20  }
0xa5: {  	s4 =	ssub.s32 $0x0, s20;
	[sflag:s22] =	ssyncset.done $0x0  }
0xa6: {  	[sflag:s22] =	ssyncadd.s32 s4;
	_ =	sdelay $0x1  }
0xa7: {  	s23 =	simm.s32 $0x1B8B  }
0xa8: {  	_ =	swait.ge [sflag:s23], $0x1  }
0xa9: {  	[sflag:s23] =	ssyncset.done $0x0  }
0xaa: {  	s25 =	simm.s32 $0x1B8E;
	s24 =	sld [smem:$0x3FFE];
	[sflag:s23] =	ssyncadd.s32 $0xFFFFFFFF  }
0xab: {  	s26 =	simm.s32 $execute0_lowered;
	[smem:$0x3FD2] =	sst s25  }
0xac: {  	s5 =	sshll.u32 s26, $0x1;
	_ =	strace $0x80000046;
	[dreg:$0x1] =	wrdreg $0xFFFFFFFF  }
0xad: {  	s28 =	simm.s32 $_size_execute0_lowered;
	s3 =	sadd.s32 s3, s5;
	[dreg:$0x0] =	wrdreg $0x0  }
0xae: {  	s5 =	sshll.u32 s28, $0x1;
	[dreg:$0x2] =	wrdreg s3  }
0xaf: {  	[dreg:$0x3] =	wrdreg s5  }
0xb0: {  	[dreg:$0x4] =	wrdreg $0xC0  }
0xb1: {  	_ =	task [dreg:s7], $0x5FFFF  }
0xb2: {  	[dreg:$0x1] =	wrdreg $0xFFFFFFFF  }
0xb3: {  	[dreg:$0x0] =	wrdreg $0x60  }
0xb4: {  	[dreg:$0x2] =	wrdreg s24  }
0xb5: {  	[dreg:$0x3] =	wrdreg s16  }
0xb6: {  	[dreg:$0x4] =	wrdreg $0x9  }
0xb7: {  	_ =	task.clear_ibuf [dreg:s7], $0x5FFFF;
	_ =	strace $0x90000046  }
0xb8: {  	s29 =	simm.s32 $0x9;
	_ =	strace $0x80000048  }
0xb9: {  	_ =	swait.ge [sflag:s29], $0x1  }
0xba: {  	[sflag:s29] =	ssyncadd.s32 $0xFFFFFFFF  }
0xbb: {  	_ =	strace $0x90000048  }
0xbc: {  	_ =	sfence  }
0xbd: {  	s30 =	sld [smem:$0x0];
	_ =	sdelay $0x2  }
0xbe: {  	s31 =	sshll.u32 s1, $0xD;
	s1 =	sshrl.u32 s1, $0x2  }
0xbf: {  	s3 =	sand.u32 $0x4000, s31;
	s1 =	sadd.s32 s1, s30  }
0xc0: {  	s0 =	sor.u32 s3, s0;
	s1 =	sshll.u32 s1, $0x11  }
0xc1: {  	s0 =	sor.u32 s1, s0  }
0xc2: {  	s0 =	sadd.s32 $0x8F2B, s0  }
0xc3: {  	[sflag:s0] =	ssyncadd.remote.s32 $0x1  }
0xc4: {  	_ =	sfence.sel $0xFFFF  }
0xc5: {  	[dreg:$0x0] =	wrdreg $0xFFFFFFFF;
	(pc) =	sbr.abs _section_cstart, $3  }
0xc6: {  	[dreg:$0x1] =	wrdreg $0xFFFFFFFF  }
0xc7: {  	_ =	task.clear_ibuf [dreg:s7], $0x2FFFF;
	_ =	strace $0x9FFFFFFF  }
0xc8: {  	(tm) =	ssettm $0x7FFFFFFF  }
0xc9: {  	_ =	shalt  }
tec
execute0_lowered:
.L_overlay_start_1:
0x0: {  	(tag) =	ssettag $0x1  }
0x1: {  	s0 =	rddreg [dreg:$0x0]  }
0x2: {  	s1 =	rddreg [dreg:$0x1]  }
0x3: {  	s3 =	srdreg.scid;
	s4 =	stileid.u32  }
0x4: {  	s2 =	simm.s32 $0x0;
	s29 =	simm.s32 $0x10800;
	s11 =	simm.s32 $0x800  }
0x5: {  	s30 =	simm.s32 $0x100;
	s9 =	simm.s32 $0x8800;
	s31 =	simm.s32 $0x180  }
0x6: {  	s10 =	simm.s32 $0x1;
	s26 =	simm.s32 $0x200;
	s28 =	simm.s32 $0x280  }
0x7: {  	s24 =	simm.s32 $0x300;
	s25 =	simm.s32 $0x380;
	s22 =	simm.s32 $0x400  }
0x8: {  	s23 =	simm.s32 $0x480;
	s3 =	sand.u32 $0x1, s3;
	s4 =	sshll.u32 s4, $0x1  }
0x9: {  	p0 =	por $0x0, $0x0;
	[smem:$0x7FF] =	sst s2;
	s4 =	sor.u32 s3, s4  }
0xa: {  	_ =	strace $0x80000047;
	s3 =	ssub.s32 $0x2, s3;
	s5 =	sshll.u32 s4, $0x4  }
0xb: {  	s6 =	sshll.u32 s4, $0x8;
	s7 =	sshll.u32 s4, $0xF;
	s4 =	sshll.u32 s4, $0xB  }
0xc: {  	s18 =	sshrl.u32 s3, $0x1;
	s5 =	sadd.s32 s5, s0;
	s1 =	sadd.s32 s1, s6  }
0xd: {  	s12 =	sadd.s32 s7, s0;
	s3 =	ssub.s32 s3, s18;
	s6 =	simm.s32 $0x10880  }
0xe: {  	s18 =	simm.s32 $0x600;
	[dreg:$0x3] =	wrdreg s1;
	s13 =	sadd.s32 $0x3200, s5  }
0xf: {  	s5 =	sadd.s32 $0x3400, s0;
	s14 =	sadd.s32 $0x53400, s12;
	s15 =	sadd.s32 $0x54400, s12  }
0x10: {  	s0 =	sadd.s32 s4, s0;
	s16 =	sadd.s32 $0x55400, s12;
	[dreg:$0x4] =	wrdreg s13  }
0x11: {  	s17 =	sadd.s32 $0x56400, s12;
	s19 =	sadd.s32 $0x57400, s12;
	[dreg:$0x5] =	wrdreg s14  }
0x12: {  	s20 =	sadd.s32 $0x58400, s12;
	s8 =	sadd.s32 $0x59400, s12;
	[dreg:$0x6] =	wrdreg s15  }
0x13: {  	s7 =	sadd.s32 $0x5A400, s12;
	s21 =	smax.u32 s3, $0x1;
	[dreg:$0x7] =	wrdreg s16  }
0x14: {  	s3 =	simm.s32 $0x3;
	[dreg:$0x8] =	wrdreg s17;
	p1 =	sne.s32 s21, $0x1  }
.Ltmp0:
0x15: {  	s12 =	simm.s32 $0x80;
	[dreg:$0x9] =	wrdreg s19;
	(pc) =	sbr.rel @!p1 .LBB2_3-.Ltmp0, $4  }
0x16: {  	[dreg:$0xa] =	wrdreg s20;
	s4 =	sadd.s32 $0x43400, s0;
	s15 =	simm.s32 $0x4800  }
0x17: {  	s14 =	simm.s32 $0xC800;
	s20 =	simm.s32 $0x500;
	s0 =	sadd.s32 $0xFFFFFFFF, s21  }
0x18: {  	s21 =	simm.s32 $0x580;
	s19 =	simm.s32 $0x680;
	s16 =	simm.s32 $0x700  }
0x19: {  	s17 =	simm.s32 $0x780;
	s13 =	simm.s32 $0x2;
	s1 =	rddreg [dreg:$0x3]  }
0x1a: {  	[tilespmem:s2], [sflag:$0x3] =	stream.linear.gather [hbm4b:s1+s2], $0x800, $0x38;
	[tilespmem:$0x14880] =	vst v63  }
0x1b: {  	_ =	swait.ge [sflag:s3], $0x800  }
0x1c: {  	[sflag:s3] =	ssyncset.done $0x0  }
0x1d: {  	s1 =	rddreg [dreg:$0x4];
	[sflag:s3] =	ssyncadd.s32 $0xFFFFF800  }
0x1e: {  	[tilespmem:s29], [sflag:$0x3] =	stream.linear.gather [hbm4b:s1+s2], $0x80, $0x38;
	[tilespmem:$0x14880] =	vst v63  }
0x1f: {  	_ =	swait.ge [sflag:s3], $0x80  }
0x20: {  	[sflag:s3] =	ssyncset.done $0x0  }
0x21: {  	[sflag:s3] =	ssyncadd.s32 $0xFFFFFF80  }
0x22: {  	[tilespmem:s6], [sflag:$0x2] =	stream.indirect.gather [hbm4b:s5+s12], $0x80, s29, s12, $0xb8;
	[tilespmem:$0x14880] =	vst v63  }
0x23: {  	_ = 	snop  }
0x24: {  	[tilespmem:s11], [sflag:$0x1] =	stream.indirect.gather [hbm4b:s5+s12], $0x80, s2, s12, $0xb8;
	[tilespmem:$0x14880] =	vst v63  }
0x25: {  	_ = 	snop  }
0x26: {  	[tilespmem:s15], [sflag:$0x1] =	stream.indirect.gather [hbm4b:s5+s12], $0x80, s12, s12, $0xb8;
	[tilespmem:$0x14880] =	vst v63  }
0x27: {  	_ = 	snop  }
0x28: {  	[tilespmem:s9], [sflag:$0x1] =	stream.indirect.gather [hbm4b:s5+s12], $0x80, s30, s12, $0xb8;
	[tilespmem:$0x14880] =	vst v63  }
0x29: {  	_ = 	snop  }
0x2a: {  	[tilespmem:s14], [sflag:$0x1] =	stream.indirect.gather [hbm4b:s5+s12], $0x80, s31, s12, $0xb8;
	[tilespmem:$0x14880] =	vst v63  }
0x2b: {  	_ =	swait.ge [sflag:s10], $0x4000  }
0x2c: {  	[sflag:s10] =	ssyncset.done $0x0  }
0x2d: {  	[sflag:s10] =	ssyncadd.s32 $0xFFFFC000  }
0x2e: {  	_ =	swait.ge [sflag:s10], $0x4000  }
0x2f: {  	[sflag:s10] =	ssyncset.done $0x0  }
0x30: {  	s1 =	rddreg [dreg:$0x5];
	[sflag:s10] =	ssyncadd.s32 $0xFFFFC000  }
0x31: {  	[hbm4b:s1+s2] =	stream.linear.scatter [tilespmem:s11], [sflag:$0x3], $0x8000, $0x38;
	[tilespmem:$0x14880] =	vst v63  }
0x32: {  	_ =	swait.ge [sflag:s3], $0x8000  }
0x33: {  	[sflag:s3] =	ssyncset.done $0x0  }
0x34: {  	[sflag:s3] =	ssyncadd.s32 $0xFFFF8000  }
0x35: {  	[tilespmem:s11], [sflag:$0x1] =	stream.indirect.gather [hbm4b:s5+s12], $0x80, s26, s12, $0xb8;
	[tilespmem:$0x14880] =	vst v63  }
0x36: {  	_ = 	snop  }
0x37: {  	[tilespmem:s15], [sflag:$0x1] =	stream.indirect.gather [hbm4b:s5+s12], $0x80, s28, s12, $0xb8;
	[tilespmem:$0x14880] =	vst v63  }
0x38: {  	_ =	swait.ge [sflag:s10], $0x4000  }
0x39: {  	[sflag:s10] =	ssyncset.done $0x0  }
0x3a: {  	[sflag:s10] =	ssyncadd.s32 $0xFFFFC000  }
0x3b: {  	_ =	swait.ge [sflag:s10], $0x4000  }
0x3c: {  	[sflag:s10] =	ssyncset.done $0x0  }
0x3d: {  	s1 =	rddreg [dreg:$0x6];
	[sflag:s10] =	ssyncadd.s32 $0xFFFFC000  }
0x3e: {  	[hbm4b:s1+s2] =	stream.linear.scatter [tilespmem:s9], [sflag:$0x3], $0x8000, $0x38;
	[tilespmem:$0x14880] =	vst v63  }
0x3f: {  	_ =	swait.ge [sflag:s3], $0x8000  }
0x40: {  	[sflag:s3] =	ssyncset.done $0x0  }
0x41: {  	[sflag:s3] =	ssyncadd.s32 $0xFFFF8000  }
0x42: {  	[tilespmem:s9], [sflag:$0x1] =	stream.indirect.gather [hbm4b:s5+s12], $0x80, s24, s12, $0xb8;
	[tilespmem:$0x14880] =	vst v63  }
0x43: {  	_ = 	snop  }
0x44: {  	[tilespmem:s14], [sflag:$0x1] =	stream.indirect.gather [hbm4b:s5+s12], $0x80, s25, s12, $0xb8;
	[tilespmem:$0x14880] =	vst v63  }
0x45: {  	_ =	swait.ge [sflag:s10], $0x4000  }
0x46: {  	[sflag:s10] =	ssyncset.done $0x0  }
0x47: {  	[sflag:s10] =	ssyncadd.s32 $0xFFFFC000  }
0x48: {  	_ =	swait.ge [sflag:s10], $0x4000  }
0x49: {  	[sflag:s10] =	ssyncset.done $0x0  }
0x4a: {  	s1 =	rddreg [dreg:$0x7];
	[sflag:s10] =	ssyncadd.s32 $0xFFFFC000  }
0x4b: {  	[hbm4b:s1+s2] =	stream.linear.scatter [tilespmem:s11], [sflag:$0x3], $0x8000, $0x38;
	[tilespmem:$0x14880] =	vst v63  }
0x4c: {  	_ =	swait.ge [sflag:s3], $0x8000  }
0x4d: {  	[sflag:s3] =	ssyncset.done $0x0  }
0x4e: {  	[sflag:s3] =	ssyncadd.s32 $0xFFFF8000  }
0x4f: {  	[tilespmem:s11], [sflag:$0x1] =	stream.indirect.gather [hbm4b:s5+s12], $0x80, s22, s12, $0xb8;
	[tilespmem:$0x14880] =	vst v63  }
0x50: {  	_ = 	snop  }
0x51: {  	[tilespmem:s15], [sflag:$0x1] =	stream.indirect.gather [hbm4b:s5+s12], $0x80, s23, s12, $0xb8;
	[tilespmem:$0x14880] =	vst v63  }
0x52: {  	_ =	swait.ge [sflag:s10], $0x4000  }
0x53: {  	[sflag:s10] =	ssyncset.done $0x0  }
0x54: {  	[sflag:s10] =	ssyncadd.s32 $0xFFFFC000  }
0x55: {  	_ =	swait.ge [sflag:s10], $0x4000  }
0x56: {  	[sflag:s10] =	ssyncset.done $0x0  }
0x57: {  	s1 =	rddreg [dreg:$0x8];
	[sflag:s10] =	ssyncadd.s32 $0xFFFFC000  }
0x58: {  	[hbm4b:s1+s2] =	stream.linear.scatter [tilespmem:s9], [sflag:$0x3], $0x8000, $0x38;
	[tilespmem:$0x14880] =	vst v63  }
0x59: {  	_ =	swait.ge [sflag:s3], $0x8000  }
0x5a: {  	[sflag:s3] =	ssyncset.done $0x0  }
0x5b: {  	[sflag:s3] =	ssyncadd.s32 $0xFFFF8000  }
0x5c: {  	[tilespmem:s9], [sflag:$0x1] =	stream.indirect.gather [hbm4b:s5+s12], $0x80, s20, s12, $0xb8;
	[tilespmem:$0x14880] =	vst v63  }
0x5d: {  	_ = 	snop  }
0x5e: {  	[tilespmem:s14], [sflag:$0x1] =	stream.indirect.gather [hbm4b:s5+s12], $0x80, s21, s12, $0xb8;
	[tilespmem:$0x14880] =	vst v63  }
0x5f: {  	_ =	swait.ge [sflag:s10], $0x4000  }
0x60: {  	[sflag:s10] =	ssyncset.done $0x0  }
0x61: {  	[sflag:s10] =	ssyncadd.s32 $0xFFFFC000  }
0x62: {  	_ =	swait.ge [sflag:s10], $0x4000  }
0x63: {  	[sflag:s10] =	ssyncset.done $0x0  }
0x64: {  	s1 =	rddreg [dreg:$0x9];
	[sflag:s10] =	ssyncadd.s32 $0xFFFFC000  }
0x65: {  	[hbm4b:s1+s2] =	stream.linear.scatter [tilespmem:s11], [sflag:$0x3], $0x8000, $0x38;
	[tilespmem:$0x14880] =	vst v63  }
0x66: {  	_ =	swait.ge [sflag:s3], $0x8000  }
0x67: {  	[sflag:s3] =	ssyncset.done $0x0  }
0x68: {  	[sflag:s3] =	ssyncadd.s32 $0xFFFF8000  }
0x69: {  	[tilespmem:s11], [sflag:$0x1] =	stream.indirect.gather [hbm4b:s5+s12], $0x80, s18, s12, $0xb8;
	[tilespmem:$0x14880] =	vst v63  }
0x6a: {  	_ = 	snop  }
0x6b: {  	[tilespmem:s15], [sflag:$0x1] =	stream.indirect.gather [hbm4b:s5+s12], $0x80, s19, s12, $0xb8;
	[tilespmem:$0x14880] =	vst v63  }
0x6c: {  	_ =	swait.ge [sflag:s10], $0x4000  }
0x6d: {  	[sflag:s10] =	ssyncset.done $0x0  }
0x6e: {  	[sflag:s10] =	ssyncadd.s32 $0xFFFFC000  }
0x6f: {  	_ =	swait.ge [sflag:s10], $0x4000  }
0x70: {  	[sflag:s10] =	ssyncset.done $0x0  }
0x71: {  	s1 =	rddreg [dreg:$0xa];
	[sflag:s10] =	ssyncadd.s32 $0xFFFFC000  }
0x72: {  	[hbm4b:s1+s2] =	stream.linear.scatter [tilespmem:s9], [sflag:$0x3], $0x8000, $0x38;
	[tilespmem:$0x14880] =	vst v63  }
0x73: {  	_ =	swait.ge [sflag:s3], $0x8000  }
0x74: {  	[sflag:s3] =	ssyncset.done $0x0  }
0x75: {  	[sflag:s3] =	ssyncadd.s32 $0xFFFF8000  }
0x76: {  	[tilespmem:s9], [sflag:$0x1] =	stream.indirect.gather [hbm4b:s5+s12], $0x80, s16, s12, $0xb8;
	[tilespmem:$0x14880] =	vst v63  }
0x77: {  	_ = 	snop  }
0x78: {  	[tilespmem:s14], [sflag:$0x1] =	stream.indirect.gather [hbm4b:s5+s12], $0x80, s17, s12, $0xb8;
	[tilespmem:$0x14880] =	vst v63  }
0x79: {  	_ =	swait.ge [sflag:s10], $0x4000  }
0x7a: {  	[sflag:s10] =	ssyncset.done $0x0  }
0x7b: {  	[sflag:s10] =	ssyncadd.s32 $0xFFFFC000  }
0x7c: {  	_ =	swait.ge [sflag:s10], $0x4000  }
0x7d: {  	[sflag:s10] =	ssyncset.done $0x0  }
0x7e: {  	[sflag:s10] =	ssyncadd.s32 $0xFFFFC000  }
0x7f: {  	[hbm4b:s8+s2] =	stream.linear.scatter [tilespmem:s11], [sflag:$0x3], $0x8000, $0x38;
	[tilespmem:$0x14880] =	vst v63  }
0x80: {  	_ =	swait.ge [sflag:s3], $0x8000  }
0x81: {  	[sflag:s3] =	ssyncset.done $0x0  }
0x82: {  	[sflag:s3] =	ssyncadd.s32 $0xFFFF8000  }
0x83: {  	_ =	swait.ge [sflag:s10], $0x4000  }
0x84: {  	[sflag:s10] =	ssyncset.done $0x0  }
0x85: {  	[sflag:s10] =	ssyncadd.s32 $0xFFFFC000  }
0x86: {  	_ =	swait.ge [sflag:s10], $0x4000  }
0x87: {  	[sflag:s10] =	ssyncset.done $0x0  }
0x88: {  	[sflag:s10] =	ssyncadd.s32 $0xFFFFC000  }
0x89: {  	[hbm4b:s7+s2] =	stream.linear.scatter [tilespmem:s9], [sflag:$0x3], $0x8000, $0x38;
	[tilespmem:$0x14880] =	vst v63  }
0x8a: {  	_ =	swait.ge [sflag:s3], $0x8000  }
0x8b: {  	[sflag:s3] =	ssyncset.done $0x0  }
0x8c: {  	[sflag:s3] =	ssyncadd.s32 $0xFFFF8000  }
0x8d: {  	p1 =	sne.s32 s0, $0x1;
	_ =	swait.ge [sflag:s13], $0x4000  }
.Ltmp1:
0x8e: {  	[sflag:s13] =	ssyncset.done $0x0;
	(pc) =	sbr.rel @!p1 .LBB2_3-.Ltmp1, $4  }
0x8f: {  	[sflag:s13] =	ssyncadd.s32 $0xFFFFC000  }
0x90: {  	[hbm4b:s4+s2] =	stream.linear.scatter [tilespmem:s6], [sflag:$0x3], $0x4000, $0x38;
	[tilespmem:$0x14880] =	vst v63  }
0x91: {  	s0 =	sadd.s32 $0xFFFFFFFF, s0;
	_ =	swait.ge [sflag:s3], $0x4000  }
0x92: {  	p0 =	por $0x1, $0x1;
	s1 =	rddreg [dreg:$0x3];
	[sflag:s3] =	ssyncset.done $0x0  }
.LBB2_2:
0x93: {  	[sflag:s3] =	ssyncadd.s32 $0xFFFFC000  }
0x94: {  	[tilespmem:s2], [sflag:$0x3] =	stream.linear.gather [hbm4b:s1+s2], $0x800, $0x38;
	[tilespmem:$0x14880] =	vst v63  }
0x95: {  	_ =	swait.ge [sflag:s3], $0x800  }
0x96: {  	[sflag:s3] =	ssyncset.done $0x0  }
0x97: {  	s1 =	rddreg [dreg:$0x4];
	[sflag:s3] =	ssyncadd.s32 $0xFFFFF800  }
0x98: {  	[tilespmem:s29], [sflag:$0x3] =	stream.linear.gather [hbm4b:s1+s2], $0x80, $0x38;
	[tilespmem:$0x14880] =	vst v63  }
0x99: {  	_ =	swait.ge [sflag:s3], $0x80  }
0x9a: {  	[sflag:s3] =	ssyncset.done $0x0  }
0x9b: {  	[sflag:s3] =	ssyncadd.s32 $0xFFFFFF80  }
0x9c: {  	[tilespmem:s6], [sflag:$0x2] =	stream.indirect.gather [hbm4b:s5+s12], $0x80, s29, s12, $0xb8;
	[tilespmem:$0x14880] =	vst v63  }
0x9d: {  	_ = 	snop  }
0x9e: {  	[tilespmem:s11], [sflag:$0x1] =	stream.indirect.gather [hbm4b:s5+s12], $0x80, s2, s12, $0xb8;
	[tilespmem:$0x14880] =	vst v63  }
0x9f: {  	_ = 	snop  }
0xa0: {  	[tilespmem:s15], [sflag:$0x1] =	stream.indirect.gather [hbm4b:s5+s12], $0x80, s12, s12, $0xb8;
	[tilespmem:$0x14880] =	vst v63  }
0xa1: {  	_ = 	snop  }
0xa2: {  	[tilespmem:s9], [sflag:$0x1] =	stream.indirect.gather [hbm4b:s5+s12], $0x80, s30, s12, $0xb8;
	[tilespmem:$0x14880] =	vst v63  }
0xa3: {  	_ = 	snop  }
0xa4: {  	[tilespmem:s14], [sflag:$0x1] =	stream.indirect.gather [hbm4b:s5+s12], $0x80, s31, s12, $0xb8;
	[tilespmem:$0x14880] =	vst v63  }
0xa5: {  	_ =	swait.ge [sflag:s10], $0x4000  }
0xa6: {  	[sflag:s10] =	ssyncset.done $0x0  }
0xa7: {  	[sflag:s10] =	ssyncadd.s32 $0xFFFFC000  }
0xa8: {  	_ =	swait.ge [sflag:s10], $0x4000  }
0xa9: {  	[sflag:s10] =	ssyncset.done $0x0  }
0xaa: {  	s1 =	rddreg [dreg:$0x5];
	[sflag:s10] =	ssyncadd.s32 $0xFFFFC000  }
0xab: {  	[hbm4b:s1+s2] =	stream.linear.scatter [tilespmem:s11], [sflag:$0x3], $0x8000, $0x38;
	[tilespmem:$0x14880] =	vst v63  }
0xac: {  	_ =	swait.ge [sflag:s3], $0x8000  }
0xad: {  	[sflag:s3] =	ssyncset.done $0x0  }
0xae: {  	[sflag:s3] =	ssyncadd.s32 $0xFFFF8000  }
0xaf: {  	[tilespmem:s11], [sflag:$0x1] =	stream.indirect.gather [hbm4b:s5+s12], $0x80, s26, s12, $0xb8;
	[tilespmem:$0x14880] =	vst v63  }
0xb0: {  	_ = 	snop  }
0xb1: {  	[tilespmem:s15], [sflag:$0x1] =	stream.indirect.gather [hbm4b:s5+s12], $0x80, s28, s12, $0xb8;
	[tilespmem:$0x14880] =	vst v63  }
0xb2: {  	_ =	swait.ge [sflag:s10], $0x4000  }
0xb3: {  	[sflag:s10] =	ssyncset.done $0x0  }
0xb4: {  	[sflag:s10] =	ssyncadd.s32 $0xFFFFC000  }
0xb5: {  	_ =	swait.ge [sflag:s10], $0x4000  }
0xb6: {  	[sflag:s10] =	ssyncset.done $0x0  }
0xb7: {  	s1 =	rddreg [dreg:$0x6];
	[sflag:s10] =	ssyncadd.s32 $0xFFFFC000  }
0xb8: {  	[hbm4b:s1+s2] =	stream.linear.scatter [tilespmem:s9], [sflag:$0x3], $0x8000, $0x38;
	[tilespmem:$0x14880] =	vst v63  }
0xb9: {  	_ =	swait.ge [sflag:s3], $0x8000  }
0xba: {  	[sflag:s3] =	ssyncset.done $0x0  }
0xbb: {  	[sflag:s3] =	ssyncadd.s32 $0xFFFF8000  }
0xbc: {  	[tilespmem:s9], [sflag:$0x1] =	stream.indirect.gather [hbm4b:s5+s12], $0x80, s24, s12, $0xb8;
	[tilespmem:$0x14880] =	vst v63  }
0xbd: {  	_ = 	snop  }
0xbe: {  	[tilespmem:s14], [sflag:$0x1] =	stream.indirect.gather [hbm4b:s5+s12], $0x80, s25, s12, $0xb8;
	[tilespmem:$0x14880] =	vst v63  }
0xbf: {  	_ =	swait.ge [sflag:s10], $0x4000  }
0xc0: {  	[sflag:s10] =	ssyncset.done $0x0  }
0xc1: {  	[sflag:s10] =	ssyncadd.s32 $0xFFFFC000  }
0xc2: {  	_ =	swait.ge [sflag:s10], $0x4000  }
0xc3: {  	[sflag:s10] =	ssyncset.done $0x0  }
0xc4: {  	s1 =	rddreg [dreg:$0x7];
	[sflag:s10] =	ssyncadd.s32 $0xFFFFC000  }
0xc5: {  	[hbm4b:s1+s2] =	stream.linear.scatter [tilespmem:s11], [sflag:$0x3], $0x8000, $0x38;
	[tilespmem:$0x14880] =	vst v63  }
0xc6: {  	_ =	swait.ge [sflag:s3], $0x8000  }
0xc7: {  	[sflag:s3] =	ssyncset.done $0x0  }
0xc8: {  	[sflag:s3] =	ssyncadd.s32 $0xFFFF8000  }
0xc9: {  	[tilespmem:s11], [sflag:$0x1] =	stream.indirect.gather [hbm4b:s5+s12], $0x80, s22, s12, $0xb8;
	[tilespmem:$0x14880] =	vst v63  }
0xca: {  	_ = 	snop  }
0xcb: {  	[tilespmem:s15], [sflag:$0x1] =	stream.indirect.gather [hbm4b:s5+s12], $0x80, s23, s12, $0xb8;
	[tilespmem:$0x14880] =	vst v63  }
0xcc: {  	_ =	swait.ge [sflag:s10], $0x4000  }
0xcd: {  	[sflag:s10] =	ssyncset.done $0x0  }
0xce: {  	[sflag:s10] =	ssyncadd.s32 $0xFFFFC000  }
0xcf: {  	_ =	swait.ge [sflag:s10], $0x4000  }
0xd0: {  	[sflag:s10] =	ssyncset.done $0x0  }
0xd1: {  	s1 =	rddreg [dreg:$0x8];
	[sflag:s10] =	ssyncadd.s32 $0xFFFFC000  }
0xd2: {  	[hbm4b:s1+s2] =	stream.linear.scatter [tilespmem:s9], [sflag:$0x3], $0x8000, $0x38;
	[tilespmem:$0x14880] =	vst v63  }
0xd3: {  	_ =	swait.ge [sflag:s3], $0x8000  }
0xd4: {  	[sflag:s3] =	ssyncset.done $0x0  }
0xd5: {  	[sflag:s3] =	ssyncadd.s32 $0xFFFF8000  }
0xd6: {  	[tilespmem:s9], [sflag:$0x1] =	stream.indirect.gather [hbm4b:s5+s12], $0x80, s20, s12, $0xb8;
	[tilespmem:$0x14880] =	vst v63  }
0xd7: {  	_ = 	snop  }
0xd8: {  	[tilespmem:s14], [sflag:$0x1] =	stream.indirect.gather [hbm4b:s5+s12], $0x80, s21, s12, $0xb8;
	[tilespmem:$0x14880] =	vst v63  }
0xd9: {  	_ =	swait.ge [sflag:s10], $0x4000  }
0xda: {  	[sflag:s10] =	ssyncset.done $0x0  }
0xdb: {  	[sflag:s10] =	ssyncadd.s32 $0xFFFFC000  }
0xdc: {  	_ =	swait.ge [sflag:s10], $0x4000  }
0xdd: {  	[sflag:s10] =	ssyncset.done $0x0  }
0xde: {  	s1 =	rddreg [dreg:$0x9];
	[sflag:s10] =	ssyncadd.s32 $0xFFFFC000  }
0xdf: {  	[hbm4b:s1+s2] =	stream.linear.scatter [tilespmem:s11], [sflag:$0x3], $0x8000, $0x38;
	[tilespmem:$0x14880] =	vst v63  }
0xe0: {  	_ =	swait.ge [sflag:s3], $0x8000  }
0xe1: {  	[sflag:s3] =	ssyncset.done $0x0  }
0xe2: {  	[sflag:s3] =	ssyncadd.s32 $0xFFFF8000  }
0xe3: {  	[tilespmem:s11], [sflag:$0x1] =	stream.indirect.gather [hbm4b:s5+s12], $0x80, s18, s12, $0xb8;
	[tilespmem:$0x14880] =	vst v63  }
0xe4: {  	_ = 	snop  }
0xe5: {  	[tilespmem:s15], [sflag:$0x1] =	stream.indirect.gather [hbm4b:s5+s12], $0x80, s19, s12, $0xb8;
	[tilespmem:$0x14880] =	vst v63  }
0xe6: {  	_ =	swait.ge [sflag:s10], $0x4000  }
0xe7: {  	[sflag:s10] =	ssyncset.done $0x0  }
0xe8: {  	[sflag:s10] =	ssyncadd.s32 $0xFFFFC000  }
0xe9: {  	_ =	swait.ge [sflag:s10], $0x4000  }
0xea: {  	[sflag:s10] =	ssyncset.done $0x0  }
0xeb: {  	s1 =	rddreg [dreg:$0xa];
	[sflag:s10] =	ssyncadd.s32 $0xFFFFC000  }
0xec: {  	[hbm4b:s1+s2] =	stream.linear.scatter [tilespmem:s9], [sflag:$0x3], $0x8000, $0x38;
	[tilespmem:$0x14880] =	vst v63  }
0xed: {  	_ =	swait.ge [sflag:s3], $0x8000  }
0xee: {  	[sflag:s3] =	ssyncset.done $0x0  }
0xef: {  	[sflag:s3] =	ssyncadd.s32 $0xFFFF8000  }
0xf0: {  	[tilespmem:s9], [sflag:$0x1] =	stream.indirect.gather [hbm4b:s5+s12], $0x80, s16, s12, $0xb8;
	[tilespmem:$0x14880] =	vst v63  }
0xf1: {  	_ = 	snop  }
0xf2: {  	[tilespmem:s14], [sflag:$0x1] =	stream.indirect.gather [hbm4b:s5+s12], $0x80, s17, s12, $0xb8;
	[tilespmem:$0x14880] =	vst v63  }
0xf3: {  	_ =	swait.ge [sflag:s10], $0x4000  }
0xf4: {  	[sflag:s10] =	ssyncset.done $0x0  }
0xf5: {  	[sflag:s10] =	ssyncadd.s32 $0xFFFFC000  }
0xf6: {  	_ =	swait.ge [sflag:s10], $0x4000  }
0xf7: {  	[sflag:s10] =	ssyncset.done $0x0  }
0xf8: {  	[sflag:s10] =	ssyncadd.s32 $0xFFFFC000  }
0xf9: {  	[hbm4b:s8+s2] =	stream.linear.scatter [tilespmem:s11], [sflag:$0x3], $0x8000, $0x38;
	[tilespmem:$0x14880] =	vst v63  }
0xfa: {  	_ =	swait.ge [sflag:s3], $0x8000  }
0xfb: {  	[sflag:s3] =	ssyncset.done $0x0  }
0xfc: {  	[sflag:s3] =	ssyncadd.s32 $0xFFFF8000  }
0xfd: {  	_ =	swait.ge [sflag:s10], $0x4000  }
0xfe: {  	[sflag:s10] =	ssyncset.done $0x0  }
0xff: {  	[sflag:s10] =	ssyncadd.s32 $0xFFFFC000  }
0x100: {  	_ =	swait.ge [sflag:s10], $0x4000  }
0x101: {  	[sflag:s10] =	ssyncset.done $0x0  }
0x102: {  	[sflag:s10] =	ssyncadd.s32 $0xFFFFC000  }
0x103: {  	[hbm4b:s7+s2] =	stream.linear.scatter [tilespmem:s9], [sflag:$0x3], $0x8000, $0x38;
	[tilespmem:$0x14880] =	vst v63  }
0x104: {  	_ =	swait.ge [sflag:s3], $0x8000  }
0x105: {  	[sflag:s3] =	ssyncset.done $0x0  }
0x106: {  	[sflag:s3] =	ssyncadd.s32 $0xFFFF8000  }
0x107: {  	p1 =	sne.s32 s0, $0x1;
	_ =	swait.ge [sflag:s13], $0x4000  }
.Ltmp2:
0x108: {  	[sflag:s13] =	ssyncset.done $0x0;
	(pc) =	sbr.rel @p1 .LBB2_2-.Ltmp2, $4  }
0x109: {  	[sflag:s13] =	ssyncadd.s32 $0xFFFFC000  }
0x10a: {  	[hbm4b:s4+s2] =	stream.linear.scatter [tilespmem:s6], [sflag:$0x3], $0x4000, $0x38;
	[tilespmem:$0x14880] =	vst v63  }
0x10b: {  	_ =	swait.ge [sflag:s3], $0x4000  }
0x10c: {  	s0 =	sadd.s32 $0xFFFFFFFF, s0;
	s1 =	rddreg [dreg:$0x3];
	[sflag:s3] =	ssyncset.done $0x0  }
.LBB2_3:
0x10d: {  	[sflag:s3] =	ssyncadd.s32 @p0 $0xFFFFC000  }
0x10e: {  	[tilespmem:s2], [sflag:$0x3] =	stream.linear.gather [hbm4b:s1+s2], $0x800, $0x38;
	[tilespmem:$0x14880] =	vst v63  }
0x10f: {  	_ =	swait.ge [sflag:s3], $0x800  }
0x110: {  	[sflag:s3] =	ssyncset.done $0x0  }
0x111: {  	s0 =	rddreg [dreg:$0x4];
	[sflag:s3] =	ssyncadd.s32 $0xFFFFF800  }
0x112: {  	[tilespmem:s29], [sflag:$0x3] =	stream.linear.gather [hbm4b:s0+s2], $0x80, $0x38;
	[tilespmem:$0x14880] =	vst v63  }
0x113: {  	_ =	swait.ge [sflag:s3], $0x80  }
0x114: {  	[sflag:s3] =	ssyncset.done $0x0  }
0x115: {  	[sflag:s3] =	ssyncadd.s32 $0xFFFFFF80  }
0x116: {  	[tilespmem:s6], [sflag:$0x2] =	stream.indirect.gather [hbm4b:s5+s12], $0x80, s29, s12, $0xb8;
	[tilespmem:$0x14880] =	vst v63  }
0x117: {  	_ = 	snop  }
0x118: {  	[tilespmem:s11], [sflag:$0x1] =	stream.indirect.gather [hbm4b:s5+s12], $0x80, s2, s12, $0xb8;
	[tilespmem:$0x14880] =	vst v63  }
0x119: {  	_ = 	snop  }
0x11a: {  	[tilespmem:s15], [sflag:$0x1] =	stream.indirect.gather [hbm4b:s5+s12], $0x80, s12, s12, $0xb8;
	[tilespmem:$0x14880] =	vst v63  }
0x11b: {  	_ = 	snop  }
0x11c: {  	[tilespmem:s9], [sflag:$0x1] =	stream.indirect.gather [hbm4b:s5+s12], $0x80, s30, s12, $0xb8;
	[tilespmem:$0x14880] =	vst v63  }
0x11d: {  	_ = 	snop  }
0x11e: {  	[tilespmem:s14], [sflag:$0x1] =	stream.indirect.gather [hbm4b:s5+s12], $0x80, s31, s12, $0xb8;
	[tilespmem:$0x14880] =	vst v63  }
0x11f: {  	_ =	swait.ge [sflag:s10], $0x4000  }
0x120: {  	[sflag:s10] =	ssyncset.done $0x0  }
0x121: {  	[sflag:s10] =	ssyncadd.s32 $0xFFFFC000  }
0x122: {  	_ =	swait.ge [sflag:s10], $0x4000  }
0x123: {  	[sflag:s10] =	ssyncset.done $0x0  }
0x124: {  	s31 =	rddreg [dreg:$0x5];
	[sflag:s10] =	ssyncadd.s32 $0xFFFFC000  }
0x125: {  	[hbm4b:s31+s2] =	stream.linear.scatter [tilespmem:s11], [sflag:$0x3], $0x8000, $0x38;
	[tilespmem:$0x14880] =	vst v63  }
0x126: {  	_ =	swait.ge [sflag:s3], $0x8000  }
0x127: {  	[sflag:s3] =	ssyncset.done $0x0  }
0x128: {  	[sflag:s3] =	ssyncadd.s32 $0xFFFF8000  }
0x129: {  	[tilespmem:s11], [sflag:$0x1] =	stream.indirect.gather [hbm4b:s5+s12], $0x80, s26, s12, $0xb8;
	[tilespmem:$0x14880] =	vst v63  }
0x12a: {  	_ = 	snop  }
0x12b: {  	[tilespmem:s15], [sflag:$0x1] =	stream.indirect.gather [hbm4b:s5+s12], $0x80, s28, s12, $0xb8;
	[tilespmem:$0x14880] =	vst v63  }
0x12c: {  	_ =	swait.ge [sflag:s10], $0x4000  }
0x12d: {  	[sflag:s10] =	ssyncset.done $0x0  }
0x12e: {  	[sflag:s10] =	ssyncadd.s32 $0xFFFFC000  }
0x12f: {  	_ =	swait.ge [sflag:s10], $0x4000  }
0x130: {  	[sflag:s10] =	ssyncset.done $0x0  }
0x131: {  	s1 =	rddreg [dreg:$0x6];
	[sflag:s10] =	ssyncadd.s32 $0xFFFFC000  }
0x132: {  	[hbm4b:s1+s2] =	stream.linear.scatter [tilespmem:s9], [sflag:$0x3], $0x8000, $0x38;
	[tilespmem:$0x14880] =	vst v63  }
0x133: {  	_ =	swait.ge [sflag:s3], $0x8000  }
0x134: {  	[sflag:s3] =	ssyncset.done $0x0  }
0x135: {  	[sflag:s3] =	ssyncadd.s32 $0xFFFF8000  }
0x136: {  	[tilespmem:s9], [sflag:$0x1] =	stream.indirect.gather [hbm4b:s5+s12], $0x80, s24, s12, $0xb8;
	[tilespmem:$0x14880] =	vst v63  }
0x137: {  	_ = 	snop  }
0x138: {  	[tilespmem:s14], [sflag:$0x1] =	stream.indirect.gather [hbm4b:s5+s12], $0x80, s25, s12, $0xb8;
	[tilespmem:$0x14880] =	vst v63  }
0x139: {  	_ =	swait.ge [sflag:s10], $0x4000  }
0x13a: {  	[sflag:s10] =	ssyncset.done $0x0  }
0x13b: {  	[sflag:s10] =	ssyncadd.s32 $0xFFFFC000  }
0x13c: {  	_ =	swait.ge [sflag:s10], $0x4000  }
0x13d: {  	[sflag:s10] =	ssyncset.done $0x0  }
0x13e: {  	s26 =	rddreg [dreg:$0x7];
	[sflag:s10] =	ssyncadd.s32 $0xFFFFC000  }
0x13f: {  	[hbm4b:s26+s2] =	stream.linear.scatter [tilespmem:s11], [sflag:$0x3], $0x8000, $0x38;
	[tilespmem:$0x14880] =	vst v63  }
0x140: {  	_ =	swait.ge [sflag:s3], $0x8000  }
0x141: {  	[sflag:s3] =	ssyncset.done $0x0  }
0x142: {  	[sflag:s3] =	ssyncadd.s32 $0xFFFF8000  }
0x143: {  	[tilespmem:s11], [sflag:$0x1] =	stream.indirect.gather [hbm4b:s5+s12], $0x80, s22, s12, $0xb8;
	[tilespmem:$0x14880] =	vst v63  }
0x144: {  	_ = 	snop  }
0x145: {  	[tilespmem:s15], [sflag:$0x1] =	stream.indirect.gather [hbm4b:s5+s12], $0x80, s23, s12, $0xb8;
	[tilespmem:$0x14880] =	vst v63  }
0x146: {  	_ =	swait.ge [sflag:s10], $0x4000  }
0x147: {  	[sflag:s10] =	ssyncset.done $0x0  }
0x148: {  	[sflag:s10] =	ssyncadd.s32 $0xFFFFC000  }
0x149: {  	_ =	swait.ge [sflag:s10], $0x4000  }
0x14a: {  	[sflag:s10] =	ssyncset.done $0x0  }
0x14b: {  	s28 =	rddreg [dreg:$0x8];
	[sflag:s10] =	ssyncadd.s32 $0xFFFFC000  }
0x14c: {  	[hbm4b:s28+s2] =	stream.linear.scatter [tilespmem:s9], [sflag:$0x3], $0x8000, $0x38;
	[tilespmem:$0x14880] =	vst v63  }
0x14d: {  	_ =	swait.ge [sflag:s3], $0x8000  }
0x14e: {  	[sflag:s3] =	ssyncset.done $0x0  }
0x14f: {  	[sflag:s3] =	ssyncadd.s32 $0xFFFF8000  }
0x150: {  	[tilespmem:s9], [sflag:$0x1] =	stream.indirect.gather [hbm4b:s5+s12], $0x80, s20, s12, $0xb8;
	[tilespmem:$0x14880] =	vst v63  }
0x151: {  	_ = 	snop  }
0x152: {  	[tilespmem:s14], [sflag:$0x1] =	stream.indirect.gather [hbm4b:s5+s12], $0x80, s21, s12, $0xb8;
	[tilespmem:$0x14880] =	vst v63  }
0x153: {  	_ =	swait.ge [sflag:s10], $0x4000  }
0x154: {  	[sflag:s10] =	ssyncset.done $0x0  }
0x155: {  	[sflag:s10] =	ssyncadd.s32 $0xFFFFC000  }
0x156: {  	_ =	swait.ge [sflag:s10], $0x4000  }
0x157: {  	[sflag:s10] =	ssyncset.done $0x0  }
0x158: {  	s29 =	rddreg [dreg:$0x9];
	[sflag:s10] =	ssyncadd.s32 $0xFFFFC000  }
0x159: {  	[hbm4b:s29+s2] =	stream.linear.scatter [tilespmem:s11], [sflag:$0x3], $0x8000, $0x38;
	[tilespmem:$0x14880] =	vst v63  }
0x15a: {  	_ =	swait.ge [sflag:s3], $0x8000  }
0x15b: {  	[sflag:s3] =	ssyncset.done $0x0  }
0x15c: {  	[sflag:s3] =	ssyncadd.s32 $0xFFFF8000  }
0x15d: {  	[tilespmem:s11], [sflag:$0x1] =	stream.indirect.gather [hbm4b:s5+s12], $0x80, s18, s12, $0xb8;
	[tilespmem:$0x14880] =	vst v63  }
0x15e: {  	_ = 	snop  }
0x15f: {  	[tilespmem:s15], [sflag:$0x1] =	stream.indirect.gather [hbm4b:s5+s12], $0x80, s19, s12, $0xb8;
	[tilespmem:$0x14880] =	vst v63  }
0x160: {  	_ =	swait.ge [sflag:s10], $0x4000  }
0x161: {  	[sflag:s10] =	ssyncset.done $0x0  }
0x162: {  	[sflag:s10] =	ssyncadd.s32 $0xFFFFC000  }
0x163: {  	_ =	swait.ge [sflag:s10], $0x4000  }
0x164: {  	[sflag:s10] =	ssyncset.done $0x0  }
0x165: {  	s30 =	rddreg [dreg:$0xa];
	[sflag:s10] =	ssyncadd.s32 $0xFFFFC000  }
0x166: {  	[hbm4b:s30+s2] =	stream.linear.scatter [tilespmem:s9], [sflag:$0x3], $0x8000, $0x38;
	[tilespmem:$0x14880] =	vst v63  }
0x167: {  	_ =	swait.ge [sflag:s3], $0x8000  }
0x168: {  	[sflag:s3] =	ssyncset.done $0x0  }
0x169: {  	[sflag:s3] =	ssyncadd.s32 $0xFFFF8000  }
0x16a: {  	[tilespmem:s9], [sflag:$0x1] =	stream.indirect.gather [hbm4b:s5+s12], $0x80, s16, s12, $0xb8;
	[tilespmem:$0x14880] =	vst v63  }
0x16b: {  	_ = 	snop  }
0x16c: {  	[tilespmem:s14], [sflag:$0x1] =	stream.indirect.gather [hbm4b:s5+s12], $0x80, s17, s12, $0xb8;
	[tilespmem:$0x14880] =	vst v63  }
0x16d: {  	_ =	swait.ge [sflag:s10], $0x4000  }
0x16e: {  	[sflag:s10] =	ssyncset.done $0x0  }
0x16f: {  	[sflag:s10] =	ssyncadd.s32 $0xFFFFC000  }
0x170: {  	_ =	swait.ge [sflag:s10], $0x4000  }
0x171: {  	[sflag:s10] =	ssyncset.done $0x0  }
0x172: {  	[sflag:s10] =	ssyncadd.s32 $0xFFFFC000  }
0x173: {  	[hbm4b:s8+s2] =	stream.linear.scatter [tilespmem:s11], [sflag:$0x3], $0x8000, $0x38;
	[tilespmem:$0x14880] =	vst v63  }
0x174: {  	_ =	swait.ge [sflag:s3], $0x8000  }
0x175: {  	[sflag:s3] =	ssyncset.done $0x0  }
0x176: {  	[sflag:s3] =	ssyncadd.s32 $0xFFFF8000  }
0x177: {  	_ =	swait.ge [sflag:s10], $0x4000  }
0x178: {  	[sflag:s10] =	ssyncset.done $0x0  }
0x179: {  	[sflag:s10] =	ssyncadd.s32 $0xFFFFC000  }
0x17a: {  	_ =	swait.ge [sflag:s10], $0x4000  }
0x17b: {  	[sflag:s10] =	ssyncset.done $0x0  }
0x17c: {  	[sflag:s10] =	ssyncadd.s32 $0xFFFFC000  }
0x17d: {  	[hbm4b:s7+s2] =	stream.linear.scatter [tilespmem:s9], [sflag:$0x3], $0x8000, $0x38;
	[tilespmem:$0x14880] =	vst v63  }
0x17e: {  	_ =	swait.ge [sflag:s3], $0x8000  }
0x17f: {  	[sflag:s3] =	ssyncset.done $0x0  }
0x180: {  	[sflag:s3] =	ssyncadd.s32 $0xFFFF8000  }
0x181: {  	_ =	swait.ge [sflag:s13], $0x4000  }
0x182: {  	[sflag:s13] =	ssyncset.done $0x0  }
0x183: {  	[sflag:s13] =	ssyncadd.s32 $0xFFFFC000  }
0x184: {  	[hbm4b:s4+s2] =	stream.linear.scatter [tilespmem:s6], [sflag:$0x3], $0x4000, $0x38;
	[tilespmem:$0x14880] =	vst v63  }
0x185: {  	_ =	swait.ge [sflag:s3], $0x4000  }
0x186: {  	[sflag:s3] =	ssyncset.done $0x0  }
0x187: {  	[sflag:s3] =	ssyncadd.s32 $0xFFFFC000  }
0x188: {  	_ =	sfence.sel $0x180000  }
0x189: {  	[bflag:$0x0] =	sbarrier.arrive $0xFFFF  }
0x18a: {  	_ =	strace $0x90000047  }
0x18b: {  	s31 =	stileid.u32;
	[bflag:$0x2] =	sbarrier.arrive $0xFFFF  }
0x18c: {  	p0 =	sne.s32 s31, $0x0;
	s0 =	rddreg [dreg:$0x2]  }
0x18d: {  	s0 =	sadd.s32 @!p0 $0x100000, s0  }
0x18e: {  	[sflag:s0] =	ssyncadd.tile.s32 @!p0 $0x1;
	_ =	shalt  }
.Lfunc_end2:
_tile_overlayer_lowered:
.L_overlay_start_2:
0x18f: {  	(tag) =	ssettag $0x2  }
0x190: {  	s0 =	rddreg [dreg:$0x0];
	s2 =	stileid.u32  }
0x191: {  	s1 =	rddreg [dreg:$0x1];
	p0 =	sne.s32 s2, $0x0  }
0x192: {  	s3 =	rddreg [dreg:$0x2];
	[bflag:$0x3] =	sbarrier.arrive $0xFFFF;
	s2 =	simm.s32 @!p0 $0x1C03  }
0x193: {  	[timem:s3], [sflag:s2] =	dma.local @!p0 [hbm:s0], s1  }
0x194: {  	s0 =	simm.s32 @!p0 $0x3  }
0x195: {  	_ =	swait.ge @!p0 [sflag:s0], s1  }
0x196: {  	s1 =	ssub.s32 @!p0 $0x0, s1;
	[sflag:s0] =	ssyncset.done @!p0 $0x0  }
0x197: {  	[sflag:s0] =	ssyncadd.s32 @!p0 s1  }
0x198: {  	[bflag:$0x3] =	sbarrier.arrive $0xFFFF  }
0x199: {  	_ =	shalt  }

</sc_bundles>
